<compile_context>
chip_gen: v7x
topology: tpu7x:2x2x1
jax: 0.10.2.dev20260603
libtpu: 0.0.44.dev20260713+nightly
codegen_flags: <defaults>
</compile_context>

<pallas_src>
import functools

import jax
import jax.numpy as jnp
from jax import lax
from jax.experimental import pallas as pl
from jax.experimental.pallas import tpu as pltpu
from jax.experimental.pallas import tpu_sc as plsc

D = 64
L = 16
NC = 2
NS = 16
NW = NC * NS


def _rsqrt_newton(a):
    ai = lax.bitcast_convert_type(a, jnp.int32)
    yi = jnp.int32(0x5F3759DF) - (ai >> 1)
    y = lax.bitcast_convert_type(yi, jnp.float32)
    for _ in range(3):
        y = y * (1.5 - 0.5 * a * y * y)
    return y


def _make_sc_kernel(bsz, seq):
    ch = seq
    splits = [(0, min(ch, 128))]
    if ch > 128:
        splits.append((128, ch - 128))
    assert ch <= 256 and all(n <= 128 for _, n in splits)
    n_chunks = bsz // NW
    assert bsz % NW == 0 and n_chunks % 2 == 0 and n_chunks >= 4

    mesh = plsc.VectorSubcoreMesh(
        core_axis_name="c", subcore_axis_name="s", num_cores=NC, num_subcores=NS
    )

    @functools.partial(
        pl.kernel,
        out_type=jax.ShapeDtypeStruct((bsz, seq // 2, 2 * D), jnp.float32),
        mesh=mesh,
        compiler_params=pltpu.CompilerParams(
            needs_layout_passes=False, use_tc_tiling_on_sc=False
        ),
        scratch_types=[
            pltpu.VMEM((ch,), jnp.int32),
            pltpu.VMEM((ch,), jnp.int32),
            pltpu.VMEM((ch,), jnp.int32),
            pltpu.VMEM((ch,), jnp.int32),
            pltpu.VMEM((ch, D), jnp.float32),
            pltpu.VMEM((ch, D), jnp.float32),
            pltpu.VMEM((ch, D), jnp.float32),
            pltpu.VMEM((ch, D), jnp.float32),
            pltpu.VMEM((ch // 2, 2 * D), jnp.float32),
            pltpu.VMEM((ch // 2, 2 * D), jnp.float32),
            pltpu.VMEM((D,), jnp.float32),
            pltpu.VMEM((D,), jnp.float32),
            pltpu.SemaphoreType.DMA,
            pltpu.SemaphoreType.DMA,
            pltpu.SemaphoreType.DMA,
            pltpu.SemaphoreType.DMA,
            pltpu.SemaphoreType.DMA,
            pltpu.SemaphoreType.DMA,
        ],
    )
    def sc_kernel(
        idx_t_hbm,
        idx_v_hbm,
        table_hbm,
        w_hbm,
        b_hbm,
        out_hbm,
        idxt0,
        idxt1,
        idxv0,
        idxv1,
        rt0,
        rt1,
        rv0,
        rv1,
        ob0,
        ob1,
        w_b,
        b_b,
        gsem0,
        gsem1,
        isem0,
        isem1,
        osem0,
        osem1,
    ):
        wid = lax.axis_index("s") * NC + lax.axis_index("c")
        row0 = wid * n_chunks
        base0 = row0 * ch

        pltpu.sync_copy(w_hbm, w_b)
        pltpu.sync_copy(b_hbm, b_b)
        wv = [w_b[pl.ds(L * i, L)] for i in range(D // L)]
        bv = [b_b[pl.ds(L * i, L)] for i in range(D // L)]

        nb = D // L
        nq = 4

        def fire_gathers(ixt, ixv, rt, rv, gsem):
            for off, n in splits:
                sl = pl.ds(off, n)
                pltpu.async_copy(table_hbm.at[ixt.at[sl]], rt.at[sl], gsem)
                pltpu.async_copy(table_hbm.at[ixv.at[sl]], rv.at[sl], gsem)

        def wait_gathers(ixt, ixv, rt, rv, gsem):
            for off, n in splits:
                sl = pl.ds(off, n)
                pltpu.make_async_copy(table_hbm.at[ixt.at[sl]], rt.at[sl], gsem).wait()
                pltpu.make_async_copy(table_hbm.at[ixv.at[sl]], rv.at[sl], gsem).wait()

        def compute_chunk(rows_t, rows_v, out_b):
            def quad_body(q, carry):
                rows = [q * nq + k for k in range(nq)]
                ts = [
                    [rows_t[row, pl.ds(L * i, L)] for i in range(nb)] for row in rows
                ]
                vs = [
                    [rows_v[row, pl.ds(L * i, L)] for i in range(nb)] for row in rows
                ]
                xs = [[ts[k][i] + vs[k][i] for i in range(nb)] for k in range(nq)]
                ss = [(xs[k][0] + xs[k][1]) + (xs[k][2] + xs[k][3]) for k in range(nq)]
                qs = [
                    (xs[k][0] * xs[k][0] + xs[k][1] * xs[k][1])
                    + (xs[k][2] * xs[k][2] + xs[k][3] * xs[k][3])
                    for k in range(nq)
                ]
                css = [plsc.cumsum(ss[k]) for k in range(nq)]
                cqs = [plsc.cumsum(qs[k]) for k in range(nq)]
                means = [css[k][L - 1] * (1.0 / D) for k in range(nq)]
                vars_ = [
                    cqs[k][L - 1] * (1.0 / D) - means[k] * means[k] for k in range(nq)
                ]
                rss = [_rsqrt_newton(vars_[k] + 1e-12) for k in range(nq)]
                mus = [means[k] * rss[k] for k in range(nq)]
                ys = [
                    [xs[k][i] * rss[k] - mus[k] for i in range(nb)] for k in range(nq)
                ]
                os_ = [[ys[k][i] * wv[i] + bv[i] for i in range(nb)] for k in range(nq)]
                for k in range(nq):
                    for i in range(nb):
                        out_b[q * 2 + k // 2, pl.ds((k % 2) * D + L * i, L)] = os_[k][i]
                return carry

            lax.fori_loop(0, ch // nq, quad_body, 0)

        slots = (
            (idxt0, idxv0, rt0, rv0, ob0, gsem0, isem0, osem0),
            (idxt1, idxv1, rt1, rv1, ob1, gsem1, isem1, osem1),
        )

        for b in range(2):
            ixt, ixv, rt, rv = slots[b][0], slots[b][1], slots[b][2], slots[b][3]
            gsem = slots[b][5]
            pltpu.sync_copy(idx_t_hbm.at[pl.ds(base0 + b * ch, ch)], ixt)
            pltpu.sync_copy(idx_v_hbm.at[pl.ds(base0 + b * ch, ch)], ixv)
            fire_gathers(ixt, ixv, rt, rv, gsem)

        def pair_body(p, carry):
            not_last = p < (n_chunks // 2 - 1)
            not_first = p > 0
            for b in range(2):
                ixt, ixv, rt, rv, ob, gsem, isem, osem = slots[b]
                c = 2 * p + b
                brow = row0 + c
                nxt = base0 + (c + 2) * ch
                wait_gathers(ixt, ixv, rt, rv, gsem)

                @pl.when(not_last)
                def _():
                    pltpu.async_copy(idx_t_hbm.at[pl.ds(nxt, ch)], ixt, isem)
                    pltpu.async_copy(idx_v_hbm.at[pl.ds(nxt, ch)], ixv, isem)

                @pl.when(not_first)
                def _():
                    pltpu.make_async_copy(ob, out_hbm.at[brow], osem).wait()

                compute_chunk(rt, rv, ob)
                pltpu.async_copy(ob, out_hbm.at[brow], osem)

                @pl.when(not_last)
                def _():
                    pltpu.make_async_copy(idx_t_hbm.at[pl.ds(nxt, ch)], ixt, isem).wait()
                    pltpu.make_async_copy(idx_v_hbm.at[pl.ds(nxt, ch)], ixv, isem).wait()
                    fire_gathers(ixt, ixv, rt, rv, gsem)

            return carry

        lax.fori_loop(0, n_chunks // 2, pair_body, 0)

        for b in range(2):
            ob, osem = slots[b][4], slots[b][7]
            pltpu.make_async_copy(
                ob, out_hbm.at[row0 + n_chunks - 2 + b], osem
            ).wait()

    return sc_kernel


def kernel(type_indexes, value_indexes, is_padding, embedding_table, ln_weight, ln_bias):
    bsz, seq = type_indexes.shape
    sc_k = _make_sc_kernel(bsz, seq)
    out = sc_k(
        type_indexes.reshape(bsz * seq),
        value_indexes.reshape(bsz * seq),
        embedding_table,
        ln_weight,
        ln_bias,
    )
    return out.reshape(bsz, seq, D), is_padding

# --- scband reference (transcript-rebuilt; emitter-appended) ---
"""Pipeline reference for scband-snpembedder-10892037062827 (READ-ONLY COPY).

The authoritative reference and input builder live on the scoring server;
editing this copy changes nothing except your own understanding.
"""

import jax, jax.numpy as jnp
import numpy as np

D_MODEL = 64
VOCAB = 100000
B = 1024
S = 200
EPS = 1e-12


def setup_inputs(seed: int = 0) -> dict:
    key = jax.random.key(seed)
    k1, k2, k3 = jax.random.split(key, 3)
    type_indexes = jax.random.randint(k1, (B, S), 0, VOCAB, dtype=jnp.int32)
    value_indexes = jax.random.randint(k2, (B, S), 0, VOCAB, dtype=jnp.int32)
    is_padding = jnp.zeros((B, S), dtype=jnp.bool_)
    # learned params: shared embedding table (vocab_size x d_model), LayerNorm affine params
    embedding_table = jax.random.normal(k3, (VOCAB, D_MODEL), dtype=jnp.float32) * 0.02
    ln_weight = jnp.ones((D_MODEL,), dtype=jnp.float32)
    ln_bias = jnp.zeros((D_MODEL,), dtype=jnp.float32)
    return {
        "type_indexes": type_indexes,
        "value_indexes": value_indexes,
        "is_padding": is_padding,
        "embedding_table": embedding_table,
        "ln_weight": ln_weight,
        "ln_bias": ln_bias,
    }


def reference(type_indexes, value_indexes, is_padding, embedding_table, ln_weight, ln_bias):
    # embeddings = zeros + emb(type) + emb(value)  (shared table, as in the torch module)
    emb = jnp.take(embedding_table, type_indexes, axis=0) + jnp.take(embedding_table, value_indexes, axis=0)
    # LayerNorm over last dim, eps=1e-12
    mean = jnp.mean(emb, axis=-1, keepdims=True)
    var = jnp.mean((emb - mean) ** 2, axis=-1, keepdims=True)
    normed = (emb - mean) / jnp.sqrt(var + EPS) * ln_weight + ln_bias
    # dropout_prob = 0.0 -> identity (eval mode)
    return normed, is_padding

if __name__ == "__main__":
    import jax
    _d = setup_inputs()
    print(jax.jit(kernel)(*tuple(_d.values())))

</pallas_src>

<mosaic_0001>
#map = affine_map<(d0, d1) -> (0)>
#map1 = affine_map<(d0, d1) -> (0, 0)>
#map2 = affine_map<(d0, d1) -> (0, 0, 0)>
module attributes {stable_mosaic.version = 14 : i64} {
  func.func @sc_kernel(%arg0: i32, %arg1: i32, %arg2: memref<204800xi32, #tpu.memory_space<hbm>>, %arg3: memref<204800xi32, #tpu.memory_space<hbm>>, %arg4: memref<100000x64xf32, #tpu.memory_space<hbm>>, %arg5: memref<64xf32, #tpu.memory_space<hbm>>, %arg6: memref<64xf32, #tpu.memory_space<hbm>>, %arg7: memref<1024x100x128xf32, #tpu.memory_space<hbm>>, %arg8: memref<200xi32, #tpu.memory_space<vmem>>, %arg9: memref<200xi32, #tpu.memory_space<vmem>>, %arg10: memref<200xi32, #tpu.memory_space<vmem>>, %arg11: memref<200xi32, #tpu.memory_space<vmem>>, %arg12: memref<200x64xf32, #tpu.memory_space<vmem>>, %arg13: memref<200x64xf32, #tpu.memory_space<vmem>>, %arg14: memref<200x64xf32, #tpu.memory_space<vmem>>, %arg15: memref<200x64xf32, #tpu.memory_space<vmem>>, %arg16: memref<100x128xf32, #tpu.memory_space<vmem>>, %arg17: memref<100x128xf32, #tpu.memory_space<vmem>>, %arg18: memref<64xf32, #tpu.memory_space<vmem>>, %arg19: memref<64xf32, #tpu.memory_space<vmem>>, %arg20: memref<!tpu.dma_semaphore, #tpu.memory_space<semaphore_mem>>, %arg21: memref<!tpu.dma_semaphore, #tpu.memory_space<semaphore_mem>>, %arg22: memref<!tpu.dma_semaphore, #tpu.memory_space<semaphore_mem>>, %arg23: memref<!tpu.dma_semaphore, #tpu.memory_space<semaphore_mem>>, %arg24: memref<!tpu.dma_semaphore, #tpu.memory_space<semaphore_mem>>, %arg25: memref<!tpu.dma_semaphore, #tpu.memory_space<semaphore_mem>>) attributes {dimension_semantics = [#tpu.dimension_semantics<core_parallel>, #tpu.dimension_semantics<subcore_parallel>], iteration_bounds = array<i64: 2, 16>, scalar_prefetch = 0 : i64, scratch_operands = 18 : i64, tpu.core_type = #tpu.core_type<sc_vector_subcore>, window_params = [{transform_indices = #map}, {transform_indices = #map}, {transform_indices = #map1}, {transform_indices = #map}, {transform_indices = #map}, {transform_indices = #map2}]} {
    %mul3A = arith.constant 2 : i32
    %mul3A_0 = arith.muli %arg1, %mul3A : i32
    %add3A = arith.addi %mul3A_0, %arg0 : i32
    %mul3A_1 = arith.constant 32 : i32
    %mul3A_2 = arith.muli %add3A, %mul3A_1 : i32
    %mul3A_3 = arith.constant 200 : i32
    %mul3A_4 = arith.muli %mul3A_2, %mul3A_3 : i32
    "tpu.region"() ({
      %run_scoped3A = tpu.sem_alloc : memref<!tpu.dma_semaphore, #tpu.memory_space<semaphore_mem>>
      tpu.enqueue_dma source(%arg5 : memref<64xf32, #tpu.memory_space<hbm>>) target(%arg18 : memref<64xf32, #tpu.memory_space<vmem>>) target_semaphore(%run_scoped3A : memref<!tpu.dma_semaphore, #tpu.memory_space<semaphore_mem>>)
      tpu.wait_dma2 semaphore(%run_scoped3A : memref<!tpu.dma_semaphore, #tpu.memory_space<semaphore_mem>>) src(%arg5 : memref<64xf32, #tpu.memory_space<hbm>>) dst(%arg18 : memref<64xf32, #tpu.memory_space<vmem>>)
      tpu.yield
    }) : () -> ()
    "tpu.region"() ({
      %run_scoped3A = tpu.sem_alloc : memref<!tpu.dma_semaphore, #tpu.memory_space<semaphore_mem>>
      tpu.enqueue_dma source(%arg6 : memref<64xf32, #tpu.memory_space<hbm>>) target(%arg19 : memref<64xf32, #tpu.memory_space<vmem>>) target_semaphore(%run_scoped3A : memref<!tpu.dma_semaphore, #tpu.memory_space<semaphore_mem>>)
      tpu.wait_dma2 semaphore(%run_scoped3A : memref<!tpu.dma_semaphore, #tpu.memory_space<semaphore_mem>>) src(%arg6 : memref<64xf32, #tpu.memory_space<hbm>>) dst(%arg19 : memref<64xf32, #tpu.memory_space<vmem>>)
      tpu.yield
    }) : () -> ()
    %get3A = arith.constant 0 : index
    %get3A_5 = tpu.vector_load %arg18[%get3A] {strides = array<i32>} : memref<64xf32, #tpu.memory_space<vmem>>, vector<16xf32>,
    %get3A_6 = arith.constant 16 : index
    %get3A_7 = tpu.vector_load %arg18[%get3A_6] {strides = array<i32>} : memref<64xf32, #tpu.memory_space<vmem>>, vector<16xf32>,
    %get3A_8 = arith.constant 32 : index
    %get3A_9 = tpu.vector_load %arg18[%get3A_8] {strides = array<i32>} : memref<64xf32, #tpu.memory_space<vmem>>, vector<16xf32>,
    %get3A_10 = arith.constant 48 : index
    %get3A_11 = tpu.vector_load %arg18[%get3A_10] {strides = array<i32>} : memref<64xf32, #tpu.memory_space<vmem>>, vector<16xf32>,
    %get3A_12 = arith.constant 0 : index
    %get3A_13 = tpu.vector_load %arg19[%get3A_12] {strides = array<i32>} : memref<64xf32, #tpu.memory_space<vmem>>, vector<16xf32>,
    %get3A_14 = arith.constant 16 : index
    %get3A_15 = tpu.vector_load %arg19[%get3A_14] {strides = array<i32>} : memref<64xf32, #tpu.memory_space<vmem>>, vector<16xf32>,
    %get3A_16 = arith.constant 32 : index
    %get3A_17 = tpu.vector_load %arg19[%get3A_16] {strides = array<i32>} : memref<64xf32, #tpu.memory_space<vmem>>, vector<16xf32>,
    %get3A_18 = arith.constant 48 : index
    %get3A_19 = tpu.vector_load %arg19[%get3A_18] {strides = array<i32>} : memref<64xf32, #tpu.memory_space<vmem>>, vector<16xf32>,
    %add3A_20 = arith.constant 0 : i32
    %add3A_21 = arith.addi %mul3A_4, %add3A_20 : i32
    "tpu.region"() ({
      %run_scoped3A = tpu.sem_alloc : memref<!tpu.dma_semaphore, #tpu.memory_space<semaphore_mem>>
      %dma_start3A_122 = tpu.memref_slice %arg2[%add3A_21] : memref<204800xi32, #tpu.memory_space<hbm>> -> memref<200xi32, #tpu.memory_space<hbm>>
      %dma_start3A_123 = tpu.memref_slice %arg2[%add3A_21] : memref<204800xi32, #tpu.memory_space<hbm>> -> memref<200xi32, #tpu.memory_space<hbm>>
      tpu.enqueue_dma source(%dma_start3A_123 : memref<200xi32, #tpu.memory_space<hbm>>) target(%arg8 : memref<200xi32, #tpu.memory_space<vmem>>) target_semaphore(%run_scoped3A : memref<!tpu.dma_semaphore, #tpu.memory_space<semaphore_mem>>)
      %dma_wait3A_124 = tpu.memref_slice %arg2[%add3A_21] : memref<204800xi32, #tpu.memory_space<hbm>> -> memref<200xi32, #tpu.memory_space<hbm>>
      %dma_wait3A_125 = tpu.memref_slice %arg2[%add3A_21] : memref<204800xi32, #tpu.memory_space<hbm>> -> memref<200xi32, #tpu.memory_space<hbm>>
      tpu.wait_dma2 semaphore(%run_scoped3A : memref<!tpu.dma_semaphore, #tpu.memory_space<semaphore_mem>>) src(%dma_wait3A_125 : memref<200xi32, #tpu.memory_space<hbm>>) dst(%arg8 : memref<200xi32, #tpu.memory_space<vmem>>)
      tpu.yield
    }) : () -> ()
    %add3A_22 = arith.constant 0 : i32
    %add3A_23 = arith.addi %mul3A_4, %add3A_22 : i32
    "tpu.region"() ({
      %run_scoped3A = tpu.sem_alloc : memref<!tpu.dma_semaphore, #tpu.memory_space<semaphore_mem>>
      %dma_start3A_122 = tpu.memref_slice %arg3[%add3A_23] : memref<204800xi32, #tpu.memory_space<hbm>> -> memref<200xi32, #tpu.memory_space<hbm>>
      %dma_start3A_123 = tpu.memref_slice %arg3[%add3A_23] : memref<204800xi32, #tpu.memory_space<hbm>> -> memref<200xi32, #tpu.memory_space<hbm>>
      tpu.enqueue_dma source(%dma_start3A_123 : memref<200xi32, #tpu.memory_space<hbm>>) target(%arg10 : memref<200xi32, #tpu.memory_space<vmem>>) target_semaphore(%run_scoped3A : memref<!tpu.dma_semaphore, #tpu.memory_space<semaphore_mem>>)
      %dma_wait3A_124 = tpu.memref_slice %arg3[%add3A_23] : memref<204800xi32, #tpu.memory_space<hbm>> -> memref<200xi32, #tpu.memory_space<hbm>>
      %dma_wait3A_125 = tpu.memref_slice %arg3[%add3A_23] : memref<204800xi32, #tpu.memory_space<hbm>> -> memref<200xi32, #tpu.memory_space<hbm>>
      tpu.wait_dma2 semaphore(%run_scoped3A : memref<!tpu.dma_semaphore, #tpu.memory_space<semaphore_mem>>) src(%dma_wait3A_125 : memref<200xi32, #tpu.memory_space<hbm>>) dst(%arg10 : memref<200xi32, #tpu.memory_space<vmem>>)
      tpu.yield
    }) : () -> ()
    %dma_start3A = arith.constant 0 : i32
    %dma_start3A_24 = arith.constant 0 : i32
    %dma_start3A_25 = tpu.memref_slice %arg12[%dma_start3A, %dma_start3A_24] : memref<200x64xf32, #tpu.memory_space<vmem>> -> memref<128x64xf32, #tpu.memory_space<vmem>>
    %dma_start3A_26 = arith.constant 0 : i32
    %dma_start3A_27 = tpu.memref_slice %arg8[%dma_start3A_26] : memref<200xi32, #tpu.memory_space<vmem>> -> memref<128xi32, #tpu.memory_space<vmem>>
    %dma_start3A_28 = arith.constant 0 : i32
    %dma_start3A_29 = arith.constant 0 : i32
    %dma_start3A_30 = tpu.memref_slice %arg4[%dma_start3A_28, %dma_start3A_29] : memref<100000x64xf32, #tpu.memory_space<hbm>> -> memref<100000x64xf32, #tpu.memory_space<hbm>>
    tpu.enqueue_indirect_dma source(%dma_start3A_30 : memref<100000x64xf32, #tpu.memory_space<hbm>>) target(%dma_start3A_25 : memref<128x64xf32, #tpu.memory_space<vmem>>) offsets(%dma_start3A_27 : memref<128xi32, #tpu.memory_space<vmem>>) semaphore(%arg20 : memref<!tpu.dma_semaphore, #tpu.memory_space<semaphore_mem>>)
    %dma_start3A_31 = arith.constant 0 : i32
    %dma_start3A_32 = arith.constant 0 : i32
    %dma_start3A_33 = tpu.memref_slice %arg14[%dma_start3A_31, %dma_start3A_32] : memref<200x64xf32, #tpu.memory_space<vmem>> -> memref<128x64xf32, #tpu.memory_space<vmem>>
    %dma_start3A_34 = arith.constant 0 : i32
    %dma_start3A_35 = tpu.memref_slice %arg10[%dma_start3A_34] : memref<200xi32, #tpu.memory_space<vmem>> -> memref<128xi32, #tpu.memory_space<vmem>>
    %dma_start3A_36 = arith.constant 0 : i32
    %dma_start3A_37 = arith.constant 0 : i32
    %dma_start3A_38 = tpu.memref_slice %arg4[%dma_start3A_36, %dma_start3A_37] : memref<100000x64xf32, #tpu.memory_space<hbm>> -> memref<100000x64xf32, #tpu.memory_space<hbm>>
    tpu.enqueue_indirect_dma source(%dma_start3A_38 : memref<100000x64xf32, #tpu.memory_space<hbm>>) target(%dma_start3A_33 : memref<128x64xf32, #tpu.memory_space<vmem>>) offsets(%dma_start3A_35 : memref<128xi32, #tpu.memory_space<vmem>>) semaphore(%arg20 : memref<!tpu.dma_semaphore, #tpu.memory_space<semaphore_mem>>)
    %dma_start3A_39 = arith.constant 128 : i32
    %dma_start3A_40 = arith.constant 0 : i32
    %dma_start3A_41 = tpu.memref_slice %arg12[%dma_start3A_39, %dma_start3A_40] : memref<200x64xf32, #tpu.memory_space<vmem>> -> memref<72x64xf32, #tpu.memory_space<vmem>>
    %dma_start3A_42 = arith.constant 128 : i32
    %dma_start3A_43 = tpu.memref_slice %arg8[%dma_start3A_42] : memref<200xi32, #tpu.memory_space<vmem>> -> memref<72xi32, #tpu.memory_space<vmem>>
    %dma_start3A_44 = arith.constant 0 : i32
    %dma_start3A_45 = arith.constant 0 : i32
    %dma_start3A_46 = tpu.memref_slice %arg4[%dma_start3A_44, %dma_start3A_45] : memref<100000x64xf32, #tpu.memory_space<hbm>> -> memref<100000x64xf32, #tpu.memory_space<hbm>>
    tpu.enqueue_indirect_dma source(%dma_start3A_46 : memref<100000x64xf32, #tpu.memory_space<hbm>>) target(%dma_start3A_41 : memref<72x64xf32, #tpu.memory_space<vmem>>) offsets(%dma_start3A_43 : memref<72xi32, #tpu.memory_space<vmem>>) semaphore(%arg20 : memref<!tpu.dma_semaphore, #tpu.memory_space<semaphore_mem>>)
    %dma_start3A_47 = arith.constant 128 : i32
    %dma_start3A_48 = arith.constant 0 : i32
    %dma_start3A_49 = tpu.memref_slice %arg14[%dma_start3A_47, %dma_start3A_48] : memref<200x64xf32, #tpu.memory_space<vmem>> -> memref<72x64xf32, #tpu.memory_space<vmem>>
    %dma_start3A_50 = arith.constant 128 : i32
    %dma_start3A_51 = tpu.memref_slice %arg10[%dma_start3A_50] : memref<200xi32, #tpu.memory_space<vmem>> -> memref<72xi32, #tpu.memory_space<vmem>>
    %dma_start3A_52 = arith.constant 0 : i32
    %dma_start3A_53 = arith.constant 0 : i32
    %dma_start3A_54 = tpu.memref_slice %arg4[%dma_start3A_52, %dma_start3A_53] : memref<100000x64xf32, #tpu.memory_space<hbm>> -> memref<100000x64xf32, #tpu.memory_space<hbm>>
    tpu.enqueue_indirect_dma source(%dma_start3A_54 : memref<100000x64xf32, #tpu.memory_space<hbm>>) target(%dma_start3A_49 : memref<72x64xf32, #tpu.memory_space<vmem>>) offsets(%dma_start3A_51 : memref<72xi32, #tpu.memory_space<vmem>>) semaphore(%arg20 : memref<!tpu.dma_semaphore, #tpu.memory_space<semaphore_mem>>)
    %add3A_55 = arith.constant 200 : i32
    %add3A_56 = arith.addi %mul3A_4, %add3A_55 : i32
    "tpu.region"() ({
      %run_scoped3A = tpu.sem_alloc : memref<!tpu.dma_semaphore, #tpu.memory_space<semaphore_mem>>
      %dma_start3A_122 = tpu.memref_slice %arg2[%add3A_56] : memref<204800xi32, #tpu.memory_space<hbm>> -> memref<200xi32, #tpu.memory_space<hbm>>
      %dma_start3A_123 = tpu.memref_slice %arg2[%add3A_56] : memref<204800xi32, #tpu.memory_space<hbm>> -> memref<200xi32, #tpu.memory_space<hbm>>
      tpu.enqueue_dma source(%dma_start3A_123 : memref<200xi32, #tpu.memory_space<hbm>>) target(%arg9 : memref<200xi32, #tpu.memory_space<vmem>>) target_semaphore(%run_scoped3A : memref<!tpu.dma_semaphore, #tpu.memory_space<semaphore_mem>>)
      %dma_wait3A_124 = tpu.memref_slice %arg2[%add3A_56] : memref<204800xi32, #tpu.memory_space<hbm>> -> memref<200xi32, #tpu.memory_space<hbm>>
      %dma_wait3A_125 = tpu.memref_slice %arg2[%add3A_56] : memref<204800xi32, #tpu.memory_space<hbm>> -> memref<200xi32, #tpu.memory_space<hbm>>
      tpu.wait_dma2 semaphore(%run_scoped3A : memref<!tpu.dma_semaphore, #tpu.memory_space<semaphore_mem>>) src(%dma_wait3A_125 : memref<200xi32, #tpu.memory_space<hbm>>) dst(%arg9 : memref<200xi32, #tpu.memory_space<vmem>>)
      tpu.yield
    }) : () -> ()
    %add3A_57 = arith.constant 200 : i32
    %add3A_58 = arith.addi %mul3A_4, %add3A_57 : i32
    "tpu.region"() ({
      %run_scoped3A = tpu.sem_alloc : memref<!tpu.dma_semaphore, #tpu.memory_space<semaphore_mem>>
      %dma_start3A_122 = tpu.memref_slice %arg3[%add3A_58] : memref<204800xi32, #tpu.memory_space<hbm>> -> memref<200xi32, #tpu.memory_space<hbm>>
      %dma_start3A_123 = tpu.memref_slice %arg3[%add3A_58] : memref<204800xi32, #tpu.memory_space<hbm>> -> memref<200xi32, #tpu.memory_space<hbm>>
      tpu.enqueue_dma source(%dma_start3A_123 : memref<200xi32, #tpu.memory_space<hbm>>) target(%arg11 : memref<200xi32, #tpu.memory_space<vmem>>) target_semaphore(%run_scoped3A : memref<!tpu.dma_semaphore, #tpu.memory_space<semaphore_mem>>)
      %dma_wait3A_124 = tpu.memref_slice %arg3[%add3A_58] : memref<204800xi32, #tpu.memory_space<hbm>> -> memref<200xi32, #tpu.memory_space<hbm>>
      %dma_wait3A_125 = tpu.memref_slice %arg3[%add3A_58] : memref<204800xi32, #tpu.memory_space<hbm>> -> memref<200xi32, #tpu.memory_space<hbm>>
      tpu.wait_dma2 semaphore(%run_scoped3A : memref<!tpu.dma_semaphore, #tpu.memory_space<semaphore_mem>>) src(%dma_wait3A_125 : memref<200xi32, #tpu.memory_space<hbm>>) dst(%arg11 : memref<200xi32, #tpu.memory_space<vmem>>)
      tpu.yield
    }) : () -> ()
    %dma_start3A_59 = arith.constant 0 : i32
    %dma_start3A_60 = arith.constant 0 : i32
    %dma_start3A_61 = tpu.memref_slice %arg13[%dma_start3A_59, %dma_start3A_60] : memref<200x64xf32, #tpu.memory_space<vmem>> -> memref<128x64xf32, #tpu.memory_space<vmem>>
    %dma_start3A_62 = arith.constant 0 : i32
    %dma_start3A_63 = tpu.memref_slice %arg9[%dma_start3A_62] : memref<200xi32, #tpu.memory_space<vmem>> -> memref<128xi32, #tpu.memory_space<vmem>>
    %dma_start3A_64 = arith.constant 0 : i32
    %dma_start3A_65 = arith.constant 0 : i32
    %dma_start3A_66 = tpu.memref_slice %arg4[%dma_start3A_64, %dma_start3A_65] : memref<100000x64xf32, #tpu.memory_space<hbm>> -> memref<100000x64xf32, #tpu.memory_space<hbm>>
    tpu.enqueue_indirect_dma source(%dma_start3A_66 : memref<100000x64xf32, #tpu.memory_space<hbm>>) target(%dma_start3A_61 : memref<128x64xf32, #tpu.memory_space<vmem>>) offsets(%dma_start3A_63 : memref<128xi32, #tpu.memory_space<vmem>>) semaphore(%arg21 : memref<!tpu.dma_semaphore, #tpu.memory_space<semaphore_mem>>)
    %dma_start3A_67 = arith.constant 0 : i32
    %dma_start3A_68 = arith.constant 0 : i32
    %dma_start3A_69 = tpu.memref_slice %arg15[%dma_start3A_67, %dma_start3A_68] : memref<200x64xf32, #tpu.memory_space<vmem>> -> memref<128x64xf32, #tpu.memory_space<vmem>>
    %dma_start3A_70 = arith.constant 0 : i32
    %dma_start3A_71 = tpu.memref_slice %arg11[%dma_start3A_70] : memref<200xi32, #tpu.memory_space<vmem>> -> memref<128xi32, #tpu.memory_space<vmem>>
    %dma_start3A_72 = arith.constant 0 : i32
    %dma_start3A_73 = arith.constant 0 : i32
    %dma_start3A_74 = tpu.memref_slice %arg4[%dma_start3A_72, %dma_start3A_73] : memref<100000x64xf32, #tpu.memory_space<hbm>> -> memref<100000x64xf32, #tpu.memory_space<hbm>>
    tpu.enqueue_indirect_dma source(%dma_start3A_74 : memref<100000x64xf32, #tpu.memory_space<hbm>>) target(%dma_start3A_69 : memref<128x64xf32, #tpu.memory_space<vmem>>) offsets(%dma_start3A_71 : memref<128xi32, #tpu.memory_space<vmem>>) semaphore(%arg21 : memref<!tpu.dma_semaphore, #tpu.memory_space<semaphore_mem>>)
    %dma_start3A_75 = arith.constant 128 : i32
    %dma_start3A_76 = arith.constant 0 : i32
    %dma_start3A_77 = tpu.memref_slice %arg13[%dma_start3A_75, %dma_start3A_76] : memref<200x64xf32, #tpu.memory_space<vmem>> -> memref<72x64xf32, #tpu.memory_space<vmem>>
    %dma_start3A_78 = arith.constant 128 : i32
    %dma_start3A_79 = tpu.memref_slice %arg9[%dma_start3A_78] : memref<200xi32, #tpu.memory_space<vmem>> -> memref<72xi32, #tpu.memory_space<vmem>>
    %dma_start3A_80 = arith.constant 0 : i32
    %dma_start3A_81 = arith.constant 0 : i32
    %dma_start3A_82 = tpu.memref_slice %arg4[%dma_start3A_80, %dma_start3A_81] : memref<100000x64xf32, #tpu.memory_space<hbm>> -> memref<100000x64xf32, #tpu.memory_space<hbm>>
    tpu.enqueue_indirect_dma source(%dma_start3A_82 : memref<100000x64xf32, #tpu.memory_space<hbm>>) target(%dma_start3A_77 : memref<72x64xf32, #tpu.memory_space<vmem>>) offsets(%dma_start3A_79 : memref<72xi32, #tpu.memory_space<vmem>>) semaphore(%arg21 : memref<!tpu.dma_semaphore, #tpu.memory_space<semaphore_mem>>)
    %dma_start3A_83 = arith.constant 128 : i32
    %dma_start3A_84 = arith.constant 0 : i32
    %dma_start3A_85 = tpu.memref_slice %arg15[%dma_start3A_83, %dma_start3A_84] : memref<200x64xf32, #tpu.memory_space<vmem>> -> memref<72x64xf32, #tpu.memory_space<vmem>>
    %dma_start3A_86 = arith.constant 128 : i32
    %dma_start3A_87 = tpu.memref_slice %arg11[%dma_start3A_86] : memref<200xi32, #tpu.memory_space<vmem>> -> memref<72xi32, #tpu.memory_space<vmem>>
    %dma_start3A_88 = arith.constant 0 : i32
    %dma_start3A_89 = arith.constant 0 : i32
    %dma_start3A_90 = tpu.memref_slice %arg4[%dma_start3A_88, %dma_start3A_89] : memref<100000x64xf32, #tpu.memory_space<hbm>> -> memref<100000x64xf32, #tpu.memory_space<hbm>>
    tpu.enqueue_indirect_dma source(%dma_start3A_90 : memref<100000x64xf32, #tpu.memory_space<hbm>>) target(%dma_start3A_85 : memref<72x64xf32, #tpu.memory_space<vmem>>) offsets(%dma_start3A_87 : memref<72xi32, #tpu.memory_space<vmem>>) semaphore(%arg21 : memref<!tpu.dma_semaphore, #tpu.memory_space<semaphore_mem>>)
    %scan3A = arith.constant 0 : i32
    %scan3A_91 = arith.constant 0 : i32
    %scan3A_92 = arith.constant 16 : i32
    %scan3A_93 = arith.addi %scan3A_91, %scan3A_92 : i32
    %scan3A_94 = arith.constant 1 : i32
    scf.for %scan3A_122 = %scan3A_91 to %scan3A_93 step %scan3A_94  : i32 {
      %lt3A = arith.constant 15 : i32
      %lt3A_123 = arith.cmpi slt, %scan3A_122, %lt3A : i32
      %gt3A = arith.constant 0 : i32
      %gt3A_124 = arith.cmpi sgt, %scan3A_122, %gt3A : i32
      %mul3A_125 = arith.constant 2 : i32
      %mul3A_126 = arith.muli %mul3A_125, %scan3A_122 : i32
      %add3A_127 = arith.constant 0 : i32
      %add3A_128 = arith.addi %mul3A_126, %add3A_127 : i32
      %add3A_129 = arith.addi %mul3A_2, %add3A_128 : i32
      %add3A_130 = arith.constant 2 : i32
      %add3A_131 = arith.addi %add3A_128, %add3A_130 : i32
      %mul3A_132 = arith.constant 200 : i32
      %mul3A_133 = arith.muli %add3A_131, %mul3A_132 : i32
      %add3A_134 = arith.addi %mul3A_4, %mul3A_133 : i32
      %dma_wait3A_135 = arith.constant 0 : i32
      %dma_wait3A_136 = arith.constant 0 : i32
      %dma_wait3A_137 = tpu.memref_slice %arg12[%dma_wait3A_135, %dma_wait3A_136] : memref<200x64xf32, #tpu.memory_space<vmem>> -> memref<128x64xf32, #tpu.memory_space<vmem>>
      %dma_wait3A_138 = arith.constant 0 : i32
      %dma_wait3A_139 = tpu.memref_slice %arg8[%dma_wait3A_138] : memref<200xi32, #tpu.memory_space<vmem>> -> memref<128xi32, #tpu.memory_space<vmem>>
      %dma_wait3A_140 = arith.constant 0 : i32
      %dma_wait3A_141 = arith.constant 0 : i32
      %dma_wait3A_142 = tpu.memref_slice %arg4[%dma_wait3A_140, %dma_wait3A_141] : memref<100000x64xf32, #tpu.memory_space<hbm>> -> memref<100000x64xf32, #tpu.memory_space<hbm>>
      tpu.wait_indirect_dma semaphore(%arg20 : memref<!tpu.dma_semaphore, #tpu.memory_space<semaphore_mem>>) src(%dma_wait3A_142 : memref<100000x64xf32, #tpu.memory_space<hbm>>) dst(%dma_wait3A_137 : memref<128x64xf32, #tpu.memory_space<vmem>>)
      %dma_wait3A_143 = arith.constant 0 : i32
      %dma_wait3A_144 = arith.constant 0 : i32
      %dma_wait3A_145 = tpu.memref_slice %arg14[%dma_wait3A_143, %dma_wait3A_144] : memref<200x64xf32, #tpu.memory_space<vmem>> -> memref<128x64xf32, #tpu.memory_space<vmem>>
      %dma_wait3A_146 = arith.constant 0 : i32
      %dma_wait3A_147 = tpu.memref_slice %arg10[%dma_wait3A_146] : memref<200xi32, #tpu.memory_space<vmem>> -> memref<128xi32, #tpu.memory_space<vmem>>
      %dma_wait3A_148 = arith.constant 0 : i32
      %dma_wait3A_149 = arith.constant 0 : i32
      %dma_wait3A_150 = tpu.memref_slice %arg4[%dma_wait3A_148, %dma_wait3A_149] : memref<100000x64xf32, #tpu.memory_space<hbm>> -> memref<100000x64xf32, #tpu.memory_space<hbm>>
      tpu.wait_indirect_dma semaphore(%arg20 : memref<!tpu.dma_semaphore, #tpu.memory_space<semaphore_mem>>) src(%dma_wait3A_150 : memref<100000x64xf32, #tpu.memory_space<hbm>>) dst(%dma_wait3A_145 : memref<128x64xf32, #tpu.memory_space<vmem>>)
      %dma_wait3A_151 = arith.constant 128 : i32
      %dma_wait3A_152 = arith.constant 0 : i32
      %dma_wait3A_153 = tpu.memref_slice %arg12[%dma_wait3A_151, %dma_wait3A_152] : memref<200x64xf32, #tpu.memory_space<vmem>> -> memref<72x64xf32, #tpu.memory_space<vmem>>
      %dma_wait3A_154 = arith.constant 128 : i32
      %dma_wait3A_155 = tpu.memref_slice %arg8[%dma_wait3A_154] : memref<200xi32, #tpu.memory_space<vmem>> -> memref<72xi32, #tpu.memory_space<vmem>>
      %dma_wait3A_156 = arith.constant 0 : i32
      %dma_wait3A_157 = arith.constant 0 : i32
      %dma_wait3A_158 = tpu.memref_slice %arg4[%dma_wait3A_156, %dma_wait3A_157] : memref<100000x64xf32, #tpu.memory_space<hbm>> -> memref<100000x64xf32, #tpu.memory_space<hbm>>
      tpu.wait_indirect_dma semaphore(%arg20 : memref<!tpu.dma_semaphore, #tpu.memory_space<semaphore_mem>>) src(%dma_wait3A_158 : memref<100000x64xf32, #tpu.memory_space<hbm>>) dst(%dma_wait3A_153 : memref<72x64xf32, #tpu.memory_space<vmem>>)
      %dma_wait3A_159 = arith.constant 128 : i32
      %dma_wait3A_160 = arith.constant 0 : i32
      %dma_wait3A_161 = tpu.memref_slice %arg14[%dma_wait3A_159, %dma_wait3A_160] : memref<200x64xf32, #tpu.memory_space<vmem>> -> memref<72x64xf32, #tpu.memory_space<vmem>>
      %dma_wait3A_162 = arith.constant 128 : i32
      %dma_wait3A_163 = tpu.memref_slice %arg10[%dma_wait3A_162] : memref<200xi32, #tpu.memory_space<vmem>> -> memref<72xi32, #tpu.memory_space<vmem>>
      %dma_wait3A_164 = arith.constant 0 : i32
      %dma_wait3A_165 = arith.constant 0 : i32
      %dma_wait3A_166 = tpu.memref_slice %arg4[%dma_wait3A_164, %dma_wait3A_165] : memref<100000x64xf32, #tpu.memory_space<hbm>> -> memref<100000x64xf32, #tpu.memory_space<hbm>>
      tpu.wait_indirect_dma semaphore(%arg20 : memref<!tpu.dma_semaphore, #tpu.memory_space<semaphore_mem>>) src(%dma_wait3A_166 : memref<100000x64xf32, #tpu.memory_space<hbm>>) dst(%dma_wait3A_161 : memref<72x64xf32, #tpu.memory_space<vmem>>)
      %convert_element_type3A = arith.extui %lt3A_123 : i1 to i32
      %cond3A = arith.constant 0 : i32
      %cond3A_167 = arith.cmpi ne, %convert_element_type3A, %cond3A : i32
      scf.if %cond3A_167 {
        %dma_start3A_253 = tpu.memref_slice %arg2[%add3A_134] : memref<204800xi32, #tpu.memory_space<hbm>> -> memref<200xi32, #tpu.memory_space<hbm>>
        %dma_start3A_254 = tpu.memref_slice %arg2[%add3A_134] : memref<204800xi32, #tpu.memory_space<hbm>> -> memref<200xi32, #tpu.memory_space<hbm>>
        tpu.enqueue_dma source(%dma_start3A_254 : memref<200xi32, #tpu.memory_space<hbm>>) target(%arg8 : memref<200xi32, #tpu.memory_space<vmem>>) target_semaphore(%arg22 : memref<!tpu.dma_semaphore, #tpu.memory_space<semaphore_mem>>)
        %dma_start3A_255 = tpu.memref_slice %arg3[%add3A_134] : memref<204800xi32, #tpu.memory_space<hbm>> -> memref<200xi32, #tpu.memory_space<hbm>>
        %dma_start3A_256 = tpu.memref_slice %arg3[%add3A_134] : memref<204800xi32, #tpu.memory_space<hbm>> -> memref<200xi32, #tpu.memory_space<hbm>>
        tpu.enqueue_dma source(%dma_start3A_256 : memref<200xi32, #tpu.memory_space<hbm>>) target(%arg10 : memref<200xi32, #tpu.memory_space<vmem>>) target_semaphore(%arg22 : memref<!tpu.dma_semaphore, #tpu.memory_space<semaphore_mem>>)
      } else {
      }
      %convert_element_type3A_168 = arith.extui %gt3A_124 : i1 to i32
      %cond3A_169 = arith.constant 0 : i32
      %cond3A_170 = arith.cmpi ne, %convert_element_type3A_168, %cond3A_169 : i32
      scf.if %cond3A_170 {
        %dma_wait3A_253 = arith.constant 0 : i32
        %dma_wait3A_254 = arith.constant 0 : i32
        %dma_wait3A_255 = tpu.memref_slice %arg7[%add3A_129, %dma_wait3A_253, %dma_wait3A_254] : memref<1024x100x128xf32, #tpu.memory_space<hbm>> -> memref<1x100x128xf32, #tpu.memory_space<hbm>>
        %dma_wait3A_256 = tpu.memref_squeeze %dma_wait3A_255 : memref<1x100x128xf32, #tpu.memory_space<hbm>> -> memref<100x128xf32, #tpu.memory_space<hbm>>
        %dma_wait3A_257 = arith.constant 0 : i32
        %dma_wait3A_258 = arith.constant 0 : i32
        %dma_wait3A_259 = tpu.memref_slice %arg7[%add3A_129, %dma_wait3A_257, %dma_wait3A_258] : memref<1024x100x128xf32, #tpu.memory_space<hbm>> -> memref<1x100x128xf32, #tpu.memory_space<hbm>>
        %dma_wait3A_260 = tpu.memref_squeeze %dma_wait3A_259 : memref<1x100x128xf32, #tpu.memory_space<hbm>> -> memref<100x128xf32, #tpu.memory_space<hbm>>
        tpu.wait_dma2 semaphore(%arg24 : memref<!tpu.dma_semaphore, #tpu.memory_space<semaphore_mem>>) src(%arg16 : memref<100x128xf32, #tpu.memory_space<vmem>>) dst(%dma_wait3A_260 : memref<100x128xf32, #tpu.memory_space<hbm>>)
      } else {
      }
      %scan3A_171 = arith.constant 0 : i32
      %scan3A_172 = arith.constant 0 : i32
      %scan3A_173 = arith.constant 50 : i32
      %scan3A_174 = arith.addi %scan3A_172, %scan3A_173 : i32
      %scan3A_175 = arith.constant 1 : i32
      scf.for %scan3A_253 = %scan3A_172 to %scan3A_174 step %scan3A_175  : i32 {
        %mul3A_254 = arith.constant 4 : i32
        %mul3A_255 = arith.muli %scan3A_253, %mul3A_254 : i32
        %add3A_256 = arith.constant 0 : i32
        %add3A_257 = arith.addi %mul3A_255, %add3A_256 : i32
        %mul3A_258 = arith.constant 4 : i32
        %mul3A_259 = arith.muli %scan3A_253, %mul3A_258 : i32
        %add3A_260 = arith.constant 1 : i32
        %add3A_261 = arith.addi %mul3A_259, %add3A_260 : i32
        %mul3A_262 = arith.constant 4 : i32
        %mul3A_263 = arith.muli %scan3A_253, %mul3A_262 : i32
        %add3A_264 = arith.constant 2 : i32
        %add3A_265 = arith.addi %mul3A_263, %add3A_264 : i32
        %mul3A_266 = arith.constant 4 : i32
        %mul3A_267 = arith.muli %scan3A_253, %mul3A_266 : i32
        %add3A_268 = arith.constant 3 : i32
        %add3A_269 = arith.addi %mul3A_267, %add3A_268 : i32
        %get3A_270 = arith.index_cast %add3A_257 : i32 to index
        %get3A_271 = arith.constant 0 : index
        %get3A_272 = tpu.vector_load %arg12[%get3A_270, %get3A_271] {strides = array<i32>} : memref<200x64xf32, #tpu.memory_space<vmem>>, vector<16xf32>,
        %get3A_273 = arith.index_cast %add3A_257 : i32 to index
        %get3A_274 = arith.constant 16 : index
        %get3A_275 = tpu.vector_load %arg12[%get3A_273, %get3A_274] {strides = array<i32>} : memref<200x64xf32, #tpu.memory_space<vmem>>, vector<16xf32>,
        %get3A_276 = arith.index_cast %add3A_257 : i32 to index
        %get3A_277 = arith.constant 32 : index
        %get3A_278 = tpu.vector_load %arg12[%get3A_276, %get3A_277] {strides = array<i32>} : memref<200x64xf32, #tpu.memory_space<vmem>>, vector<16xf32>,
        %get3A_279 = arith.index_cast %add3A_257 : i32 to index
        %get3A_280 = arith.constant 48 : index
        %get3A_281 = tpu.vector_load %arg12[%get3A_279, %get3A_280] {strides = array<i32>} : memref<200x64xf32, #tpu.memory_space<vmem>>, vector<16xf32>,
        %get3A_282 = arith.index_cast %add3A_261 : i32 to index
        %get3A_283 = arith.constant 0 : index
        %get3A_284 = tpu.vector_load %arg12[%get3A_282, %get3A_283] {strides = array<i32>} : memref<200x64xf32, #tpu.memory_space<vmem>>, vector<16xf32>,
        %get3A_285 = arith.index_cast %add3A_261 : i32 to index
        %get3A_286 = arith.constant 16 : index
        %get3A_287 = tpu.vector_load %arg12[%get3A_285, %get3A_286] {strides = array<i32>} : memref<200x64xf32, #tpu.memory_space<vmem>>, vector<16xf32>,
        %get3A_288 = arith.index_cast %add3A_261 : i32 to index
        %get3A_289 = arith.constant 32 : index
        %get3A_290 = tpu.vector_load %arg12[%get3A_288, %get3A_289] {strides = array<i32>} : memref<200x64xf32, #tpu.memory_space<vmem>>, vector<16xf32>,
        %get3A_291 = arith.index_cast %add3A_261 : i32 to index
        %get3A_292 = arith.constant 48 : index
        %get3A_293 = tpu.vector_load %arg12[%get3A_291, %get3A_292] {strides = array<i32>} : memref<200x64xf32, #tpu.memory_space<vmem>>, vector<16xf32>,
        %get3A_294 = arith.index_cast %add3A_265 : i32 to index
        %get3A_295 = arith.constant 0 : index
        %get3A_296 = tpu.vector_load %arg12[%get3A_294, %get3A_295] {strides = array<i32>} : memref<200x64xf32, #tpu.memory_space<vmem>>, vector<16xf32>,
        %get3A_297 = arith.index_cast %add3A_265 : i32 to index
        %get3A_298 = arith.constant 16 : index
        %get3A_299 = tpu.vector_load %arg12[%get3A_297, %get3A_298] {strides = array<i32>} : memref<200x64xf32, #tpu.memory_space<vmem>>, vector<16xf32>,
        %get3A_300 = arith.index_cast %add3A_265 : i32 to index
        %get3A_301 = arith.constant 32 : index
        %get3A_302 = tpu.vector_load %arg12[%get3A_300, %get3A_301] {strides = array<i32>} : memref<200x64xf32, #tpu.memory_space<vmem>>, vector<16xf32>,
        %get3A_303 = arith.index_cast %add3A_265 : i32 to index
        %get3A_304 = arith.constant 48 : index
        %get3A_305 = tpu.vector_load %arg12[%get3A_303, %get3A_304] {strides = array<i32>} : memref<200x64xf32, #tpu.memory_space<vmem>>, vector<16xf32>,
        %get3A_306 = arith.index_cast %add3A_269 : i32 to index
        %get3A_307 = arith.constant 0 : index
        %get3A_308 = tpu.vector_load %arg12[%get3A_306, %get3A_307] {strides = array<i32>} : memref<200x64xf32, #tpu.memory_space<vmem>>, vector<16xf32>,
        %get3A_309 = arith.index_cast %add3A_269 : i32 to index
        %get3A_310 = arith.constant 16 : index
        %get3A_311 = tpu.vector_load %arg12[%get3A_309, %get3A_310] {strides = array<i32>} : memref<200x64xf32, #tpu.memory_space<vmem>>, vector<16xf32>,
        %get3A_312 = arith.index_cast %add3A_269 : i32 to index
        %get3A_313 = arith.constant 32 : index
        %get3A_314 = tpu.vector_load %arg12[%get3A_312, %get3A_313] {strides = array<i32>} : memref<200x64xf32, #tpu.memory_space<vmem>>, vector<16xf32>,
        %get3A_315 = arith.index_cast %add3A_269 : i32 to index
        %get3A_316 = arith.constant 48 : index
        %get3A_317 = tpu.vector_load %arg12[%get3A_315, %get3A_316] {strides = array<i32>} : memref<200x64xf32, #tpu.memory_space<vmem>>, vector<16xf32>,
        %get3A_318 = arith.index_cast %add3A_257 : i32 to index
        %get3A_319 = arith.constant 0 : index
        %get3A_320 = tpu.vector_load %arg14[%get3A_318, %get3A_319] {strides = array<i32>} : memref<200x64xf32, #tpu.memory_space<vmem>>, vector<16xf32>,
        %get3A_321 = arith.index_cast %add3A_257 : i32 to index
        %get3A_322 = arith.constant 16 : index
        %get3A_323 = tpu.vector_load %arg14[%get3A_321, %get3A_322] {strides = array<i32>} : memref<200x64xf32, #tpu.memory_space<vmem>>, vector<16xf32>,
        %get3A_324 = arith.index_cast %add3A_257 : i32 to index
        %get3A_325 = arith.constant 32 : index
        %get3A_326 = tpu.vector_load %arg14[%get3A_324, %get3A_325] {strides = array<i32>} : memref<200x64xf32, #tpu.memory_space<vmem>>, vector<16xf32>,
        %get3A_327 = arith.index_cast %add3A_257 : i32 to index
        %get3A_328 = arith.constant 48 : index
        %get3A_329 = tpu.vector_load %arg14[%get3A_327, %get3A_328] {strides = array<i32>} : memref<200x64xf32, #tpu.memory_space<vmem>>, vector<16xf32>,
        %get3A_330 = arith.index_cast %add3A_261 : i32 to index
        %get3A_331 = arith.constant 0 : index
        %get3A_332 = tpu.vector_load %arg14[%get3A_330, %get3A_331] {strides = array<i32>} : memref<200x64xf32, #tpu.memory_space<vmem>>, vector<16xf32>,
        %get3A_333 = arith.index_cast %add3A_261 : i32 to index
        %get3A_334 = arith.constant 16 : index
        %get3A_335 = tpu.vector_load %arg14[%get3A_333, %get3A_334] {strides = array<i32>} : memref<200x64xf32, #tpu.memory_space<vmem>>, vector<16xf32>,
        %get3A_336 = arith.index_cast %add3A_261 : i32 to index
        %get3A_337 = arith.constant 32 : index
        %get3A_338 = tpu.vector_load %arg14[%get3A_336, %get3A_337] {strides = array<i32>} : memref<200x64xf32, #tpu.memory_space<vmem>>, vector<16xf32>,
        %get3A_339 = arith.index_cast %add3A_261 : i32 to index
        %get3A_340 = arith.constant 48 : index
        %get3A_341 = tpu.vector_load %arg14[%get3A_339, %get3A_340] {strides = array<i32>} : memref<200x64xf32, #tpu.memory_space<vmem>>, vector<16xf32>,
        %get3A_342 = arith.index_cast %add3A_265 : i32 to index
        %get3A_343 = arith.constant 0 : index
        %get3A_344 = tpu.vector_load %arg14[%get3A_342, %get3A_343] {strides = array<i32>} : memref<200x64xf32, #tpu.memory_space<vmem>>, vector<16xf32>,
        %get3A_345 = arith.index_cast %add3A_265 : i32 to index
        %get3A_346 = arith.constant 16 : index
        %get3A_347 = tpu.vector_load %arg14[%get3A_345, %get3A_346] {strides = array<i32>} : memref<200x64xf32, #tpu.memory_space<vmem>>, vector<16xf32>,
        %get3A_348 = arith.index_cast %add3A_265 : i32 to index
        %get3A_349 = arith.constant 32 : index
        %get3A_350 = tpu.vector_load %arg14[%get3A_348, %get3A_349] {strides = array<i32>} : memref<200x64xf32, #tpu.memory_space<vmem>>, vector<16xf32>,
        %get3A_351 = arith.index_cast %add3A_265 : i32 to index
        %get3A_352 = arith.constant 48 : index
        %get3A_353 = tpu.vector_load %arg14[%get3A_351, %get3A_352] {strides = array<i32>} : memref<200x64xf32, #tpu.memory_space<vmem>>, vector<16xf32>,
        %get3A_354 = arith.index_cast %add3A_269 : i32 to index
        %get3A_355 = arith.constant 0 : index
        %get3A_356 = tpu.vector_load %arg14[%get3A_354, %get3A_355] {strides = array<i32>} : memref<200x64xf32, #tpu.memory_space<vmem>>, vector<16xf32>,
        %get3A_357 = arith.index_cast %add3A_269 : i32 to index
        %get3A_358 = arith.constant 16 : index
        %get3A_359 = tpu.vector_load %arg14[%get3A_357, %get3A_358] {strides = array<i32>} : memref<200x64xf32, #tpu.memory_space<vmem>>, vector<16xf32>,
        %get3A_360 = arith.index_cast %add3A_269 : i32 to index
        %get3A_361 = arith.constant 32 : index
        %get3A_362 = tpu.vector_load %arg14[%get3A_360, %get3A_361] {strides = array<i32>} : memref<200x64xf32, #tpu.memory_space<vmem>>, vector<16xf32>,
        %get3A_363 = arith.index_cast %add3A_269 : i32 to index
        %get3A_364 = arith.constant 48 : index
        %get3A_365 = tpu.vector_load %arg14[%get3A_363, %get3A_364] {strides = array<i32>} : memref<200x64xf32, #tpu.memory_space<vmem>>, vector<16xf32>,
        %add3A_366 = arith.addf %get3A_272, %get3A_320 : vector<16xf32>
        %add3A_367 = arith.addf %get3A_275, %get3A_323 : vector<16xf32>
        %add3A_368 = arith.addf %get3A_278, %get3A_326 : vector<16xf32>
        %add3A_369 = arith.addf %get3A_281, %get3A_329 : vector<16xf32>
        %add3A_370 = arith.addf %get3A_284, %get3A_332 : vector<16xf32>
        %add3A_371 = arith.addf %get3A_287, %get3A_335 : vector<16xf32>
        %add3A_372 = arith.addf %get3A_290, %get3A_338 : vector<16xf32>
        %add3A_373 = arith.addf %get3A_293, %get3A_341 : vector<16xf32>
        %add3A_374 = arith.addf %get3A_296, %get3A_344 : vector<16xf32>
        %add3A_375 = arith.addf %get3A_299, %get3A_347 : vector<16xf32>
        %add3A_376 = arith.addf %get3A_302, %get3A_350 : vector<16xf32>
        %add3A_377 = arith.addf %get3A_305, %get3A_353 : vector<16xf32>
        %add3A_378 = arith.addf %get3A_308, %get3A_356 : vector<16xf32>
        %add3A_379 = arith.addf %get3A_311, %get3A_359 : vector<16xf32>
        %add3A_380 = arith.addf %get3A_314, %get3A_362 : vector<16xf32>
        %add3A_381 = arith.addf %get3A_317, %get3A_365 : vector<16xf32>
        %add3A_382 = arith.addf %add3A_366, %add3A_367 : vector<16xf32>
        %add3A_383 = arith.addf %add3A_368, %add3A_369 : vector<16xf32>
        %add3A_384 = arith.addf %add3A_382, %add3A_383 : vector<16xf32>
        %add3A_385 = arith.addf %add3A_370, %add3A_371 : vector<16xf32>
        %add3A_386 = arith.addf %add3A_372, %add3A_373 : vector<16xf32>
        %add3A_387 = arith.addf %add3A_385, %add3A_386 : vector<16xf32>
        %add3A_388 = arith.addf %add3A_374, %add3A_375 : vector<16xf32>
        %add3A_389 = arith.addf %add3A_376, %add3A_377 : vector<16xf32>
        %add3A_390 = arith.addf %add3A_388, %add3A_389 : vector<16xf32>
        %add3A_391 = arith.addf %add3A_378, %add3A_379 : vector<16xf32>
        %add3A_392 = arith.addf %add3A_380, %add3A_381 : vector<16xf32>
        %add3A_393 = arith.addf %add3A_391, %add3A_392 : vector<16xf32>
        %mul3A_394 = arith.mulf %add3A_366, %add3A_366 : vector<16xf32>
        %mul3A_395 = arith.mulf %add3A_367, %add3A_367 : vector<16xf32>
        %add3A_396 = arith.addf %mul3A_394, %mul3A_395 : vector<16xf32>
        %mul3A_397 = arith.mulf %add3A_368, %add3A_368 : vector<16xf32>
        %mul3A_398 = arith.mulf %add3A_369, %add3A_369 : vector<16xf32>
        %add3A_399 = arith.addf %mul3A_397, %mul3A_398 : vector<16xf32>
        %add3A_400 = arith.addf %add3A_396, %add3A_399 : vector<16xf32>
        %mul3A_401 = arith.mulf %add3A_370, %add3A_370 : vector<16xf32>
        %mul3A_402 = arith.mulf %add3A_371, %add3A_371 : vector<16xf32>
        %add3A_403 = arith.addf %mul3A_401, %mul3A_402 : vector<16xf32>
        %mul3A_404 = arith.mulf %add3A_372, %add3A_372 : vector<16xf32>
        %mul3A_405 = arith.mulf %add3A_373, %add3A_373 : vector<16xf32>
        %add3A_406 = arith.addf %mul3A_404, %mul3A_405 : vector<16xf32>
        %add3A_407 = arith.addf %add3A_403, %add3A_406 : vector<16xf32>
        %mul3A_408 = arith.mulf %add3A_374, %add3A_374 : vector<16xf32>
        %mul3A_409 = arith.mulf %add3A_375, %add3A_375 : vector<16xf32>
        %add3A_410 = arith.addf %mul3A_408, %mul3A_409 : vector<16xf32>
        %mul3A_411 = arith.mulf %add3A_376, %add3A_376 : vector<16xf32>
        %mul3A_412 = arith.mulf %add3A_377, %add3A_377 : vector<16xf32>
        %add3A_413 = arith.addf %mul3A_411, %mul3A_412 : vector<16xf32>
        %add3A_414 = arith.addf %add3A_410, %add3A_413 : vector<16xf32>
        %mul3A_415 = arith.mulf %add3A_378, %add3A_378 : vector<16xf32>
        %mul3A_416 = arith.mulf %add3A_379, %add3A_379 : vector<16xf32>
        %add3A_417 = arith.addf %mul3A_415, %mul3A_416 : vector<16xf32>
        %mul3A_418 = arith.mulf %add3A_380, %add3A_380 : vector<16xf32>
        %mul3A_419 = arith.mulf %add3A_381, %add3A_381 : vector<16xf32>
        %add3A_420 = arith.addf %mul3A_418, %mul3A_419 : vector<16xf32>
        %add3A_421 = arith.addf %add3A_417, %add3A_420 : vector<16xf32>
        %broadcast_in_dim3A = arith.constant true
        %broadcast_in_dim3A_422 = vector.broadcast %broadcast_in_dim3A : i1 to vector<16xi1>
        %masked_cumsum3A = tpu.scan <sum>, %add3A_384 masked %broadcast_in_dim3A_422 : vector<16xf32>, vector<16xi1> -> vector<16xf32>
        %broadcast_in_dim3A_423 = arith.constant true
        %broadcast_in_dim3A_424 = vector.broadcast %broadcast_in_dim3A_423 : i1 to vector<16xi1>
        %masked_cumsum3A_425 = tpu.scan <sum>, %add3A_387 masked %broadcast_in_dim3A_424 : vector<16xf32>, vector<16xi1> -> vector<16xf32>
        %broadcast_in_dim3A_426 = arith.constant true
        %broadcast_in_dim3A_427 = vector.broadcast %broadcast_in_dim3A_426 : i1 to vector<16xi1>
        %masked_cumsum3A_428 = tpu.scan <sum>, %add3A_390 masked %broadcast_in_dim3A_427 : vector<16xf32>, vector<16xi1> -> vector<16xf32>
        %broadcast_in_dim3A_429 = arith.constant true
        %broadcast_in_dim3A_430 = vector.broadcast %broadcast_in_dim3A_429 : i1 to vector<16xi1>
        %masked_cumsum3A_431 = tpu.scan <sum>, %add3A_393 masked %broadcast_in_dim3A_430 : vector<16xf32>, vector<16xi1> -> vector<16xf32>
        %broadcast_in_dim3A_432 = arith.constant true
        %broadcast_in_dim3A_433 = vector.broadcast %broadcast_in_dim3A_432 : i1 to vector<16xi1>
        %masked_cumsum3A_434 = tpu.scan <sum>, %add3A_400 masked %broadcast_in_dim3A_433 : vector<16xf32>, vector<16xi1> -> vector<16xf32>
        %broadcast_in_dim3A_435 = arith.constant true
        %broadcast_in_dim3A_436 = vector.broadcast %broadcast_in_dim3A_435 : i1 to vector<16xi1>
        %masked_cumsum3A_437 = tpu.scan <sum>, %add3A_407 masked %broadcast_in_dim3A_436 : vector<16xf32>, vector<16xi1> -> vector<16xf32>
        %broadcast_in_dim3A_438 = arith.constant true
        %broadcast_in_dim3A_439 = vector.broadcast %broadcast_in_dim3A_438 : i1 to vector<16xi1>
        %masked_cumsum3A_440 = tpu.scan <sum>, %add3A_414 masked %broadcast_in_dim3A_439 : vector<16xf32>, vector<16xi1> -> vector<16xf32>
        %broadcast_in_dim3A_441 = arith.constant true
        %broadcast_in_dim3A_442 = vector.broadcast %broadcast_in_dim3A_441 : i1 to vector<16xi1>
        %masked_cumsum3A_443 = tpu.scan <sum>, %add3A_421 masked %broadcast_in_dim3A_442 : vector<16xf32>, vector<16xi1> -> vector<16xf32>
        %slice3A = vector.extract_strided_slice %masked_cumsum3A {offsets = [15], sizes = [1], strides = [1]} : vector<16xf32> to vector<1xf32>
        %squeeze3A = vector.extract %slice3A[0] : f32 from vector<1xf32>
        %mul3A_444 = arith.constant 1.562500e-02 : f32
        %mul3A_445 = arith.mulf %squeeze3A, %mul3A_444 : f32
        %slice3A_446 = vector.extract_strided_slice %masked_cumsum3A_425 {offsets = [15], sizes = [1], strides = [1]} : vector<16xf32> to vector<1xf32>
        %squeeze3A_447 = vector.extract %slice3A_446[0] : f32 from vector<1xf32>
        %mul3A_448 = arith.constant 1.562500e-02 : f32
        %mul3A_449 = arith.mulf %squeeze3A_447, %mul3A_448 : f32
        %slice3A_450 = vector.extract_strided_slice %masked_cumsum3A_428 {offsets = [15], sizes = [1], strides = [1]} : vector<16xf32> to vector<1xf32>
        %squeeze3A_451 = vector.extract %slice3A_450[0] : f32 from vector<1xf32>
        %mul3A_452 = arith.constant 1.562500e-02 : f32
        %mul3A_453 = arith.mulf %squeeze3A_451, %mul3A_452 : f32
        %slice3A_454 = vector.extract_strided_slice %masked_cumsum3A_431 {offsets = [15], sizes = [1], strides = [1]} : vector<16xf32> to vector<1xf32>
        %squeeze3A_455 = vector.extract %slice3A_454[0] : f32 from vector<1xf32>
        %mul3A_456 = arith.constant 1.562500e-02 : f32
        %mul3A_457 = arith.mulf %squeeze3A_455, %mul3A_456 : f32
        %slice3A_458 = vector.extract_strided_slice %masked_cumsum3A_434 {offsets = [15], sizes = [1], strides = [1]} : vector<16xf32> to vector<1xf32>
        %squeeze3A_459 = vector.extract %slice3A_458[0] : f32 from vector<1xf32>
        %mul3A_460 = arith.constant 1.562500e-02 : f32
        %mul3A_461 = arith.mulf %squeeze3A_459, %mul3A_460 : f32
        %mul3A_462 = arith.mulf %mul3A_445, %mul3A_445 : f32
        %sub3A_463 = arith.subf %mul3A_461, %mul3A_462 : f32
        %slice3A_464 = vector.extract_strided_slice %masked_cumsum3A_437 {offsets = [15], sizes = [1], strides = [1]} : vector<16xf32> to vector<1xf32>
        %squeeze3A_465 = vector.extract %slice3A_464[0] : f32 from vector<1xf32>
        %mul3A_466 = arith.constant 1.562500e-02 : f32
        %mul3A_467 = arith.mulf %squeeze3A_465, %mul3A_466 : f32
        %mul3A_468 = arith.mulf %mul3A_449, %mul3A_449 : f32
        %sub3A_469 = arith.subf %mul3A_467, %mul3A_468 : f32
        %slice3A_470 = vector.extract_strided_slice %masked_cumsum3A_440 {offsets = [15], sizes = [1], strides = [1]} : vector<16xf32> to vector<1xf32>
        %squeeze3A_471 = vector.extract %slice3A_470[0] : f32 from vector<1xf32>
        %mul3A_472 = arith.constant 1.562500e-02 : f32
        %mul3A_473 = arith.mulf %squeeze3A_471, %mul3A_472 : f32
        %mul3A_474 = arith.mulf %mul3A_453, %mul3A_453 : f32
        %sub3A_475 = arith.subf %mul3A_473, %mul3A_474 : f32
        %slice3A_476 = vector.extract_strided_slice %masked_cumsum3A_443 {offsets = [15], sizes = [1], strides = [1]} : vector<16xf32> to vector<1xf32>
        %squeeze3A_477 = vector.extract %slice3A_476[0] : f32 from vector<1xf32>
        %mul3A_478 = arith.constant 1.562500e-02 : f32
        %mul3A_479 = arith.mulf %squeeze3A_477, %mul3A_478 : f32
        %mul3A_480 = arith.mulf %mul3A_457, %mul3A_457 : f32
        %sub3A_481 = arith.subf %mul3A_479, %mul3A_480 : f32
        %add3A_482 = arith.constant 9.99999996E-13 : f32
        %add3A_483 = arith.addf %sub3A_463, %add3A_482 : f32
        %bitcast_convert_type3A = arith.bitcast %add3A_483 : f32 to i32
        %shift_right_arithmetic3A = arith.constant 1 : i32
        %shift_right_arithmetic3A_484 = arith.shrsi %bitcast_convert_type3A, %shift_right_arithmetic3A : i32
        %sub3A_485 = arith.constant 1597463007 : i32
        %sub3A_486 = arith.subi %sub3A_485, %shift_right_arithmetic3A_484 : i32
        %bitcast_convert_type3A_487 = arith.bitcast %sub3A_486 : i32 to f32
        %mul3A_488 = arith.constant 5.000000e-01 : f32
        %mul3A_489 = arith.mulf %mul3A_488, %add3A_483 : f32
        %mul3A_490 = arith.mulf %mul3A_489, %bitcast_convert_type3A_487 : f32
        %mul3A_491 = arith.mulf %mul3A_490, %bitcast_convert_type3A_487 : f32
        %sub3A_492 = arith.constant 1.500000e+00 : f32
        %sub3A_493 = arith.subf %sub3A_492, %mul3A_491 : f32
        %mul3A_494 = arith.mulf %bitcast_convert_type3A_487, %sub3A_493 : f32
        %mul3A_495 = arith.constant 5.000000e-01 : f32
        %mul3A_496 = arith.mulf %mul3A_495, %add3A_483 : f32
        %mul3A_497 = arith.mulf %mul3A_496, %mul3A_494 : f32
        %mul3A_498 = arith.mulf %mul3A_497, %mul3A_494 : f32
        %sub3A_499 = arith.constant 1.500000e+00 : f32
        %sub3A_500 = arith.subf %sub3A_499, %mul3A_498 : f32
        %mul3A_501 = arith.mulf %mul3A_494, %sub3A_500 : f32
        %mul3A_502 = arith.constant 5.000000e-01 : f32
        %mul3A_503 = arith.mulf %mul3A_502, %add3A_483 : f32
        %mul3A_504 = arith.mulf %mul3A_503, %mul3A_501 : f32
        %mul3A_505 = arith.mulf %mul3A_504, %mul3A_501 : f32
        %sub3A_506 = arith.constant 1.500000e+00 : f32
        %sub3A_507 = arith.subf %sub3A_506, %mul3A_505 : f32
        %mul3A_508 = arith.mulf %mul3A_501, %sub3A_507 : f32
        %add3A_509 = arith.constant 9.99999996E-13 : f32
        %add3A_510 = arith.addf %sub3A_469, %add3A_509 : f32
        %bitcast_convert_type3A_511 = arith.bitcast %add3A_510 : f32 to i32
        %shift_right_arithmetic3A_512 = arith.constant 1 : i32
        %shift_right_arithmetic3A_513 = arith.shrsi %bitcast_convert_type3A_511, %shift_right_arithmetic3A_512 : i32
        %sub3A_514 = arith.constant 1597463007 : i32
        %sub3A_515 = arith.subi %sub3A_514, %shift_right_arithmetic3A_513 : i32
        %bitcast_convert_type3A_516 = arith.bitcast %sub3A_515 : i32 to f32
        %mul3A_517 = arith.constant 5.000000e-01 : f32
        %mul3A_518 = arith.mulf %mul3A_517, %add3A_510 : f32
        %mul3A_519 = arith.mulf %mul3A_518, %bitcast_convert_type3A_516 : f32
        %mul3A_520 = arith.mulf %mul3A_519, %bitcast_convert_type3A_516 : f32
        %sub3A_521 = arith.constant 1.500000e+00 : f32
        %sub3A_522 = arith.subf %sub3A_521, %mul3A_520 : f32
        %mul3A_523 = arith.mulf %bitcast_convert_type3A_516, %sub3A_522 : f32
        %mul3A_524 = arith.constant 5.000000e-01 : f32
        %mul3A_525 = arith.mulf %mul3A_524, %add3A_510 : f32
        %mul3A_526 = arith.mulf %mul3A_525, %mul3A_523 : f32
        %mul3A_527 = arith.mulf %mul3A_526, %mul3A_523 : f32
        %sub3A_528 = arith.constant 1.500000e+00 : f32
        %sub3A_529 = arith.subf %sub3A_528, %mul3A_527 : f32
        %mul3A_530 = arith.mulf %mul3A_523, %sub3A_529 : f32
        %mul3A_531 = arith.constant 5.000000e-01 : f32
        %mul3A_532 = arith.mulf %mul3A_531, %add3A_510 : f32
        %mul3A_533 = arith.mulf %mul3A_532, %mul3A_530 : f32
        %mul3A_534 = arith.mulf %mul3A_533, %mul3A_530 : f32
        %sub3A_535 = arith.constant 1.500000e+00 : f32
        %sub3A_536 = arith.subf %sub3A_535, %mul3A_534 : f32
        %mul3A_537 = arith.mulf %mul3A_530, %sub3A_536 : f32
        %add3A_538 = arith.constant 9.99999996E-13 : f32
        %add3A_539 = arith.addf %sub3A_475, %add3A_538 : f32
        %bitcast_convert_type3A_540 = arith.bitcast %add3A_539 : f32 to i32
        %shift_right_arithmetic3A_541 = arith.constant 1 : i32
        %shift_right_arithmetic3A_542 = arith.shrsi %bitcast_convert_type3A_540, %shift_right_arithmetic3A_541 : i32
        %sub3A_543 = arith.constant 1597463007 : i32
        %sub3A_544 = arith.subi %sub3A_543, %shift_right_arithmetic3A_542 : i32
        %bitcast_convert_type3A_545 = arith.bitcast %sub3A_544 : i32 to f32
        %mul3A_546 = arith.constant 5.000000e-01 : f32
        %mul3A_547 = arith.mulf %mul3A_546, %add3A_539 : f32
        %mul3A_548 = arith.mulf %mul3A_547, %bitcast_convert_type3A_545 : f32
        %mul3A_549 = arith.mulf %mul3A_548, %bitcast_convert_type3A_545 : f32
        %sub3A_550 = arith.constant 1.500000e+00 : f32
        %sub3A_551 = arith.subf %sub3A_550, %mul3A_549 : f32
        %mul3A_552 = arith.mulf %bitcast_convert_type3A_545, %sub3A_551 : f32
        %mul3A_553 = arith.constant 5.000000e-01 : f32
        %mul3A_554 = arith.mulf %mul3A_553, %add3A_539 : f32
        %mul3A_555 = arith.mulf %mul3A_554, %mul3A_552 : f32
        %mul3A_556 = arith.mulf %mul3A_555, %mul3A_552 : f32
        %sub3A_557 = arith.constant 1.500000e+00 : f32
        %sub3A_558 = arith.subf %sub3A_557, %mul3A_556 : f32
        %mul3A_559 = arith.mulf %mul3A_552, %sub3A_558 : f32
        %mul3A_560 = arith.constant 5.000000e-01 : f32
        %mul3A_561 = arith.mulf %mul3A_560, %add3A_539 : f32
        %mul3A_562 = arith.mulf %mul3A_561, %mul3A_559 : f32
        %mul3A_563 = arith.mulf %mul3A_562, %mul3A_559 : f32
        %sub3A_564 = arith.constant 1.500000e+00 : f32
        %sub3A_565 = arith.subf %sub3A_564, %mul3A_563 : f32
        %mul3A_566 = arith.mulf %mul3A_559, %sub3A_565 : f32
        %add3A_567 = arith.constant 9.99999996E-13 : f32
        %add3A_568 = arith.addf %sub3A_481, %add3A_567 : f32
        %bitcast_convert_type3A_569 = arith.bitcast %add3A_568 : f32 to i32
        %shift_right_arithmetic3A_570 = arith.constant 1 : i32
        %shift_right_arithmetic3A_571 = arith.shrsi %bitcast_convert_type3A_569, %shift_right_arithmetic3A_570 : i32
        %sub3A_572 = arith.constant 1597463007 : i32
        %sub3A_573 = arith.subi %sub3A_572, %shift_right_arithmetic3A_571 : i32
        %bitcast_convert_type3A_574 = arith.bitcast %sub3A_573 : i32 to f32
        %mul3A_575 = arith.constant 5.000000e-01 : f32
        %mul3A_576 = arith.mulf %mul3A_575, %add3A_568 : f32
        %mul3A_577 = arith.mulf %mul3A_576, %bitcast_convert_type3A_574 : f32
        %mul3A_578 = arith.mulf %mul3A_577, %bitcast_convert_type3A_574 : f32
        %sub3A_579 = arith.constant 1.500000e+00 : f32
        %sub3A_580 = arith.subf %sub3A_579, %mul3A_578 : f32
        %mul3A_581 = arith.mulf %bitcast_convert_type3A_574, %sub3A_580 : f32
        %mul3A_582 = arith.constant 5.000000e-01 : f32
        %mul3A_583 = arith.mulf %mul3A_582, %add3A_568 : f32
        %mul3A_584 = arith.mulf %mul3A_583, %mul3A_581 : f32
        %mul3A_585 = arith.mulf %mul3A_584, %mul3A_581 : f32
        %sub3A_586 = arith.constant 1.500000e+00 : f32
        %sub3A_587 = arith.subf %sub3A_586, %mul3A_585 : f32
        %mul3A_588 = arith.mulf %mul3A_581, %sub3A_587 : f32
        %mul3A_589 = arith.constant 5.000000e-01 : f32
        %mul3A_590 = arith.mulf %mul3A_589, %add3A_568 : f32
        %mul3A_591 = arith.mulf %mul3A_590, %mul3A_588 : f32
        %mul3A_592 = arith.mulf %mul3A_591, %mul3A_588 : f32
        %sub3A_593 = arith.constant 1.500000e+00 : f32
        %sub3A_594 = arith.subf %sub3A_593, %mul3A_592 : f32
        %mul3A_595 = arith.mulf %mul3A_588, %sub3A_594 : f32
        %mul3A_596 = arith.mulf %mul3A_445, %mul3A_508 : f32
        %mul3A_597 = arith.mulf %mul3A_449, %mul3A_537 : f32
        %mul3A_598 = arith.mulf %mul3A_453, %mul3A_566 : f32
        %mul3A_599 = arith.mulf %mul3A_457, %mul3A_595 : f32
        %mul3A_600 = vector.broadcast %mul3A_508 : f32 to vector<16xf32>
        %mul3A_601 = arith.mulf %add3A_366, %mul3A_600 : vector<16xf32>
        %sub3A_602 = vector.broadcast %mul3A_596 : f32 to vector<16xf32>
        %sub3A_603 = arith.subf %mul3A_601, %sub3A_602 : vector<16xf32>
        %mul3A_604 = vector.broadcast %mul3A_508 : f32 to vector<16xf32>
        %mul3A_605 = arith.mulf %add3A_367, %mul3A_604 : vector<16xf32>
        %sub3A_606 = vector.broadcast %mul3A_596 : f32 to vector<16xf32>
        %sub3A_607 = arith.subf %mul3A_605, %sub3A_606 : vector<16xf32>
        %mul3A_608 = vector.broadcast %mul3A_508 : f32 to vector<16xf32>
        %mul3A_609 = arith.mulf %add3A_368, %mul3A_608 : vector<16xf32>
        %sub3A_610 = vector.broadcast %mul3A_596 : f32 to vector<16xf32>
        %sub3A_611 = arith.subf %mul3A_609, %sub3A_610 : vector<16xf32>
        %mul3A_612 = vector.broadcast %mul3A_508 : f32 to vector<16xf32>
        %mul3A_613 = arith.mulf %add3A_369, %mul3A_612 : vector<16xf32>
        %sub3A_614 = vector.broadcast %mul3A_596 : f32 to vector<16xf32>
        %sub3A_615 = arith.subf %mul3A_613, %sub3A_614 : vector<16xf32>
        %mul3A_616 = vector.broadcast %mul3A_537 : f32 to vector<16xf32>
        %mul3A_617 = arith.mulf %add3A_370, %mul3A_616 : vector<16xf32>
        %sub3A_618 = vector.broadcast %mul3A_597 : f32 to vector<16xf32>
        %sub3A_619 = arith.subf %mul3A_617, %sub3A_618 : vector<16xf32>
        %mul3A_620 = vector.broadcast %mul3A_537 : f32 to vector<16xf32>
        %mul3A_621 = arith.mulf %add3A_371, %mul3A_620 : vector<16xf32>
        %sub3A_622 = vector.broadcast %mul3A_597 : f32 to vector<16xf32>
        %sub3A_623 = arith.subf %mul3A_621, %sub3A_622 : vector<16xf32>
        %mul3A_624 = vector.broadcast %mul3A_537 : f32 to vector<16xf32>
        %mul3A_625 = arith.mulf %add3A_372, %mul3A_624 : vector<16xf32>
        %sub3A_626 = vector.broadcast %mul3A_597 : f32 to vector<16xf32>
        %sub3A_627 = arith.subf %mul3A_625, %sub3A_626 : vector<16xf32>
        %mul3A_628 = vector.broadcast %mul3A_537 : f32 to vector<16xf32>
        %mul3A_629 = arith.mulf %add3A_373, %mul3A_628 : vector<16xf32>
        %sub3A_630 = vector.broadcast %mul3A_597 : f32 to vector<16xf32>
        %sub3A_631 = arith.subf %mul3A_629, %sub3A_630 : vector<16xf32>
        %mul3A_632 = vector.broadcast %mul3A_566 : f32 to vector<16xf32>
        %mul3A_633 = arith.mulf %add3A_374, %mul3A_632 : vector<16xf32>
        %sub3A_634 = vector.broadcast %mul3A_598 : f32 to vector<16xf32>
        %sub3A_635 = arith.subf %mul3A_633, %sub3A_634 : vector<16xf32>
        %mul3A_636 = vector.broadcast %mul3A_566 : f32 to vector<16xf32>
        %mul3A_637 = arith.mulf %add3A_375, %mul3A_636 : vector<16xf32>
        %sub3A_638 = vector.broadcast %mul3A_598 : f32 to vector<16xf32>
        %sub3A_639 = arith.subf %mul3A_637, %sub3A_638 : vector<16xf32>
        %mul3A_640 = vector.broadcast %mul3A_566 : f32 to vector<16xf32>
        %mul3A_641 = arith.mulf %add3A_376, %mul3A_640 : vector<16xf32>
        %sub3A_642 = vector.broadcast %mul3A_598 : f32 to vector<16xf32>
        %sub3A_643 = arith.subf %mul3A_641, %sub3A_642 : vector<16xf32>
        %mul3A_644 = vector.broadcast %mul3A_566 : f32 to vector<16xf32>
        %mul3A_645 = arith.mulf %add3A_377, %mul3A_644 : vector<16xf32>
        %sub3A_646 = vector.broadcast %mul3A_598 : f32 to vector<16xf32>
        %sub3A_647 = arith.subf %mul3A_645, %sub3A_646 : vector<16xf32>
        %mul3A_648 = vector.broadcast %mul3A_595 : f32 to vector<16xf32>
        %mul3A_649 = arith.mulf %add3A_378, %mul3A_648 : vector<16xf32>
        %sub3A_650 = vector.broadcast %mul3A_599 : f32 to vector<16xf32>
        %sub3A_651 = arith.subf %mul3A_649, %sub3A_650 : vector<16xf32>
        %mul3A_652 = vector.broadcast %mul3A_595 : f32 to vector<16xf32>
        %mul3A_653 = arith.mulf %add3A_379, %mul3A_652 : vector<16xf32>
        %sub3A_654 = vector.broadcast %mul3A_599 : f32 to vector<16xf32>
        %sub3A_655 = arith.subf %mul3A_653, %sub3A_654 : vector<16xf32>
        %mul3A_656 = vector.broadcast %mul3A_595 : f32 to vector<16xf32>
        %mul3A_657 = arith.mulf %add3A_380, %mul3A_656 : vector<16xf32>
        %sub3A_658 = vector.broadcast %mul3A_599 : f32 to vector<16xf32>
        %sub3A_659 = arith.subf %mul3A_657, %sub3A_658 : vector<16xf32>
        %mul3A_660 = vector.broadcast %mul3A_595 : f32 to vector<16xf32>
        %mul3A_661 = arith.mulf %add3A_381, %mul3A_660 : vector<16xf32>
        %sub3A_662 = vector.broadcast %mul3A_599 : f32 to vector<16xf32>
        %sub3A_663 = arith.subf %mul3A_661, %sub3A_662 : vector<16xf32>
        %mul3A_664 = arith.mulf %sub3A_603, %get3A_5 : vector<16xf32>
        %add3A_665 = arith.addf %mul3A_664, %get3A_13 : vector<16xf32>
        %mul3A_666 = arith.mulf %sub3A_607, %get3A_7 : vector<16xf32>
        %add3A_667 = arith.addf %mul3A_666, %get3A_15 : vector<16xf32>
        %mul3A_668 = arith.mulf %sub3A_611, %get3A_9 : vector<16xf32>
        %add3A_669 = arith.addf %mul3A_668, %get3A_17 : vector<16xf32>
        %mul3A_670 = arith.mulf %sub3A_615, %get3A_11 : vector<16xf32>
        %add3A_671 = arith.addf %mul3A_670, %get3A_19 : vector<16xf32>
        %mul3A_672 = arith.mulf %sub3A_619, %get3A_5 : vector<16xf32>
        %add3A_673 = arith.addf %mul3A_672, %get3A_13 : vector<16xf32>
        %mul3A_674 = arith.mulf %sub3A_623, %get3A_7 : vector<16xf32>
        %add3A_675 = arith.addf %mul3A_674, %get3A_15 : vector<16xf32>
        %mul3A_676 = arith.mulf %sub3A_627, %get3A_9 : vector<16xf32>
        %add3A_677 = arith.addf %mul3A_676, %get3A_17 : vector<16xf32>
        %mul3A_678 = arith.mulf %sub3A_631, %get3A_11 : vector<16xf32>
        %add3A_679 = arith.addf %mul3A_678, %get3A_19 : vector<16xf32>
        %mul3A_680 = arith.mulf %sub3A_635, %get3A_5 : vector<16xf32>
        %add3A_681 = arith.addf %mul3A_680, %get3A_13 : vector<16xf32>
        %mul3A_682 = arith.mulf %sub3A_639, %get3A_7 : vector<16xf32>
        %add3A_683 = arith.addf %mul3A_682, %get3A_15 : vector<16xf32>
        %mul3A_684 = arith.mulf %sub3A_643, %get3A_9 : vector<16xf32>
        %add3A_685 = arith.addf %mul3A_684, %get3A_17 : vector<16xf32>
        %mul3A_686 = arith.mulf %sub3A_647, %get3A_11 : vector<16xf32>
        %add3A_687 = arith.addf %mul3A_686, %get3A_19 : vector<16xf32>
        %mul3A_688 = arith.mulf %sub3A_651, %get3A_5 : vector<16xf32>
        %add3A_689 = arith.addf %mul3A_688, %get3A_13 : vector<16xf32>
        %mul3A_690 = arith.mulf %sub3A_655, %get3A_7 : vector<16xf32>
        %add3A_691 = arith.addf %mul3A_690, %get3A_15 : vector<16xf32>
        %mul3A_692 = arith.mulf %sub3A_659, %get3A_9 : vector<16xf32>
        %add3A_693 = arith.addf %mul3A_692, %get3A_17 : vector<16xf32>
        %mul3A_694 = arith.mulf %sub3A_663, %get3A_11 : vector<16xf32>
        %add3A_695 = arith.addf %mul3A_694, %get3A_19 : vector<16xf32>
        %mul3A_696 = arith.constant 2 : i32
        %mul3A_697 = arith.muli %scan3A_253, %mul3A_696 : i32
        %add3A_698 = arith.constant 0 : i32
        %add3A_699 = arith.addi %mul3A_697, %add3A_698 : i32
        %swap3A = arith.index_cast %add3A_699 : i32 to index
        %swap3A_700 = arith.constant 0 : index
        %swap3A_701 = tpu.vector_load %arg16[%swap3A, %swap3A_700] {strides = array<i32>} : memref<100x128xf32, #tpu.memory_space<vmem>>, vector<16xf32>,
        tpu.vector_store %arg16[%swap3A, %swap3A_700], %add3A_665 {strides = array<i32>} : memref<100x128xf32, #tpu.memory_space<vmem>>, vector<16xf32>,
        %mul3A_702 = arith.constant 2 : i32
        %mul3A_703 = arith.muli %scan3A_253, %mul3A_702 : i32
        %add3A_704 = arith.constant 0 : i32
        %add3A_705 = arith.addi %mul3A_703, %add3A_704 : i32
        %swap3A_706 = arith.index_cast %add3A_705 : i32 to index
        %swap3A_707 = arith.constant 16 : index
        %swap3A_708 = tpu.vector_load %arg16[%swap3A_706, %swap3A_707] {strides = array<i32>} : memref<100x128xf32, #tpu.memory_space<vmem>>, vector<16xf32>,
        tpu.vector_store %arg16[%swap3A_706, %swap3A_707], %add3A_667 {strides = array<i32>} : memref<100x128xf32, #tpu.memory_space<vmem>>, vector<16xf32>,
        %mul3A_709 = arith.constant 2 : i32
        %mul3A_710 = arith.muli %scan3A_253, %mul3A_709 : i32
        %add3A_711 = arith.constant 0 : i32
        %add3A_712 = arith.addi %mul3A_710, %add3A_711 : i32
        %swap3A_713 = arith.index_cast %add3A_712 : i32 to index
        %swap3A_714 = arith.constant 32 : index
        %swap3A_715 = tpu.vector_load %arg16[%swap3A_713, %swap3A_714] {strides = array<i32>} : memref<100x128xf32, #tpu.memory_space<vmem>>, vector<16xf32>,
        tpu.vector_store %arg16[%swap3A_713, %swap3A_714], %add3A_669 {strides = array<i32>} : memref<100x128xf32, #tpu.memory_space<vmem>>, vector<16xf32>,
        %mul3A_716 = arith.constant 2 : i32
        %mul3A_717 = arith.muli %scan3A_253, %mul3A_716 : i32
        %add3A_718 = arith.constant 0 : i32
        %add3A_719 = arith.addi %mul3A_717, %add3A_718 : i32
        %swap3A_720 = arith.index_cast %add3A_719 : i32 to index
        %swap3A_721 = arith.constant 48 : index
        %swap3A_722 = tpu.vector_load %arg16[%swap3A_720, %swap3A_721] {strides = array<i32>} : memref<100x128xf32, #tpu.memory_space<vmem>>, vector<16xf32>,
        tpu.vector_store %arg16[%swap3A_720, %swap3A_721], %add3A_671 {strides = array<i32>} : memref<100x128xf32, #tpu.memory_space<vmem>>, vector<16xf32>,
        %mul3A_723 = arith.constant 2 : i32
        %mul3A_724 = arith.muli %scan3A_253, %mul3A_723 : i32
        %add3A_725 = arith.constant 0 : i32
        %add3A_726 = arith.addi %mul3A_724, %add3A_725 : i32
        %swap3A_727 = arith.index_cast %add3A_726 : i32 to index
        %swap3A_728 = arith.constant 64 : index
        %swap3A_729 = tpu.vector_load %arg16[%swap3A_727, %swap3A_728] {strides = array<i32>} : memref<100x128xf32, #tpu.memory_space<vmem>>, vector<16xf32>,
        tpu.vector_store %arg16[%swap3A_727, %swap3A_728], %add3A_673 {strides = array<i32>} : memref<100x128xf32, #tpu.memory_space<vmem>>, vector<16xf32>,
        %mul3A_730 = arith.constant 2 : i32
        %mul3A_731 = arith.muli %scan3A_253, %mul3A_730 : i32
        %add3A_732 = arith.constant 0 : i32
        %add3A_733 = arith.addi %mul3A_731, %add3A_732 : i32
        %swap3A_734 = arith.index_cast %add3A_733 : i32 to index
        %swap3A_735 = arith.constant 80 : index
        %swap3A_736 = tpu.vector_load %arg16[%swap3A_734, %swap3A_735] {strides = array<i32>} : memref<100x128xf32, #tpu.memory_space<vmem>>, vector<16xf32>,
        tpu.vector_store %arg16[%swap3A_734, %swap3A_735], %add3A_675 {strides = array<i32>} : memref<100x128xf32, #tpu.memory_space<vmem>>, vector<16xf32>,
        %mul3A_737 = arith.constant 2 : i32
        %mul3A_738 = arith.muli %scan3A_253, %mul3A_737 : i32
        %add3A_739 = arith.constant 0 : i32
        %add3A_740 = arith.addi %mul3A_738, %add3A_739 : i32
        %swap3A_741 = arith.index_cast %add3A_740 : i32 to index
        %swap3A_742 = arith.constant 96 : index
        %swap3A_743 = tpu.vector_load %arg16[%swap3A_741, %swap3A_742] {strides = array<i32>} : memref<100x128xf32, #tpu.memory_space<vmem>>, vector<16xf32>,
        tpu.vector_store %arg16[%swap3A_741, %swap3A_742], %add3A_677 {strides = array<i32>} : memref<100x128xf32, #tpu.memory_space<vmem>>, vector<16xf32>,
        %mul3A_744 = arith.constant 2 : i32
        %mul3A_745 = arith.muli %scan3A_253, %mul3A_744 : i32
        %add3A_746 = arith.constant 0 : i32
        %add3A_747 = arith.addi %mul3A_745, %add3A_746 : i32
        %swap3A_748 = arith.index_cast %add3A_747 : i32 to index
        %swap3A_749 = arith.constant 112 : index
        %swap3A_750 = tpu.vector_load %arg16[%swap3A_748, %swap3A_749] {strides = array<i32>} : memref<100x128xf32, #tpu.memory_space<vmem>>, vector<16xf32>,
        tpu.vector_store %arg16[%swap3A_748, %swap3A_749], %add3A_679 {strides = array<i32>} : memref<100x128xf32, #tpu.memory_space<vmem>>, vector<16xf32>,
        %mul3A_751 = arith.constant 2 : i32
        %mul3A_752 = arith.muli %scan3A_253, %mul3A_751 : i32
        %add3A_753 = arith.constant 1 : i32
        %add3A_754 = arith.addi %mul3A_752, %add3A_753 : i32
        %swap3A_755 = arith.index_cast %add3A_754 : i32 to index
        %swap3A_756 = arith.constant 0 : index
        %swap3A_757 = tpu.vector_load %arg16[%swap3A_755, %swap3A_756] {strides = array<i32>} : memref<100x128xf32, #tpu.memory_space<vmem>>, vector<16xf32>,
        tpu.vector_store %arg16[%swap3A_755, %swap3A_756], %add3A_681 {strides = array<i32>} : memref<100x128xf32, #tpu.memory_space<vmem>>, vector<16xf32>,
        %mul3A_758 = arith.constant 2 : i32
        %mul3A_759 = arith.muli %scan3A_253, %mul3A_758 : i32
        %add3A_760 = arith.constant 1 : i32
        %add3A_761 = arith.addi %mul3A_759, %add3A_760 : i32
        %swap3A_762 = arith.index_cast %add3A_761 : i32 to index
        %swap3A_763 = arith.constant 16 : index
        %swap3A_764 = tpu.vector_load %arg16[%swap3A_762, %swap3A_763] {strides = array<i32>} : memref<100x128xf32, #tpu.memory_space<vmem>>, vector<16xf32>,
        tpu.vector_store %arg16[%swap3A_762, %swap3A_763], %add3A_683 {strides = array<i32>} : memref<100x128xf32, #tpu.memory_space<vmem>>, vector<16xf32>,
        %mul3A_765 = arith.constant 2 : i32
        %mul3A_766 = arith.muli %scan3A_253, %mul3A_765 : i32
        %add3A_767 = arith.constant 1 : i32
        %add3A_768 = arith.addi %mul3A_766, %add3A_767 : i32
        %swap3A_769 = arith.index_cast %add3A_768 : i32 to index
        %swap3A_770 = arith.constant 32 : index
        %swap3A_771 = tpu.vector_load %arg16[%swap3A_769, %swap3A_770] {strides = array<i32>} : memref<100x128xf32, #tpu.memory_space<vmem>>, vector<16xf32>,
        tpu.vector_store %arg16[%swap3A_769, %swap3A_770], %add3A_685 {strides = array<i32>} : memref<100x128xf32, #tpu.memory_space<vmem>>, vector<16xf32>,
        %mul3A_772 = arith.constant 2 : i32
        %mul3A_773 = arith.muli %scan3A_253, %mul3A_772 : i32
        %add3A_774 = arith.constant 1 : i32
        %add3A_775 = arith.addi %mul3A_773, %add3A_774 : i32
        %swap3A_776 = arith.index_cast %add3A_775 : i32 to index
        %swap3A_777 = arith.constant 48 : index
        %swap3A_778 = tpu.vector_load %arg16[%swap3A_776, %swap3A_777] {strides = array<i32>} : memref<100x128xf32, #tpu.memory_space<vmem>>, vector<16xf32>,
        tpu.vector_store %arg16[%swap3A_776, %swap3A_777], %add3A_687 {strides = array<i32>} : memref<100x128xf32, #tpu.memory_space<vmem>>, vector<16xf32>,
        %mul3A_779 = arith.constant 2 : i32
        %mul3A_780 = arith.muli %scan3A_253, %mul3A_779 : i32
        %add3A_781 = arith.constant 1 : i32
        %add3A_782 = arith.addi %mul3A_780, %add3A_781 : i32
        %swap3A_783 = arith.index_cast %add3A_782 : i32 to index
        %swap3A_784 = arith.constant 64 : index
        %swap3A_785 = tpu.vector_load %arg16[%swap3A_783, %swap3A_784] {strides = array<i32>} : memref<100x128xf32, #tpu.memory_space<vmem>>, vector<16xf32>,
        tpu.vector_store %arg16[%swap3A_783, %swap3A_784], %add3A_689 {strides = array<i32>} : memref<100x128xf32, #tpu.memory_space<vmem>>, vector<16xf32>,
        %mul3A_786 = arith.constant 2 : i32
        %mul3A_787 = arith.muli %scan3A_253, %mul3A_786 : i32
        %add3A_788 = arith.constant 1 : i32
        %add3A_789 = arith.addi %mul3A_787, %add3A_788 : i32
        %swap3A_790 = arith.index_cast %add3A_789 : i32 to index
        %swap3A_791 = arith.constant 80 : index
        %swap3A_792 = tpu.vector_load %arg16[%swap3A_790, %swap3A_791] {strides = array<i32>} : memref<100x128xf32, #tpu.memory_space<vmem>>, vector<16xf32>,
        tpu.vector_store %arg16[%swap3A_790, %swap3A_791], %add3A_691 {strides = array<i32>} : memref<100x128xf32, #tpu.memory_space<vmem>>, vector<16xf32>,
        %mul3A_793 = arith.constant 2 : i32
        %mul3A_794 = arith.muli %scan3A_253, %mul3A_793 : i32
        %add3A_795 = arith.constant 1 : i32
        %add3A_796 = arith.addi %mul3A_794, %add3A_795 : i32
        %swap3A_797 = arith.index_cast %add3A_796 : i32 to index
        %swap3A_798 = arith.constant 96 : index
        %swap3A_799 = tpu.vector_load %arg16[%swap3A_797, %swap3A_798] {strides = array<i32>} : memref<100x128xf32, #tpu.memory_space<vmem>>, vector<16xf32>,
        tpu.vector_store %arg16[%swap3A_797, %swap3A_798], %add3A_693 {strides = array<i32>} : memref<100x128xf32, #tpu.memory_space<vmem>>, vector<16xf32>,
        %mul3A_800 = arith.constant 2 : i32
        %mul3A_801 = arith.muli %scan3A_253, %mul3A_800 : i32
        %add3A_802 = arith.constant 1 : i32
        %add3A_803 = arith.addi %mul3A_801, %add3A_802 : i32
        %swap3A_804 = arith.index_cast %add3A_803 : i32 to index
        %swap3A_805 = arith.constant 112 : index
        %swap3A_806 = tpu.vector_load %arg16[%swap3A_804, %swap3A_805] {strides = array<i32>} : memref<100x128xf32, #tpu.memory_space<vmem>>, vector<16xf32>,
        tpu.vector_store %arg16[%swap3A_804, %swap3A_805], %add3A_695 {strides = array<i32>} : memref<100x128xf32, #tpu.memory_space<vmem>>, vector<16xf32>,
      }
      %scan3A_176 = arith.constant 50 : i32
      %dma_start3A_177 = arith.constant 0 : i32
      %dma_start3A_178 = arith.constant 0 : i32
      %dma_start3A_179 = tpu.memref_slice %arg7[%add3A_129, %dma_start3A_177, %dma_start3A_178] : memref<1024x100x128xf32, #tpu.memory_space<hbm>> -> memref<1x100x128xf32, #tpu.memory_space<hbm>>
      %dma_start3A_180 = tpu.memref_squeeze %dma_start3A_179 : memref<1x100x128xf32, #tpu.memory_space<hbm>> -> memref<100x128xf32, #tpu.memory_space<hbm>>
      %dma_start3A_181 = arith.constant 0 : i32
      %dma_start3A_182 = arith.constant 0 : i32
      %dma_start3A_183 = tpu.memref_slice %arg7[%add3A_129, %dma_start3A_181, %dma_start3A_182] : memref<1024x100x128xf32, #tpu.memory_space<hbm>> -> memref<1x100x128xf32, #tpu.memory_space<hbm>>
      %dma_start3A_184 = tpu.memref_squeeze %dma_start3A_183 : memref<1x100x128xf32, #tpu.memory_space<hbm>> -> memref<100x128xf32, #tpu.memory_space<hbm>>
      tpu.enqueue_dma source(%arg16 : memref<100x128xf32, #tpu.memory_space<vmem>>) target(%dma_start3A_184 : memref<100x128xf32, #tpu.memory_space<hbm>>) target_semaphore(%arg24 : memref<!tpu.dma_semaphore, #tpu.memory_space<semaphore_mem>>)
      %convert_element_type3A_185 = arith.extui %lt3A_123 : i1 to i32
      %cond3A_186 = arith.constant 0 : i32
      %cond3A_187 = arith.cmpi ne, %convert_element_type3A_185, %cond3A_186 : i32
      scf.if %cond3A_187 {
        %dma_wait3A_253 = tpu.memref_slice %arg2[%add3A_134] : memref<204800xi32, #tpu.memory_space<hbm>> -> memref<200xi32, #tpu.memory_space<hbm>>
        %dma_wait3A_254 = tpu.memref_slice %arg2[%add3A_134] : memref<204800xi32, #tpu.memory_space<hbm>> -> memref<200xi32, #tpu.memory_space<hbm>>
        tpu.wait_dma2 semaphore(%arg22 : memref<!tpu.dma_semaphore, #tpu.memory_space<semaphore_mem>>) src(%dma_wait3A_254 : memref<200xi32, #tpu.memory_space<hbm>>) dst(%arg8 : memref<200xi32, #tpu.memory_space<vmem>>)
        %dma_wait3A_255 = tpu.memref_slice %arg3[%add3A_134] : memref<204800xi32, #tpu.memory_space<hbm>> -> memref<200xi32, #tpu.memory_space<hbm>>
        %dma_wait3A_256 = tpu.memref_slice %arg3[%add3A_134] : memref<204800xi32, #tpu.memory_space<hbm>> -> memref<200xi32, #tpu.memory_space<hbm>>
        tpu.wait_dma2 semaphore(%arg22 : memref<!tpu.dma_semaphore, #tpu.memory_space<semaphore_mem>>) src(%dma_wait3A_256 : memref<200xi32, #tpu.memory_space<hbm>>) dst(%arg10 : memref<200xi32, #tpu.memory_space<vmem>>)
        %dma_start3A_257 = arith.constant 0 : i32
        %dma_start3A_258 = arith.constant 0 : i32
        %dma_start3A_259 = tpu.memref_slice %arg12[%dma_start3A_257, %dma_start3A_258] : memref<200x64xf32, #tpu.memory_space<vmem>> -> memref<128x64xf32, #tpu.memory_space<vmem>>
        %dma_start3A_260 = arith.constant 0 : i32
        %dma_start3A_261 = tpu.memref_slice %arg8[%dma_start3A_260] : memref<200xi32, #tpu.memory_space<vmem>> -> memref<128xi32, #tpu.memory_space<vmem>>
        %dma_start3A_262 = arith.constant 0 : i32
        %dma_start3A_263 = arith.constant 0 : i32
        %dma_start3A_264 = tpu.memref_slice %arg4[%dma_start3A_262, %dma_start3A_263] : memref<100000x64xf32, #tpu.memory_space<hbm>> -> memref<100000x64xf32, #tpu.memory_space<hbm>>
        tpu.enqueue_indirect_dma source(%dma_start3A_264 : memref<100000x64xf32, #tpu.memory_space<hbm>>) target(%dma_start3A_259 : memref<128x64xf32, #tpu.memory_space<vmem>>) offsets(%dma_start3A_261 : memref<128xi32, #tpu.memory_space<vmem>>) semaphore(%arg20 : memref<!tpu.dma_semaphore, #tpu.memory_space<semaphore_mem>>)
        %dma_start3A_265 = arith.constant 0 : i32
        %dma_start3A_266 = arith.constant 0 : i32
        %dma_start3A_267 = tpu.memref_slice %arg14[%dma_start3A_265, %dma_start3A_266] : memref<200x64xf32, #tpu.memory_space<vmem>> -> memref<128x64xf32, #tpu.memory_space<vmem>>
        %dma_start3A_268 = arith.constant 0 : i32
        %dma_start3A_269 = tpu.memref_slice %arg10[%dma_start3A_268] : memref<200xi32, #tpu.memory_space<vmem>> -> memref<128xi32, #tpu.memory_space<vmem>>
        %dma_start3A_270 = arith.constant 0 : i32
        %dma_start3A_271 = arith.constant 0 : i32
        %dma_start3A_272 = tpu.memref_slice %arg4[%dma_start3A_270, %dma_start3A_271] : memref<100000x64xf32, #tpu.memory_space<hbm>> -> memref<100000x64xf32, #tpu.memory_space<hbm>>
        tpu.enqueue_indirect_dma source(%dma_start3A_272 : memref<100000x64xf32, #tpu.memory_space<hbm>>) target(%dma_start3A_267 : memref<128x64xf32, #tpu.memory_space<vmem>>) offsets(%dma_start3A_269 : memref<128xi32, #tpu.memory_space<vmem>>) semaphore(%arg20 : memref<!tpu.dma_semaphore, #tpu.memory_space<semaphore_mem>>)
        %dma_start3A_273 = arith.constant 128 : i32
        %dma_start3A_274 = arith.constant 0 : i32
        %dma_start3A_275 = tpu.memref_slice %arg12[%dma_start3A_273, %dma_start3A_274] : memref<200x64xf32, #tpu.memory_space<vmem>> -> memref<72x64xf32, #tpu.memory_space<vmem>>
        %dma_start3A_276 = arith.constant 128 : i32
        %dma_start3A_277 = tpu.memref_slice %arg8[%dma_start3A_276] : memref<200xi32, #tpu.memory_space<vmem>> -> memref<72xi32, #tpu.memory_space<vmem>>
        %dma_start3A_278 = arith.constant 0 : i32
        %dma_start3A_279 = arith.constant 0 : i32
        %dma_start3A_280 = tpu.memref_slice %arg4[%dma_start3A_278, %dma_start3A_279] : memref<100000x64xf32, #tpu.memory_space<hbm>> -> memref<100000x64xf32, #tpu.memory_space<hbm>>
        tpu.enqueue_indirect_dma source(%dma_start3A_280 : memref<100000x64xf32, #tpu.memory_space<hbm>>) target(%dma_start3A_275 : memref<72x64xf32, #tpu.memory_space<vmem>>) offsets(%dma_start3A_277 : memref<72xi32, #tpu.memory_space<vmem>>) semaphore(%arg20 : memref<!tpu.dma_semaphore, #tpu.memory_space<semaphore_mem>>)
        %dma_start3A_281 = arith.constant 128 : i32
        %dma_start3A_282 = arith.constant 0 : i32
        %dma_start3A_283 = tpu.memref_slice %arg14[%dma_start3A_281, %dma_start3A_282] : memref<200x64xf32, #tpu.memory_space<vmem>> -> memref<72x64xf32, #tpu.memory_space<vmem>>
        %dma_start3A_284 = arith.constant 128 : i32
        %dma_start3A_285 = tpu.memref_slice %arg10[%dma_start3A_284] : memref<200xi32, #tpu.memory_space<vmem>> -> memref<72xi32, #tpu.memory_space<vmem>>
        %dma_start3A_286 = arith.constant 0 : i32
        %dma_start3A_287 = arith.constant 0 : i32
        %dma_start3A_288 = tpu.memref_slice %arg4[%dma_start3A_286, %dma_start3A_287] : memref<100000x64xf32, #tpu.memory_space<hbm>> -> memref<100000x64xf32, #tpu.memory_space<hbm>>
        tpu.enqueue_indirect_dma source(%dma_start3A_288 : memref<100000x64xf32, #tpu.memory_space<hbm>>) target(%dma_start3A_283 : memref<72x64xf32, #tpu.memory_space<vmem>>) offsets(%dma_start3A_285 : memref<72xi32, #tpu.memory_space<vmem>>) semaphore(%arg20 : memref<!tpu.dma_semaphore, #tpu.memory_space<semaphore_mem>>)
      } else {
      }
      %mul3A_188 = arith.constant 2 : i32
      %mul3A_189 = arith.muli %mul3A_188, %scan3A_122 : i32
      %add3A_190 = arith.constant 1 : i32
      %add3A_191 = arith.addi %mul3A_189, %add3A_190 : i32
      %add3A_192 = arith.addi %mul3A_2, %add3A_191 : i32
      %add3A_193 = arith.constant 2 : i32
      %add3A_194 = arith.addi %add3A_191, %add3A_193 : i32
      %mul3A_195 = arith.constant 200 : i32
      %mul3A_196 = arith.muli %add3A_194, %mul3A_195 : i32
      %add3A_197 = arith.addi %mul3A_4, %mul3A_196 : i32
      %dma_wait3A_198 = arith.constant 0 : i32
      %dma_wait3A_199 = arith.constant 0 : i32
      %dma_wait3A_200 = tpu.memref_slice %arg13[%dma_wait3A_198, %dma_wait3A_199] : memref<200x64xf32, #tpu.memory_space<vmem>> -> memref<128x64xf32, #tpu.memory_space<vmem>>
      %dma_wait3A_201 = arith.constant 0 : i32
      %dma_wait3A_202 = tpu.memref_slice %arg9[%dma_wait3A_201] : memref<200xi32, #tpu.memory_space<vmem>> -> memref<128xi32, #tpu.memory_space<vmem>>
      %dma_wait3A_203 = arith.constant 0 : i32
      %dma_wait3A_204 = arith.constant 0 : i32
      %dma_wait3A_205 = tpu.memref_slice %arg4[%dma_wait3A_203, %dma_wait3A_204] : memref<100000x64xf32, #tpu.memory_space<hbm>> -> memref<100000x64xf32, #tpu.memory_space<hbm>>
      tpu.wait_indirect_dma semaphore(%arg21 : memref<!tpu.dma_semaphore, #tpu.memory_space<semaphore_mem>>) src(%dma_wait3A_205 : memref<100000x64xf32, #tpu.memory_space<hbm>>) dst(%dma_wait3A_200 : memref<128x64xf32, #tpu.memory_space<vmem>>)
      %dma_wait3A_206 = arith.constant 0 : i32
      %dma_wait3A_207 = arith.constant 0 : i32
      %dma_wait3A_208 = tpu.memref_slice %arg15[%dma_wait3A_206, %dma_wait3A_207] : memref<200x64xf32, #tpu.memory_space<vmem>> -> memref<128x64xf32, #tpu.memory_space<vmem>>
      %dma_wait3A_209 = arith.constant 0 : i32
      %dma_wait3A_210 = tpu.memref_slice %arg11[%dma_wait3A_209] : memref<200xi32, #tpu.memory_space<vmem>> -> memref<128xi32, #tpu.memory_space<vmem>>
      %dma_wait3A_211 = arith.constant 0 : i32
      %dma_wait3A_212 = arith.constant 0 : i32
      %dma_wait3A_213 = tpu.memref_slice %arg4[%dma_wait3A_211, %dma_wait3A_212] : memref<100000x64xf32, #tpu.memory_space<hbm>> -> memref<100000x64xf32, #tpu.memory_space<hbm>>
      tpu.wait_indirect_dma semaphore(%arg21 : memref<!tpu.dma_semaphore, #tpu.memory_space<semaphore_mem>>) src(%dma_wait3A_213 : memref<100000x64xf32, #tpu.memory_space<hbm>>) dst(%dma_wait3A_208 : memref<128x64xf32, #tpu.memory_space<vmem>>)
      %dma_wait3A_214 = arith.constant 128 : i32
      %dma_wait3A_215 = arith.constant 0 : i32
      %dma_wait3A_216 = tpu.memref_slice %arg13[%dma_wait3A_214, %dma_wait3A_215] : memref<200x64xf32, #tpu.memory_space<vmem>> -> memref<72x64xf32, #tpu.memory_space<vmem>>
      %dma_wait3A_217 = arith.constant 128 : i32
      %dma_wait3A_218 = tpu.memref_slice %arg9[%dma_wait3A_217] : memref<200xi32, #tpu.memory_space<vmem>> -> memref<72xi32, #tpu.memory_space<vmem>>
      %dma_wait3A_219 = arith.constant 0 : i32
      %dma_wait3A_220 = arith.constant 0 : i32
      %dma_wait3A_221 = tpu.memref_slice %arg4[%dma_wait3A_219, %dma_wait3A_220] : memref<100000x64xf32, #tpu.memory_space<hbm>> -> memref<100000x64xf32, #tpu.memory_space<hbm>>
      tpu.wait_indirect_dma semaphore(%arg21 : memref<!tpu.dma_semaphore, #tpu.memory_space<semaphore_mem>>) src(%dma_wait3A_221 : memref<100000x64xf32, #tpu.memory_space<hbm>>) dst(%dma_wait3A_216 : memref<72x64xf32, #tpu.memory_space<vmem>>)
      %dma_wait3A_222 = arith.constant 128 : i32
      %dma_wait3A_223 = arith.constant 0 : i32
      %dma_wait3A_224 = tpu.memref_slice %arg15[%dma_wait3A_222, %dma_wait3A_223] : memref<200x64xf32, #tpu.memory_space<vmem>> -> memref<72x64xf32, #tpu.memory_space<vmem>>
      %dma_wait3A_225 = arith.constant 128 : i32
      %dma_wait3A_226 = tpu.memref_slice %arg11[%dma_wait3A_225] : memref<200xi32, #tpu.memory_space<vmem>> -> memref<72xi32, #tpu.memory_space<vmem>>
      %dma_wait3A_227 = arith.constant 0 : i32
      %dma_wait3A_228 = arith.constant 0 : i32
      %dma_wait3A_229 = tpu.memref_slice %arg4[%dma_wait3A_227, %dma_wait3A_228] : memref<100000x64xf32, #tpu.memory_space<hbm>> -> memref<100000x64xf32, #tpu.memory_space<hbm>>
      tpu.wait_indirect_dma semaphore(%arg21 : memref<!tpu.dma_semaphore, #tpu.memory_space<semaphore_mem>>) src(%dma_wait3A_229 : memref<100000x64xf32, #tpu.memory_space<hbm>>) dst(%dma_wait3A_224 : memref<72x64xf32, #tpu.memory_space<vmem>>)
      %convert_element_type3A_230 = arith.extui %lt3A_123 : i1 to i32
      %cond3A_231 = arith.constant 0 : i32
      %cond3A_232 = arith.cmpi ne, %convert_element_type3A_230, %cond3A_231 : i32
      scf.if %cond3A_232 {
        %dma_start3A_253 = tpu.memref_slice %arg2[%add3A_197] : memref<204800xi32, #tpu.memory_space<hbm>> -> memref<200xi32, #tpu.memory_space<hbm>>
        %dma_start3A_254 = tpu.memref_slice %arg2[%add3A_197] : memref<204800xi32, #tpu.memory_space<hbm>> -> memref<200xi32, #tpu.memory_space<hbm>>
        tpu.enqueue_dma source(%dma_start3A_254 : memref<200xi32, #tpu.memory_space<hbm>>) target(%arg9 : memref<200xi32, #tpu.memory_space<vmem>>) target_semaphore(%arg23 : memref<!tpu.dma_semaphore, #tpu.memory_space<semaphore_mem>>)
        %dma_start3A_255 = tpu.memref_slice %arg3[%add3A_197] : memref<204800xi32, #tpu.memory_space<hbm>> -> memref<200xi32, #tpu.memory_space<hbm>>
        %dma_start3A_256 = tpu.memref_slice %arg3[%add3A_197] : memref<204800xi32, #tpu.memory_space<hbm>> -> memref<200xi32, #tpu.memory_space<hbm>>
        tpu.enqueue_dma source(%dma_start3A_256 : memref<200xi32, #tpu.memory_space<hbm>>) target(%arg11 : memref<200xi32, #tpu.memory_space<vmem>>) target_semaphore(%arg23 : memref<!tpu.dma_semaphore, #tpu.memory_space<semaphore_mem>>)
      } else {
      }
      %convert_element_type3A_233 = arith.extui %gt3A_124 : i1 to i32
      %cond3A_234 = arith.constant 0 : i32
      %cond3A_235 = arith.cmpi ne, %convert_element_type3A_233, %cond3A_234 : i32
      scf.if %cond3A_235 {
        %dma_wait3A_253 = arith.constant 0 : i32
        %dma_wait3A_254 = arith.constant 0 : i32
        %dma_wait3A_255 = tpu.memref_slice %arg7[%add3A_192, %dma_wait3A_253, %dma_wait3A_254] : memref<1024x100x128xf32, #tpu.memory_space<hbm>> -> memref<1x100x128xf32, #tpu.memory_space<hbm>>
        %dma_wait3A_256 = tpu.memref_squeeze %dma_wait3A_255 : memref<1x100x128xf32, #tpu.memory_space<hbm>> -> memref<100x128xf32, #tpu.memory_space<hbm>>
        %dma_wait3A_257 = arith.constant 0 : i32
        %dma_wait3A_258 = arith.constant 0 : i32
        %dma_wait3A_259 = tpu.memref_slice %arg7[%add3A_192, %dma_wait3A_257, %dma_wait3A_258] : memref<1024x100x128xf32, #tpu.memory_space<hbm>> -> memref<1x100x128xf32, #tpu.memory_space<hbm>>
        %dma_wait3A_260 = tpu.memref_squeeze %dma_wait3A_259 : memref<1x100x128xf32, #tpu.memory_space<hbm>> -> memref<100x128xf32, #tpu.memory_space<hbm>>
        tpu.wait_dma2 semaphore(%arg25 : memref<!tpu.dma_semaphore, #tpu.memory_space<semaphore_mem>>) src(%arg17 : memref<100x128xf32, #tpu.memory_space<vmem>>) dst(%dma_wait3A_260 : memref<100x128xf32, #tpu.memory_space<hbm>>)
      } else {
      }
      %scan3A_236 = arith.constant 0 : i32
      %scan3A_237 = arith.constant 0 : i32
      %scan3A_238 = arith.constant 50 : i32
      %scan3A_239 = arith.addi %scan3A_237, %scan3A_238 : i32
      %scan3A_240 = arith.constant 1 : i32
      scf.for %scan3A_253 = %scan3A_237 to %scan3A_239 step %scan3A_240  : i32 {
        %mul3A_254 = arith.constant 4 : i32
        %mul3A_255 = arith.muli %scan3A_253, %mul3A_254 : i32
        %add3A_256 = arith.constant 0 : i32
        %add3A_257 = arith.addi %mul3A_255, %add3A_256 : i32
        %mul3A_258 = arith.constant 4 : i32
        %mul3A_259 = arith.muli %scan3A_253, %mul3A_258 : i32
        %add3A_260 = arith.constant 1 : i32
        %add3A_261 = arith.addi %mul3A_259, %add3A_260 : i32
        %mul3A_262 = arith.constant 4 : i32
        %mul3A_263 = arith.muli %scan3A_253, %mul3A_262 : i32
        %add3A_264 = arith.constant 2 : i32
        %add3A_265 = arith.addi %mul3A_263, %add3A_264 : i32
        %mul3A_266 = arith.constant 4 : i32
        %mul3A_267 = arith.muli %scan3A_253, %mul3A_266 : i32
        %add3A_268 = arith.constant 3 : i32
        %add3A_269 = arith.addi %mul3A_267, %add3A_268 : i32
        %get3A_270 = arith.index_cast %add3A_257 : i32 to index
        %get3A_271 = arith.constant 0 : index
        %get3A_272 = tpu.vector_load %arg13[%get3A_270, %get3A_271] {strides = array<i32>} : memref<200x64xf32, #tpu.memory_space<vmem>>, vector<16xf32>,
        %get3A_273 = arith.index_cast %add3A_257 : i32 to index
        %get3A_274 = arith.constant 16 : index
        %get3A_275 = tpu.vector_load %arg13[%get3A_273, %get3A_274] {strides = array<i32>} : memref<200x64xf32, #tpu.memory_space<vmem>>, vector<16xf32>,
        %get3A_276 = arith.index_cast %add3A_257 : i32 to index
        %get3A_277 = arith.constant 32 : index
        %get3A_278 = tpu.vector_load %arg13[%get3A_276, %get3A_277] {strides = array<i32>} : memref<200x64xf32, #tpu.memory_space<vmem>>, vector<16xf32>,
        %get3A_279 = arith.index_cast %add3A_257 : i32 to index
        %get3A_280 = arith.constant 48 : index
        %get3A_281 = tpu.vector_load %arg13[%get3A_279, %get3A_280] {strides = array<i32>} : memref<200x64xf32, #tpu.memory_space<vmem>>, vector<16xf32>,
        %get3A_282 = arith.index_cast %add3A_261 : i32 to index
        %get3A_283 = arith.constant 0 : index
        %get3A_284 = tpu.vector_load %arg13[%get3A_282, %get3A_283] {strides = array<i32>} : memref<200x64xf32, #tpu.memory_space<vmem>>, vector<16xf32>,
        %get3A_285 = arith.index_cast %add3A_261 : i32 to index
        %get3A_286 = arith.constant 16 : index
        %get3A_287 = tpu.vector_load %arg13[%get3A_285, %get3A_286] {strides = array<i32>} : memref<200x64xf32, #tpu.memory_space<vmem>>, vector<16xf32>,
        %get3A_288 = arith.index_cast %add3A_261 : i32 to index
        %get3A_289 = arith.constant 32 : index
        %get3A_290 = tpu.vector_load %arg13[%get3A_288, %get3A_289] {strides = array<i32>} : memref<200x64xf32, #tpu.memory_space<vmem>>, vector<16xf32>,
        %get3A_291 = arith.index_cast %add3A_261 : i32 to index
        %get3A_292 = arith.constant 48 : index
        %get3A_293 = tpu.vector_load %arg13[%get3A_291, %get3A_292] {strides = array<i32>} : memref<200x64xf32, #tpu.memory_space<vmem>>, vector<16xf32>,
        %get3A_294 = arith.index_cast %add3A_265 : i32 to index
        %get3A_295 = arith.constant 0 : index
        %get3A_296 = tpu.vector_load %arg13[%get3A_294, %get3A_295] {strides = array<i32>} : memref<200x64xf32, #tpu.memory_space<vmem>>, vector<16xf32>,
        %get3A_297 = arith.index_cast %add3A_265 : i32 to index
        %get3A_298 = arith.constant 16 : index
        %get3A_299 = tpu.vector_load %arg13[%get3A_297, %get3A_298] {strides = array<i32>} : memref<200x64xf32, #tpu.memory_space<vmem>>, vector<16xf32>,
        %get3A_300 = arith.index_cast %add3A_265 : i32 to index
        %get3A_301 = arith.constant 32 : index
        %get3A_302 = tpu.vector_load %arg13[%get3A_300, %get3A_301] {strides = array<i32>} : memref<200x64xf32, #tpu.memory_space<vmem>>, vector<16xf32>,
        %get3A_303 = arith.index_cast %add3A_265 : i32 to index
        %get3A_304 = arith.constant 48 : index
        %get3A_305 = tpu.vector_load %arg13[%get3A_303, %get3A_304] {strides = array<i32>} : memref<200x64xf32, #tpu.memory_space<vmem>>, vector<16xf32>,
        %get3A_306 = arith.index_cast %add3A_269 : i32 to index
        %get3A_307 = arith.constant 0 : index
        %get3A_308 = tpu.vector_load %arg13[%get3A_306, %get3A_307] {strides = array<i32>} : memref<200x64xf32, #tpu.memory_space<vmem>>, vector<16xf32>,
        %get3A_309 = arith.index_cast %add3A_269 : i32 to index
        %get3A_310 = arith.constant 16 : index
        %get3A_311 = tpu.vector_load %arg13[%get3A_309, %get3A_310] {strides = array<i32>} : memref<200x64xf32, #tpu.memory_space<vmem>>, vector<16xf32>,
        %get3A_312 = arith.index_cast %add3A_269 : i32 to index
        %get3A_313 = arith.constant 32 : index
        %get3A_314 = tpu.vector_load %arg13[%get3A_312, %get3A_313] {strides = array<i32>} : memref<200x64xf32, #tpu.memory_space<vmem>>, vector<16xf32>,
        %get3A_315 = arith.index_cast %add3A_269 : i32 to index
        %get3A_316 = arith.constant 48 : index
        %get3A_317 = tpu.vector_load %arg13[%get3A_315, %get3A_316] {strides = array<i32>} : memref<200x64xf32, #tpu.memory_space<vmem>>, vector<16xf32>,
        %get3A_318 = arith.index_cast %add3A_257 : i32 to index
        %get3A_319 = arith.constant 0 : index
        %get3A_320 = tpu.vector_load %arg15[%get3A_318, %get3A_319] {strides = array<i32>} : memref<200x64xf32, #tpu.memory_space<vmem>>, vector<16xf32>,
        %get3A_321 = arith.index_cast %add3A_257 : i32 to index
        %get3A_322 = arith.constant 16 : index
        %get3A_323 = tpu.vector_load %arg15[%get3A_321, %get3A_322] {strides = array<i32>} : memref<200x64xf32, #tpu.memory_space<vmem>>, vector<16xf32>,
        %get3A_324 = arith.index_cast %add3A_257 : i32 to index
        %get3A_325 = arith.constant 32 : index
        %get3A_326 = tpu.vector_load %arg15[%get3A_324, %get3A_325] {strides = array<i32>} : memref<200x64xf32, #tpu.memory_space<vmem>>, vector<16xf32>,
        %get3A_327 = arith.index_cast %add3A_257 : i32 to index
        %get3A_328 = arith.constant 48 : index
        %get3A_329 = tpu.vector_load %arg15[%get3A_327, %get3A_328] {strides = array<i32>} : memref<200x64xf32, #tpu.memory_space<vmem>>, vector<16xf32>,
        %get3A_330 = arith.index_cast %add3A_261 : i32 to index
        %get3A_331 = arith.constant 0 : index
        %get3A_332 = tpu.vector_load %arg15[%get3A_330, %get3A_331] {strides = array<i32>} : memref<200x64xf32, #tpu.memory_space<vmem>>, vector<16xf32>,
        %get3A_333 = arith.index_cast %add3A_261 : i32 to index
        %get3A_334 = arith.constant 16 : index
        %get3A_335 = tpu.vector_load %arg15[%get3A_333, %get3A_334] {strides = array<i32>} : memref<200x64xf32, #tpu.memory_space<vmem>>, vector<16xf32>,
        %get3A_336 = arith.index_cast %add3A_261 : i32 to index
        %get3A_337 = arith.constant 32 : index
        %get3A_338 = tpu.vector_load %arg15[%get3A_336, %get3A_337] {strides = array<i32>} : memref<200x64xf32, #tpu.memory_space<vmem>>, vector<16xf32>,
        %get3A_339 = arith.index_cast %add3A_261 : i32 to index
        %get3A_340 = arith.constant 48 : index
        %get3A_341 = tpu.vector_load %arg15[%get3A_339, %get3A_340] {strides = array<i32>} : memref<200x64xf32, #tpu.memory_space<vmem>>, vector<16xf32>,
        %get3A_342 = arith.index_cast %add3A_265 : i32 to index
        %get3A_343 = arith.constant 0 : index
        %get3A_344 = tpu.vector_load %arg15[%get3A_342, %get3A_343] {strides = array<i32>} : memref<200x64xf32, #tpu.memory_space<vmem>>, vector<16xf32>,
        %get3A_345 = arith.index_cast %add3A_265 : i32 to index
        %get3A_346 = arith.constant 16 : index
        %get3A_347 = tpu.vector_load %arg15[%get3A_345, %get3A_346] {strides = array<i32>} : memref<200x64xf32, #tpu.memory_space<vmem>>, vector<16xf32>,
        %get3A_348 = arith.index_cast %add3A_265 : i32 to index
        %get3A_349 = arith.constant 32 : index
        %get3A_350 = tpu.vector_load %arg15[%get3A_348, %get3A_349] {strides = array<i32>} : memref<200x64xf32, #tpu.memory_space<vmem>>, vector<16xf32>,
        %get3A_351 = arith.index_cast %add3A_265 : i32 to index
        %get3A_352 = arith.constant 48 : index
        %get3A_353 = tpu.vector_load %arg15[%get3A_351, %get3A_352] {strides = array<i32>} : memref<200x64xf32, #tpu.memory_space<vmem>>, vector<16xf32>,
        %get3A_354 = arith.index_cast %add3A_269 : i32 to index
        %get3A_355 = arith.constant 0 : index
        %get3A_356 = tpu.vector_load %arg15[%get3A_354, %get3A_355] {strides = array<i32>} : memref<200x64xf32, #tpu.memory_space<vmem>>, vector<16xf32>,
        %get3A_357 = arith.index_cast %add3A_269 : i32 to index
        %get3A_358 = arith.constant 16 : index
        %get3A_359 = tpu.vector_load %arg15[%get3A_357, %get3A_358] {strides = array<i32>} : memref<200x64xf32, #tpu.memory_space<vmem>>, vector<16xf32>,
        %get3A_360 = arith.index_cast %add3A_269 : i32 to index
        %get3A_361 = arith.constant 32 : index
        %get3A_362 = tpu.vector_load %arg15[%get3A_360, %get3A_361] {strides = array<i32>} : memref<200x64xf32, #tpu.memory_space<vmem>>, vector<16xf32>,
        %get3A_363 = arith.index_cast %add3A_269 : i32 to index
        %get3A_364 = arith.constant 48 : index
        %get3A_365 = tpu.vector_load %arg15[%get3A_363, %get3A_364] {strides = array<i32>} : memref<200x64xf32, #tpu.memory_space<vmem>>, vector<16xf32>,
        %add3A_366 = arith.addf %get3A_272, %get3A_320 : vector<16xf32>
        %add3A_367 = arith.addf %get3A_275, %get3A_323 : vector<16xf32>
        %add3A_368 = arith.addf %get3A_278, %get3A_326 : vector<16xf32>
        %add3A_369 = arith.addf %get3A_281, %get3A_329 : vector<16xf32>
        %add3A_370 = arith.addf %get3A_284, %get3A_332 : vector<16xf32>
        %add3A_371 = arith.addf %get3A_287, %get3A_335 : vector<16xf32>
        %add3A_372 = arith.addf %get3A_290, %get3A_338 : vector<16xf32>
        %add3A_373 = arith.addf %get3A_293, %get3A_341 : vector<16xf32>
        %add3A_374 = arith.addf %get3A_296, %get3A_344 : vector<16xf32>
        %add3A_375 = arith.addf %get3A_299, %get3A_347 : vector<16xf32>
        %add3A_376 = arith.addf %get3A_302, %get3A_350 : vector<16xf32>
        %add3A_377 = arith.addf %get3A_305, %get3A_353 : vector<16xf32>
        %add3A_378 = arith.addf %get3A_308, %get3A_356 : vector<16xf32>
        %add3A_379 = arith.addf %get3A_311, %get3A_359 : vector<16xf32>
        %add3A_380 = arith.addf %get3A_314, %get3A_362 : vector<16xf32>
        %add3A_381 = arith.addf %get3A_317, %get3A_365 : vector<16xf32>
        %add3A_382 = arith.addf %add3A_366, %add3A_367 : vector<16xf32>
        %add3A_383 = arith.addf %add3A_368, %add3A_369 : vector<16xf32>
        %add3A_384 = arith.addf %add3A_382, %add3A_383 : vector<16xf32>
        %add3A_385 = arith.addf %add3A_370, %add3A_371 : vector<16xf32>
        %add3A_386 = arith.addf %add3A_372, %add3A_373 : vector<16xf32>
        %add3A_387 = arith.addf %add3A_385, %add3A_386 : vector<16xf32>
        %add3A_388 = arith.addf %add3A_374, %add3A_375 : vector<16xf32>
        %add3A_389 = arith.addf %add3A_376, %add3A_377 : vector<16xf32>
        %add3A_390 = arith.addf %add3A_388, %add3A_389 : vector<16xf32>
        %add3A_391 = arith.addf %add3A_378, %add3A_379 : vector<16xf32>
        %add3A_392 = arith.addf %add3A_380, %add3A_381 : vector<16xf32>
        %add3A_393 = arith.addf %add3A_391, %add3A_392 : vector<16xf32>
        %mul3A_394 = arith.mulf %add3A_366, %add3A_366 : vector<16xf32>
        %mul3A_395 = arith.mulf %add3A_367, %add3A_367 : vector<16xf32>
        %add3A_396 = arith.addf %mul3A_394, %mul3A_395 : vector<16xf32>
        %mul3A_397 = arith.mulf %add3A_368, %add3A_368 : vector<16xf32>
        %mul3A_398 = arith.mulf %add3A_369, %add3A_369 : vector<16xf32>
        %add3A_399 = arith.addf %mul3A_397, %mul3A_398 : vector<16xf32>
        %add3A_400 = arith.addf %add3A_396, %add3A_399 : vector<16xf32>
        %mul3A_401 = arith.mulf %add3A_370, %add3A_370 : vector<16xf32>
        %mul3A_402 = arith.mulf %add3A_371, %add3A_371 : vector<16xf32>
        %add3A_403 = arith.addf %mul3A_401, %mul3A_402 : vector<16xf32>
        %mul3A_404 = arith.mulf %add3A_372, %add3A_372 : vector<16xf32>
        %mul3A_405 = arith.mulf %add3A_373, %add3A_373 : vector<16xf32>
        %add3A_406 = arith.addf %mul3A_404, %mul3A_405 : vector<16xf32>
        %add3A_407 = arith.addf %add3A_403, %add3A_406 : vector<16xf32>
        %mul3A_408 = arith.mulf %add3A_374, %add3A_374 : vector<16xf32>
        %mul3A_409 = arith.mulf %add3A_375, %add3A_375 : vector<16xf32>
        %add3A_410 = arith.addf %mul3A_408, %mul3A_409 : vector<16xf32>
        %mul3A_411 = arith.mulf %add3A_376, %add3A_376 : vector<16xf32>
        %mul3A_412 = arith.mulf %add3A_377, %add3A_377 : vector<16xf32>
        %add3A_413 = arith.addf %mul3A_411, %mul3A_412 : vector<16xf32>
        %add3A_414 = arith.addf %add3A_410, %add3A_413 : vector<16xf32>
        %mul3A_415 = arith.mulf %add3A_378, %add3A_378 : vector<16xf32>
        %mul3A_416 = arith.mulf %add3A_379, %add3A_379 : vector<16xf32>
        %add3A_417 = arith.addf %mul3A_415, %mul3A_416 : vector<16xf32>
        %mul3A_418 = arith.mulf %add3A_380, %add3A_380 : vector<16xf32>
        %mul3A_419 = arith.mulf %add3A_381, %add3A_381 : vector<16xf32>
        %add3A_420 = arith.addf %mul3A_418, %mul3A_419 : vector<16xf32>
        %add3A_421 = arith.addf %add3A_417, %add3A_420 : vector<16xf32>
        %broadcast_in_dim3A = arith.constant true
        %broadcast_in_dim3A_422 = vector.broadcast %broadcast_in_dim3A : i1 to vector<16xi1>
        %masked_cumsum3A = tpu.scan <sum>, %add3A_384 masked %broadcast_in_dim3A_422 : vector<16xf32>, vector<16xi1> -> vector<16xf32>
        %broadcast_in_dim3A_423 = arith.constant true
        %broadcast_in_dim3A_424 = vector.broadcast %broadcast_in_dim3A_423 : i1 to vector<16xi1>
        %masked_cumsum3A_425 = tpu.scan <sum>, %add3A_387 masked %broadcast_in_dim3A_424 : vector<16xf32>, vector<16xi1> -> vector<16xf32>
        %broadcast_in_dim3A_426 = arith.constant true
        %broadcast_in_dim3A_427 = vector.broadcast %broadcast_in_dim3A_426 : i1 to vector<16xi1>
        %masked_cumsum3A_428 = tpu.scan <sum>, %add3A_390 masked %broadcast_in_dim3A_427 : vector<16xf32>, vector<16xi1> -> vector<16xf32>
        %broadcast_in_dim3A_429 = arith.constant true
        %broadcast_in_dim3A_430 = vector.broadcast %broadcast_in_dim3A_429 : i1 to vector<16xi1>
        %masked_cumsum3A_431 = tpu.scan <sum>, %add3A_393 masked %broadcast_in_dim3A_430 : vector<16xf32>, vector<16xi1> -> vector<16xf32>
        %broadcast_in_dim3A_432 = arith.constant true
        %broadcast_in_dim3A_433 = vector.broadcast %broadcast_in_dim3A_432 : i1 to vector<16xi1>
        %masked_cumsum3A_434 = tpu.scan <sum>, %add3A_400 masked %broadcast_in_dim3A_433 : vector<16xf32>, vector<16xi1> -> vector<16xf32>
        %broadcast_in_dim3A_435 = arith.constant true
        %broadcast_in_dim3A_436 = vector.broadcast %broadcast_in_dim3A_435 : i1 to vector<16xi1>
        %masked_cumsum3A_437 = tpu.scan <sum>, %add3A_407 masked %broadcast_in_dim3A_436 : vector<16xf32>, vector<16xi1> -> vector<16xf32>
        %broadcast_in_dim3A_438 = arith.constant true
        %broadcast_in_dim3A_439 = vector.broadcast %broadcast_in_dim3A_438 : i1 to vector<16xi1>
        %masked_cumsum3A_440 = tpu.scan <sum>, %add3A_414 masked %broadcast_in_dim3A_439 : vector<16xf32>, vector<16xi1> -> vector<16xf32>
        %broadcast_in_dim3A_441 = arith.constant true
        %broadcast_in_dim3A_442 = vector.broadcast %broadcast_in_dim3A_441 : i1 to vector<16xi1>
        %masked_cumsum3A_443 = tpu.scan <sum>, %add3A_421 masked %broadcast_in_dim3A_442 : vector<16xf32>, vector<16xi1> -> vector<16xf32>
        %slice3A = vector.extract_strided_slice %masked_cumsum3A {offsets = [15], sizes = [1], strides = [1]} : vector<16xf32> to vector<1xf32>
        %squeeze3A = vector.extract %slice3A[0] : f32 from vector<1xf32>
        %mul3A_444 = arith.constant 1.562500e-02 : f32
        %mul3A_445 = arith.mulf %squeeze3A, %mul3A_444 : f32
        %slice3A_446 = vector.extract_strided_slice %masked_cumsum3A_425 {offsets = [15], sizes = [1], strides = [1]} : vector<16xf32> to vector<1xf32>
        %squeeze3A_447 = vector.extract %slice3A_446[0] : f32 from vector<1xf32>
        %mul3A_448 = arith.constant 1.562500e-02 : f32
        %mul3A_449 = arith.mulf %squeeze3A_447, %mul3A_448 : f32
        %slice3A_450 = vector.extract_strided_slice %masked_cumsum3A_428 {offsets = [15], sizes = [1], strides = [1]} : vector<16xf32> to vector<1xf32>
        %squeeze3A_451 = vector.extract %slice3A_450[0] : f32 from vector<1xf32>
        %mul3A_452 = arith.constant 1.562500e-02 : f32
        %mul3A_453 = arith.mulf %squeeze3A_451, %mul3A_452 : f32
        %slice3A_454 = vector.extract_strided_slice %masked_cumsum3A_431 {offsets = [15], sizes = [1], strides = [1]} : vector<16xf32> to vector<1xf32>
        %squeeze3A_455 = vector.extract %slice3A_454[0] : f32 from vector<1xf32>
        %mul3A_456 = arith.constant 1.562500e-02 : f32
        %mul3A_457 = arith.mulf %squeeze3A_455, %mul3A_456 : f32
        %slice3A_458 = vector.extract_strided_slice %masked_cumsum3A_434 {offsets = [15], sizes = [1], strides = [1]} : vector<16xf32> to vector<1xf32>
        %squeeze3A_459 = vector.extract %slice3A_458[0] : f32 from vector<1xf32>
        %mul3A_460 = arith.constant 1.562500e-02 : f32
        %mul3A_461 = arith.mulf %squeeze3A_459, %mul3A_460 : f32
        %mul3A_462 = arith.mulf %mul3A_445, %mul3A_445 : f32
        %sub3A_463 = arith.subf %mul3A_461, %mul3A_462 : f32
        %slice3A_464 = vector.extract_strided_slice %masked_cumsum3A_437 {offsets = [15], sizes = [1], strides = [1]} : vector<16xf32> to vector<1xf32>
        %squeeze3A_465 = vector.extract %slice3A_464[0] : f32 from vector<1xf32>
        %mul3A_466 = arith.constant 1.562500e-02 : f32
        %mul3A_467 = arith.mulf %squeeze3A_465, %mul3A_466 : f32
        %mul3A_468 = arith.mulf %mul3A_449, %mul3A_449 : f32
        %sub3A_469 = arith.subf %mul3A_467, %mul3A_468 : f32
        %slice3A_470 = vector.extract_strided_slice %masked_cumsum3A_440 {offsets = [15], sizes = [1], strides = [1]} : vector<16xf32> to vector<1xf32>
        %squeeze3A_471 = vector.extract %slice3A_470[0] : f32 from vector<1xf32>
        %mul3A_472 = arith.constant 1.562500e-02 : f32
        %mul3A_473 = arith.mulf %squeeze3A_471, %mul3A_472 : f32
        %mul3A_474 = arith.mulf %mul3A_453, %mul3A_453 : f32
        %sub3A_475 = arith.subf %mul3A_473, %mul3A_474 : f32
        %slice3A_476 = vector.extract_strided_slice %masked_cumsum3A_443 {offsets = [15], sizes = [1], strides = [1]} : vector<16xf32> to vector<1xf32>
        %squeeze3A_477 = vector.extract %slice3A_476[0] : f32 from vector<1xf32>
        %mul3A_478 = arith.constant 1.562500e-02 : f32
        %mul3A_479 = arith.mulf %squeeze3A_477, %mul3A_478 : f32
        %mul3A_480 = arith.mulf %mul3A_457, %mul3A_457 : f32
        %sub3A_481 = arith.subf %mul3A_479, %mul3A_480 : f32
        %add3A_482 = arith.constant 9.99999996E-13 : f32
        %add3A_483 = arith.addf %sub3A_463, %add3A_482 : f32
        %bitcast_convert_type3A = arith.bitcast %add3A_483 : f32 to i32
        %shift_right_arithmetic3A = arith.constant 1 : i32
        %shift_right_arithmetic3A_484 = arith.shrsi %bitcast_convert_type3A, %shift_right_arithmetic3A : i32
        %sub3A_485 = arith.constant 1597463007 : i32
        %sub3A_486 = arith.subi %sub3A_485, %shift_right_arithmetic3A_484 : i32
        %bitcast_convert_type3A_487 = arith.bitcast %sub3A_486 : i32 to f32
        %mul3A_488 = arith.constant 5.000000e-01 : f32
        %mul3A_489 = arith.mulf %mul3A_488, %add3A_483 : f32
        %mul3A_490 = arith.mulf %mul3A_489, %bitcast_convert_type3A_487 : f32
        %mul3A_491 = arith.mulf %mul3A_490, %bitcast_convert_type3A_487 : f32
        %sub3A_492 = arith.constant 1.500000e+00 : f32
        %sub3A_493 = arith.subf %sub3A_492, %mul3A_491 : f32
        %mul3A_494 = arith.mulf %bitcast_convert_type3A_487, %sub3A_493 : f32
        %mul3A_495 = arith.constant 5.000000e-01 : f32
        %mul3A_496 = arith.mulf %mul3A_495, %add3A_483 : f32
        %mul3A_497 = arith.mulf %mul3A_496, %mul3A_494 : f32
        %mul3A_498 = arith.mulf %mul3A_497, %mul3A_494 : f32
        %sub3A_499 = arith.constant 1.500000e+00 : f32
        %sub3A_500 = arith.subf %sub3A_499, %mul3A_498 : f32
        %mul3A_501 = arith.mulf %mul3A_494, %sub3A_500 : f32
        %mul3A_502 = arith.constant 5.000000e-01 : f32
        %mul3A_503 = arith.mulf %mul3A_502, %add3A_483 : f32
        %mul3A_504 = arith.mulf %mul3A_503, %mul3A_501 : f32
        %mul3A_505 = arith.mulf %mul3A_504, %mul3A_501 : f32
        %sub3A_506 = arith.constant 1.500000e+00 : f32
        %sub3A_507 = arith.subf %sub3A_506, %mul3A_505 : f32
        %mul3A_508 = arith.mulf %mul3A_501, %sub3A_507 : f32
        %add3A_509 = arith.constant 9.99999996E-13 : f32
        %add3A_510 = arith.addf %sub3A_469, %add3A_509 : f32
        %bitcast_convert_type3A_511 = arith.bitcast %add3A_510 : f32 to i32
        %shift_right_arithmetic3A_512 = arith.constant 1 : i32
        %shift_right_arithmetic3A_513 = arith.shrsi %bitcast_convert_type3A_511, %shift_right_arithmetic3A_512 : i32
        %sub3A_514 = arith.constant 1597463007 : i32
        %sub3A_515 = arith.subi %sub3A_514, %shift_right_arithmetic3A_513 : i32
        %bitcast_convert_type3A_516 = arith.bitcast %sub3A_515 : i32 to f32
        %mul3A_517 = arith.constant 5.000000e-01 : f32
        %mul3A_518 = arith.mulf %mul3A_517, %add3A_510 : f32
        %mul3A_519 = arith.mulf %mul3A_518, %bitcast_convert_type3A_516 : f32
        %mul3A_520 = arith.mulf %mul3A_519, %bitcast_convert_type3A_516 : f32
        %sub3A_521 = arith.constant 1.500000e+00 : f32
        %sub3A_522 = arith.subf %sub3A_521, %mul3A_520 : f32
        %mul3A_523 = arith.mulf %bitcast_convert_type3A_516, %sub3A_522 : f32
        %mul3A_524 = arith.constant 5.000000e-01 : f32
        %mul3A_525 = arith.mulf %mul3A_524, %add3A_510 : f32
        %mul3A_526 = arith.mulf %mul3A_525, %mul3A_523 : f32
        %mul3A_527 = arith.mulf %mul3A_526, %mul3A_523 : f32
        %sub3A_528 = arith.constant 1.500000e+00 : f32
        %sub3A_529 = arith.subf %sub3A_528, %mul3A_527 : f32
        %mul3A_530 = arith.mulf %mul3A_523, %sub3A_529 : f32
        %mul3A_531 = arith.constant 5.000000e-01 : f32
        %mul3A_532 = arith.mulf %mul3A_531, %add3A_510 : f32
        %mul3A_533 = arith.mulf %mul3A_532, %mul3A_530 : f32
        %mul3A_534 = arith.mulf %mul3A_533, %mul3A_530 : f32
        %sub3A_535 = arith.constant 1.500000e+00 : f32
        %sub3A_536 = arith.subf %sub3A_535, %mul3A_534 : f32
        %mul3A_537 = arith.mulf %mul3A_530, %sub3A_536 : f32
        %add3A_538 = arith.constant 9.99999996E-13 : f32
        %add3A_539 = arith.addf %sub3A_475, %add3A_538 : f32
        %bitcast_convert_type3A_540 = arith.bitcast %add3A_539 : f32 to i32
        %shift_right_arithmetic3A_541 = arith.constant 1 : i32
        %shift_right_arithmetic3A_542 = arith.shrsi %bitcast_convert_type3A_540, %shift_right_arithmetic3A_541 : i32
        %sub3A_543 = arith.constant 1597463007 : i32
        %sub3A_544 = arith.subi %sub3A_543, %shift_right_arithmetic3A_542 : i32
        %bitcast_convert_type3A_545 = arith.bitcast %sub3A_544 : i32 to f32
        %mul3A_546 = arith.constant 5.000000e-01 : f32
        %mul3A_547 = arith.mulf %mul3A_546, %add3A_539 : f32
        %mul3A_548 = arith.mulf %mul3A_547, %bitcast_convert_type3A_545 : f32
        %mul3A_549 = arith.mulf %mul3A_548, %bitcast_convert_type3A_545 : f32
        %sub3A_550 = arith.constant 1.500000e+00 : f32
        %sub3A_551 = arith.subf %sub3A_550, %mul3A_549 : f32
        %mul3A_552 = arith.mulf %bitcast_convert_type3A_545, %sub3A_551 : f32
        %mul3A_553 = arith.constant 5.000000e-01 : f32
        %mul3A_554 = arith.mulf %mul3A_553, %add3A_539 : f32
        %mul3A_555 = arith.mulf %mul3A_554, %mul3A_552 : f32
        %mul3A_556 = arith.mulf %mul3A_555, %mul3A_552 : f32
        %sub3A_557 = arith.constant 1.500000e+00 : f32
        %sub3A_558 = arith.subf %sub3A_557, %mul3A_556 : f32
        %mul3A_559 = arith.mulf %mul3A_552, %sub3A_558 : f32
        %mul3A_560 = arith.constant 5.000000e-01 : f32
        %mul3A_561 = arith.mulf %mul3A_560, %add3A_539 : f32
        %mul3A_562 = arith.mulf %mul3A_561, %mul3A_559 : f32
        %mul3A_563 = arith.mulf %mul3A_562, %mul3A_559 : f32
        %sub3A_564 = arith.constant 1.500000e+00 : f32
        %sub3A_565 = arith.subf %sub3A_564, %mul3A_563 : f32
        %mul3A_566 = arith.mulf %mul3A_559, %sub3A_565 : f32
        %add3A_567 = arith.constant 9.99999996E-13 : f32
        %add3A_568 = arith.addf %sub3A_481, %add3A_567 : f32
        %bitcast_convert_type3A_569 = arith.bitcast %add3A_568 : f32 to i32
        %shift_right_arithmetic3A_570 = arith.constant 1 : i32
        %shift_right_arithmetic3A_571 = arith.shrsi %bitcast_convert_type3A_569, %shift_right_arithmetic3A_570 : i32
        %sub3A_572 = arith.constant 1597463007 : i32
        %sub3A_573 = arith.subi %sub3A_572, %shift_right_arithmetic3A_571 : i32
        %bitcast_convert_type3A_574 = arith.bitcast %sub3A_573 : i32 to f32
        %mul3A_575 = arith.constant 5.000000e-01 : f32
        %mul3A_576 = arith.mulf %mul3A_575, %add3A_568 : f32
        %mul3A_577 = arith.mulf %mul3A_576, %bitcast_convert_type3A_574 : f32
        %mul3A_578 = arith.mulf %mul3A_577, %bitcast_convert_type3A_574 : f32
        %sub3A_579 = arith.constant 1.500000e+00 : f32
        %sub3A_580 = arith.subf %sub3A_579, %mul3A_578 : f32
        %mul3A_581 = arith.mulf %bitcast_convert_type3A_574, %sub3A_580 : f32
        %mul3A_582 = arith.constant 5.000000e-01 : f32
        %mul3A_583 = arith.mulf %mul3A_582, %add3A_568 : f32
        %mul3A_584 = arith.mulf %mul3A_583, %mul3A_581 : f32
        %mul3A_585 = arith.mulf %mul3A_584, %mul3A_581 : f32
        %sub3A_586 = arith.constant 1.500000e+00 : f32
        %sub3A_587 = arith.subf %sub3A_586, %mul3A_585 : f32
        %mul3A_588 = arith.mulf %mul3A_581, %sub3A_587 : f32
        %mul3A_589 = arith.constant 5.000000e-01 : f32
        %mul3A_590 = arith.mulf %mul3A_589, %add3A_568 : f32
        %mul3A_591 = arith.mulf %mul3A_590, %mul3A_588 : f32
        %mul3A_592 = arith.mulf %mul3A_591, %mul3A_588 : f32
        %sub3A_593 = arith.constant 1.500000e+00 : f32
        %sub3A_594 = arith.subf %sub3A_593, %mul3A_592 : f32
        %mul3A_595 = arith.mulf %mul3A_588, %sub3A_594 : f32
        %mul3A_596 = arith.mulf %mul3A_445, %mul3A_508 : f32
        %mul3A_597 = arith.mulf %mul3A_449, %mul3A_537 : f32
        %mul3A_598 = arith.mulf %mul3A_453, %mul3A_566 : f32
        %mul3A_599 = arith.mulf %mul3A_457, %mul3A_595 : f32
        %mul3A_600 = vector.broadcast %mul3A_508 : f32 to vector<16xf32>
        %mul3A_601 = arith.mulf %add3A_366, %mul3A_600 : vector<16xf32>
        %sub3A_602 = vector.broadcast %mul3A_596 : f32 to vector<16xf32>
        %sub3A_603 = arith.subf %mul3A_601, %sub3A_602 : vector<16xf32>
        %mul3A_604 = vector.broadcast %mul3A_508 : f32 to vector<16xf32>
        %mul3A_605 = arith.mulf %add3A_367, %mul3A_604 : vector<16xf32>
        %sub3A_606 = vector.broadcast %mul3A_596 : f32 to vector<16xf32>
        %sub3A_607 = arith.subf %mul3A_605, %sub3A_606 : vector<16xf32>
        %mul3A_608 = vector.broadcast %mul3A_508 : f32 to vector<16xf32>
        %mul3A_609 = arith.mulf %add3A_368, %mul3A_608 : vector<16xf32>
        %sub3A_610 = vector.broadcast %mul3A_596 : f32 to vector<16xf32>
        %sub3A_611 = arith.subf %mul3A_609, %sub3A_610 : vector<16xf32>
        %mul3A_612 = vector.broadcast %mul3A_508 : f32 to vector<16xf32>
        %mul3A_613 = arith.mulf %add3A_369, %mul3A_612 : vector<16xf32>
        %sub3A_614 = vector.broadcast %mul3A_596 : f32 to vector<16xf32>
        %sub3A_615 = arith.subf %mul3A_613, %sub3A_614 : vector<16xf32>
        %mul3A_616 = vector.broadcast %mul3A_537 : f32 to vector<16xf32>
        %mul3A_617 = arith.mulf %add3A_370, %mul3A_616 : vector<16xf32>
        %sub3A_618 = vector.broadcast %mul3A_597 : f32 to vector<16xf32>
        %sub3A_619 = arith.subf %mul3A_617, %sub3A_618 : vector<16xf32>
        %mul3A_620 = vector.broadcast %mul3A_537 : f32 to vector<16xf32>
        %mul3A_621 = arith.mulf %add3A_371, %mul3A_620 : vector<16xf32>
        %sub3A_622 = vector.broadcast %mul3A_597 : f32 to vector<16xf32>
        %sub3A_623 = arith.subf %mul3A_621, %sub3A_622 : vector<16xf32>
        %mul3A_624 = vector.broadcast %mul3A_537 : f32 to vector<16xf32>
        %mul3A_625 = arith.mulf %add3A_372, %mul3A_624 : vector<16xf32>
        %sub3A_626 = vector.broadcast %mul3A_597 : f32 to vector<16xf32>
        %sub3A_627 = arith.subf %mul3A_625, %sub3A_626 : vector<16xf32>
        %mul3A_628 = vector.broadcast %mul3A_537 : f32 to vector<16xf32>
        %mul3A_629 = arith.mulf %add3A_373, %mul3A_628 : vector<16xf32>
        %sub3A_630 = vector.broadcast %mul3A_597 : f32 to vector<16xf32>
        %sub3A_631 = arith.subf %mul3A_629, %sub3A_630 : vector<16xf32>
        %mul3A_632 = vector.broadcast %mul3A_566 : f32 to vector<16xf32>
        %mul3A_633 = arith.mulf %add3A_374, %mul3A_632 : vector<16xf32>
        %sub3A_634 = vector.broadcast %mul3A_598 : f32 to vector<16xf32>
        %sub3A_635 = arith.subf %mul3A_633, %sub3A_634 : vector<16xf32>
        %mul3A_636 = vector.broadcast %mul3A_566 : f32 to vector<16xf32>
        %mul3A_637 = arith.mulf %add3A_375, %mul3A_636 : vector<16xf32>
        %sub3A_638 = vector.broadcast %mul3A_598 : f32 to vector<16xf32>
        %sub3A_639 = arith.subf %mul3A_637, %sub3A_638 : vector<16xf32>
        %mul3A_640 = vector.broadcast %mul3A_566 : f32 to vector<16xf32>
        %mul3A_641 = arith.mulf %add3A_376, %mul3A_640 : vector<16xf32>
        %sub3A_642 = vector.broadcast %mul3A_598 : f32 to vector<16xf32>
        %sub3A_643 = arith.subf %mul3A_641, %sub3A_642 : vector<16xf32>
        %mul3A_644 = vector.broadcast %mul3A_566 : f32 to vector<16xf32>
        %mul3A_645 = arith.mulf %add3A_377, %mul3A_644 : vector<16xf32>
        %sub3A_646 = vector.broadcast %mul3A_598 : f32 to vector<16xf32>
        %sub3A_647 = arith.subf %mul3A_645, %sub3A_646 : vector<16xf32>
        %mul3A_648 = vector.broadcast %mul3A_595 : f32 to vector<16xf32>
        %mul3A_649 = arith.mulf %add3A_378, %mul3A_648 : vector<16xf32>
        %sub3A_650 = vector.broadcast %mul3A_599 : f32 to vector<16xf32>
        %sub3A_651 = arith.subf %mul3A_649, %sub3A_650 : vector<16xf32>
        %mul3A_652 = vector.broadcast %mul3A_595 : f32 to vector<16xf32>
        %mul3A_653 = arith.mulf %add3A_379, %mul3A_652 : vector<16xf32>
        %sub3A_654 = vector.broadcast %mul3A_599 : f32 to vector<16xf32>
        %sub3A_655 = arith.subf %mul3A_653, %sub3A_654 : vector<16xf32>
        %mul3A_656 = vector.broadcast %mul3A_595 : f32 to vector<16xf32>
        %mul3A_657 = arith.mulf %add3A_380, %mul3A_656 : vector<16xf32>
        %sub3A_658 = vector.broadcast %mul3A_599 : f32 to vector<16xf32>
        %sub3A_659 = arith.subf %mul3A_657, %sub3A_658 : vector<16xf32>
        %mul3A_660 = vector.broadcast %mul3A_595 : f32 to vector<16xf32>
        %mul3A_661 = arith.mulf %add3A_381, %mul3A_660 : vector<16xf32>
        %sub3A_662 = vector.broadcast %mul3A_599 : f32 to vector<16xf32>
        %sub3A_663 = arith.subf %mul3A_661, %sub3A_662 : vector<16xf32>
        %mul3A_664 = arith.mulf %sub3A_603, %get3A_5 : vector<16xf32>
        %add3A_665 = arith.addf %mul3A_664, %get3A_13 : vector<16xf32>
        %mul3A_666 = arith.mulf %sub3A_607, %get3A_7 : vector<16xf32>
        %add3A_667 = arith.addf %mul3A_666, %get3A_15 : vector<16xf32>
        %mul3A_668 = arith.mulf %sub3A_611, %get3A_9 : vector<16xf32>
        %add3A_669 = arith.addf %mul3A_668, %get3A_17 : vector<16xf32>
        %mul3A_670 = arith.mulf %sub3A_615, %get3A_11 : vector<16xf32>
        %add3A_671 = arith.addf %mul3A_670, %get3A_19 : vector<16xf32>
        %mul3A_672 = arith.mulf %sub3A_619, %get3A_5 : vector<16xf32>
        %add3A_673 = arith.addf %mul3A_672, %get3A_13 : vector<16xf32>
        %mul3A_674 = arith.mulf %sub3A_623, %get3A_7 : vector<16xf32>
        %add3A_675 = arith.addf %mul3A_674, %get3A_15 : vector<16xf32>
        %mul3A_676 = arith.mulf %sub3A_627, %get3A_9 : vector<16xf32>
        %add3A_677 = arith.addf %mul3A_676, %get3A_17 : vector<16xf32>
        %mul3A_678 = arith.mulf %sub3A_631, %get3A_11 : vector<16xf32>
        %add3A_679 = arith.addf %mul3A_678, %get3A_19 : vector<16xf32>
        %mul3A_680 = arith.mulf %sub3A_635, %get3A_5 : vector<16xf32>
        %add3A_681 = arith.addf %mul3A_680, %get3A_13 : vector<16xf32>
        %mul3A_682 = arith.mulf %sub3A_639, %get3A_7 : vector<16xf32>
        %add3A_683 = arith.addf %mul3A_682, %get3A_15 : vector<16xf32>
        %mul3A_684 = arith.mulf %sub3A_643, %get3A_9 : vector<16xf32>
        %add3A_685 = arith.addf %mul3A_684, %get3A_17 : vector<16xf32>
        %mul3A_686 = arith.mulf %sub3A_647, %get3A_11 : vector<16xf32>
        %add3A_687 = arith.addf %mul3A_686, %get3A_19 : vector<16xf32>
        %mul3A_688 = arith.mulf %sub3A_651, %get3A_5 : vector<16xf32>
        %add3A_689 = arith.addf %mul3A_688, %get3A_13 : vector<16xf32>
        %mul3A_690 = arith.mulf %sub3A_655, %get3A_7 : vector<16xf32>
        %add3A_691 = arith.addf %mul3A_690, %get3A_15 : vector<16xf32>
        %mul3A_692 = arith.mulf %sub3A_659, %get3A_9 : vector<16xf32>
        %add3A_693 = arith.addf %mul3A_692, %get3A_17 : vector<16xf32>
        %mul3A_694 = arith.mulf %sub3A_663, %get3A_11 : vector<16xf32>
        %add3A_695 = arith.addf %mul3A_694, %get3A_19 : vector<16xf32>
        %mul3A_696 = arith.constant 2 : i32
        %mul3A_697 = arith.muli %scan3A_253, %mul3A_696 : i32
        %add3A_698 = arith.constant 0 : i32
        %add3A_699 = arith.addi %mul3A_697, %add3A_698 : i32
        %swap3A = arith.index_cast %add3A_699 : i32 to index
        %swap3A_700 = arith.constant 0 : index
        %swap3A_701 = tpu.vector_load %arg17[%swap3A, %swap3A_700] {strides = array<i32>} : memref<100x128xf32, #tpu.memory_space<vmem>>, vector<16xf32>,
        tpu.vector_store %arg17[%swap3A, %swap3A_700], %add3A_665 {strides = array<i32>} : memref<100x128xf32, #tpu.memory_space<vmem>>, vector<16xf32>,
        %mul3A_702 = arith.constant 2 : i32
        %mul3A_703 = arith.muli %scan3A_253, %mul3A_702 : i32
        %add3A_704 = arith.constant 0 : i32
        %add3A_705 = arith.addi %mul3A_703, %add3A_704 : i32
        %swap3A_706 = arith.index_cast %add3A_705 : i32 to index
        %swap3A_707 = arith.constant 16 : index
        %swap3A_708 = tpu.vector_load %arg17[%swap3A_706, %swap3A_707] {strides = array<i32>} : memref<100x128xf32, #tpu.memory_space<vmem>>, vector<16xf32>,
        tpu.vector_store %arg17[%swap3A_706, %swap3A_707], %add3A_667 {strides = array<i32>} : memref<100x128xf32, #tpu.memory_space<vmem>>, vector<16xf32>,
        %mul3A_709 = arith.constant 2 : i32
        %mul3A_710 = arith.muli %scan3A_253, %mul3A_709 : i32
        %add3A_711 = arith.constant 0 : i32
        %add3A_712 = arith.addi %mul3A_710, %add3A_711 : i32
        %swap3A_713 = arith.index_cast %add3A_712 : i32 to index
        %swap3A_714 = arith.constant 32 : index
        %swap3A_715 = tpu.vector_load %arg17[%swap3A_713, %swap3A_714] {strides = array<i32>} : memref<100x128xf32, #tpu.memory_space<vmem>>, vector<16xf32>,
        tpu.vector_store %arg17[%swap3A_713, %swap3A_714], %add3A_669 {strides = array<i32>} : memref<100x128xf32, #tpu.memory_space<vmem>>, vector<16xf32>,
        %mul3A_716 = arith.constant 2 : i32
        %mul3A_717 = arith.muli %scan3A_253, %mul3A_716 : i32
        %add3A_718 = arith.constant 0 : i32
        %add3A_719 = arith.addi %mul3A_717, %add3A_718 : i32
        %swap3A_720 = arith.index_cast %add3A_719 : i32 to index
        %swap3A_721 = arith.constant 48 : index
        %swap3A_722 = tpu.vector_load %arg17[%swap3A_720, %swap3A_721] {strides = array<i32>} : memref<100x128xf32, #tpu.memory_space<vmem>>, vector<16xf32>,
        tpu.vector_store %arg17[%swap3A_720, %swap3A_721], %add3A_671 {strides = array<i32>} : memref<100x128xf32, #tpu.memory_space<vmem>>, vector<16xf32>,
        %mul3A_723 = arith.constant 2 : i32
        %mul3A_724 = arith.muli %scan3A_253, %mul3A_723 : i32
        %add3A_725 = arith.constant 0 : i32
        %add3A_726 = arith.addi %mul3A_724, %add3A_725 : i32
        %swap3A_727 = arith.index_cast %add3A_726 : i32 to index
        %swap3A_728 = arith.constant 64 : index
        %swap3A_729 = tpu.vector_load %arg17[%swap3A_727, %swap3A_728] {strides = array<i32>} : memref<100x128xf32, #tpu.memory_space<vmem>>, vector<16xf32>,
        tpu.vector_store %arg17[%swap3A_727, %swap3A_728], %add3A_673 {strides = array<i32>} : memref<100x128xf32, #tpu.memory_space<vmem>>, vector<16xf32>,
        %mul3A_730 = arith.constant 2 : i32
        %mul3A_731 = arith.muli %scan3A_253, %mul3A_730 : i32
        %add3A_732 = arith.constant 0 : i32
        %add3A_733 = arith.addi %mul3A_731, %add3A_732 : i32
        %swap3A_734 = arith.index_cast %add3A_733 : i32 to index
        %swap3A_735 = arith.constant 80 : index
        %swap3A_736 = tpu.vector_load %arg17[%swap3A_734, %swap3A_735] {strides = array<i32>} : memref<100x128xf32, #tpu.memory_space<vmem>>, vector<16xf32>,
        tpu.vector_store %arg17[%swap3A_734, %swap3A_735], %add3A_675 {strides = array<i32>} : memref<100x128xf32, #tpu.memory_space<vmem>>, vector<16xf32>,
        %mul3A_737 = arith.constant 2 : i32
        %mul3A_738 = arith.muli %scan3A_253, %mul3A_737 : i32
        %add3A_739 = arith.constant 0 : i32
        %add3A_740 = arith.addi %mul3A_738, %add3A_739 : i32
        %swap3A_741 = arith.index_cast %add3A_740 : i32 to index
        %swap3A_742 = arith.constant 96 : index
        %swap3A_743 = tpu.vector_load %arg17[%swap3A_741, %swap3A_742] {strides = array<i32>} : memref<100x128xf32, #tpu.memory_space<vmem>>, vector<16xf32>,
        tpu.vector_store %arg17[%swap3A_741, %swap3A_742], %add3A_677 {strides = array<i32>} : memref<100x128xf32, #tpu.memory_space<vmem>>, vector<16xf32>,
        %mul3A_744 = arith.constant 2 : i32
        %mul3A_745 = arith.muli %scan3A_253, %mul3A_744 : i32
        %add3A_746 = arith.constant 0 : i32
        %add3A_747 = arith.addi %mul3A_745, %add3A_746 : i32
        %swap3A_748 = arith.index_cast %add3A_747 : i32 to index
        %swap3A_749 = arith.constant 112 : index
        %swap3A_750 = tpu.vector_load %arg17[%swap3A_748, %swap3A_749] {strides = array<i32>} : memref<100x128xf32, #tpu.memory_space<vmem>>, vector<16xf32>,
        tpu.vector_store %arg17[%swap3A_748, %swap3A_749], %add3A_679 {strides = array<i32>} : memref<100x128xf32, #tpu.memory_space<vmem>>, vector<16xf32>,
        %mul3A_751 = arith.constant 2 : i32
        %mul3A_752 = arith.muli %scan3A_253, %mul3A_751 : i32
        %add3A_753 = arith.constant 1 : i32
        %add3A_754 = arith.addi %mul3A_752, %add3A_753 : i32
        %swap3A_755 = arith.index_cast %add3A_754 : i32 to index
        %swap3A_756 = arith.constant 0 : index
        %swap3A_757 = tpu.vector_load %arg17[%swap3A_755, %swap3A_756] {strides = array<i32>} : memref<100x128xf32, #tpu.memory_space<vmem>>, vector<16xf32>,
        tpu.vector_store %arg17[%swap3A_755, %swap3A_756], %add3A_681 {strides = array<i32>} : memref<100x128xf32, #tpu.memory_space<vmem>>, vector<16xf32>,
        %mul3A_758 = arith.constant 2 : i32
        %mul3A_759 = arith.muli %scan3A_253, %mul3A_758 : i32
        %add3A_760 = arith.constant 1 : i32
        %add3A_761 = arith.addi %mul3A_759, %add3A_760 : i32
        %swap3A_762 = arith.index_cast %add3A_761 : i32 to index
        %swap3A_763 = arith.constant 16 : index
        %swap3A_764 = tpu.vector_load %arg17[%swap3A_762, %swap3A_763] {strides = array<i32>} : memref<100x128xf32, #tpu.memory_space<vmem>>, vector<16xf32>,
        tpu.vector_store %arg17[%swap3A_762, %swap3A_763], %add3A_683 {strides = array<i32>} : memref<100x128xf32, #tpu.memory_space<vmem>>, vector<16xf32>,
        %mul3A_765 = arith.constant 2 : i32
        %mul3A_766 = arith.muli %scan3A_253, %mul3A_765 : i32
        %add3A_767 = arith.constant 1 : i32
        %add3A_768 = arith.addi %mul3A_766, %add3A_767 : i32
        %swap3A_769 = arith.index_cast %add3A_768 : i32 to index
        %swap3A_770 = arith.constant 32 : index
        %swap3A_771 = tpu.vector_load %arg17[%swap3A_769, %swap3A_770] {strides = array<i32>} : memref<100x128xf32, #tpu.memory_space<vmem>>, vector<16xf32>,
        tpu.vector_store %arg17[%swap3A_769, %swap3A_770], %add3A_685 {strides = array<i32>} : memref<100x128xf32, #tpu.memory_space<vmem>>, vector<16xf32>,
        %mul3A_772 = arith.constant 2 : i32
        %mul3A_773 = arith.muli %scan3A_253, %mul3A_772 : i32
        %add3A_774 = arith.constant 1 : i32
        %add3A_775 = arith.addi %mul3A_773, %add3A_774 : i32
        %swap3A_776 = arith.index_cast %add3A_775 : i32 to index
        %swap3A_777 = arith.constant 48 : index
        %swap3A_778 = tpu.vector_load %arg17[%swap3A_776, %swap3A_777] {strides = array<i32>} : memref<100x128xf32, #tpu.memory_space<vmem>>, vector<16xf32>,
        tpu.vector_store %arg17[%swap3A_776, %swap3A_777], %add3A_687 {strides = array<i32>} : memref<100x128xf32, #tpu.memory_space<vmem>>, vector<16xf32>,
        %mul3A_779 = arith.constant 2 : i32
        %mul3A_780 = arith.muli %scan3A_253, %mul3A_779 : i32
        %add3A_781 = arith.constant 1 : i32
        %add3A_782 = arith.addi %mul3A_780, %add3A_781 : i32
        %swap3A_783 = arith.index_cast %add3A_782 : i32 to index
        %swap3A_784 = arith.constant 64 : index
        %swap3A_785 = tpu.vector_load %arg17[%swap3A_783, %swap3A_784] {strides = array<i32>} : memref<100x128xf32, #tpu.memory_space<vmem>>, vector<16xf32>,
        tpu.vector_store %arg17[%swap3A_783, %swap3A_784], %add3A_689 {strides = array<i32>} : memref<100x128xf32, #tpu.memory_space<vmem>>, vector<16xf32>,
        %mul3A_786 = arith.constant 2 : i32
        %mul3A_787 = arith.muli %scan3A_253, %mul3A_786 : i32
        %add3A_788 = arith.constant 1 : i32
        %add3A_789 = arith.addi %mul3A_787, %add3A_788 : i32
        %swap3A_790 = arith.index_cast %add3A_789 : i32 to index
        %swap3A_791 = arith.constant 80 : index
        %swap3A_792 = tpu.vector_load %arg17[%swap3A_790, %swap3A_791] {strides = array<i32>} : memref<100x128xf32, #tpu.memory_space<vmem>>, vector<16xf32>,
        tpu.vector_store %arg17[%swap3A_790, %swap3A_791], %add3A_691 {strides = array<i32>} : memref<100x128xf32, #tpu.memory_space<vmem>>, vector<16xf32>,
        %mul3A_793 = arith.constant 2 : i32
        %mul3A_794 = arith.muli %scan3A_253, %mul3A_793 : i32
        %add3A_795 = arith.constant 1 : i32
        %add3A_796 = arith.addi %mul3A_794, %add3A_795 : i32
        %swap3A_797 = arith.index_cast %add3A_796 : i32 to index
        %swap3A_798 = arith.constant 96 : index
        %swap3A_799 = tpu.vector_load %arg17[%swap3A_797, %swap3A_798] {strides = array<i32>} : memref<100x128xf32, #tpu.memory_space<vmem>>, vector<16xf32>,
        tpu.vector_store %arg17[%swap3A_797, %swap3A_798], %add3A_693 {strides = array<i32>} : memref<100x128xf32, #tpu.memory_space<vmem>>, vector<16xf32>,
        %mul3A_800 = arith.constant 2 : i32
        %mul3A_801 = arith.muli %scan3A_253, %mul3A_800 : i32
        %add3A_802 = arith.constant 1 : i32
        %add3A_803 = arith.addi %mul3A_801, %add3A_802 : i32
        %swap3A_804 = arith.index_cast %add3A_803 : i32 to index
        %swap3A_805 = arith.constant 112 : index
        %swap3A_806 = tpu.vector_load %arg17[%swap3A_804, %swap3A_805] {strides = array<i32>} : memref<100x128xf32, #tpu.memory_space<vmem>>, vector<16xf32>,
        tpu.vector_store %arg17[%swap3A_804, %swap3A_805], %add3A_695 {strides = array<i32>} : memref<100x128xf32, #tpu.memory_space<vmem>>, vector<16xf32>,
      }
      %scan3A_241 = arith.constant 50 : i32
      %dma_start3A_242 = arith.constant 0 : i32
      %dma_start3A_243 = arith.constant 0 : i32
      %dma_start3A_244 = tpu.memref_slice %arg7[%add3A_192, %dma_start3A_242, %dma_start3A_243] : memref<1024x100x128xf32, #tpu.memory_space<hbm>> -> memref<1x100x128xf32, #tpu.memory_space<hbm>>
      %dma_start3A_245 = tpu.memref_squeeze %dma_start3A_244 : memref<1x100x128xf32, #tpu.memory_space<hbm>> -> memref<100x128xf32, #tpu.memory_space<hbm>>
      %dma_start3A_246 = arith.constant 0 : i32
      %dma_start3A_247 = arith.constant 0 : i32
      %dma_start3A_248 = tpu.memref_slice %arg7[%add3A_192, %dma_start3A_246, %dma_start3A_247] : memref<1024x100x128xf32, #tpu.memory_space<hbm>> -> memref<1x100x128xf32, #tpu.memory_space<hbm>>
      %dma_start3A_249 = tpu.memref_squeeze %dma_start3A_248 : memref<1x100x128xf32, #tpu.memory_space<hbm>> -> memref<100x128xf32, #tpu.memory_space<hbm>>
      tpu.enqueue_dma source(%arg17 : memref<100x128xf32, #tpu.memory_space<vmem>>) target(%dma_start3A_249 : memref<100x128xf32, #tpu.memory_space<hbm>>) target_semaphore(%arg25 : memref<!tpu.dma_semaphore, #tpu.memory_space<semaphore_mem>>)
      %convert_element_type3A_250 = arith.extui %lt3A_123 : i1 to i32
      %cond3A_251 = arith.constant 0 : i32
      %cond3A_252 = arith.cmpi ne, %convert_element_type3A_250, %cond3A_251 : i32
      scf.if %cond3A_252 {
        %dma_wait3A_253 = tpu.memref_slice %arg2[%add3A_197] : memref<204800xi32, #tpu.memory_space<hbm>> -> memref<200xi32, #tpu.memory_space<hbm>>
        %dma_wait3A_254 = tpu.memref_slice %arg2[%add3A_197] : memref<204800xi32, #tpu.memory_space<hbm>> -> memref<200xi32, #tpu.memory_space<hbm>>
        tpu.wait_dma2 semaphore(%arg23 : memref<!tpu.dma_semaphore, #tpu.memory_space<semaphore_mem>>) src(%dma_wait3A_254 : memref<200xi32, #tpu.memory_space<hbm>>) dst(%arg9 : memref<200xi32, #tpu.memory_space<vmem>>)
        %dma_wait3A_255 = tpu.memref_slice %arg3[%add3A_197] : memref<204800xi32, #tpu.memory_space<hbm>> -> memref<200xi32, #tpu.memory_space<hbm>>
        %dma_wait3A_256 = tpu.memref_slice %arg3[%add3A_197] : memref<204800xi32, #tpu.memory_space<hbm>> -> memref<200xi32, #tpu.memory_space<hbm>>
        tpu.wait_dma2 semaphore(%arg23 : memref<!tpu.dma_semaphore, #tpu.memory_space<semaphore_mem>>) src(%dma_wait3A_256 : memref<200xi32, #tpu.memory_space<hbm>>) dst(%arg11 : memref<200xi32, #tpu.memory_space<vmem>>)
        %dma_start3A_257 = arith.constant 0 : i32
        %dma_start3A_258 = arith.constant 0 : i32
        %dma_start3A_259 = tpu.memref_slice %arg13[%dma_start3A_257, %dma_start3A_258] : memref<200x64xf32, #tpu.memory_space<vmem>> -> memref<128x64xf32, #tpu.memory_space<vmem>>
        %dma_start3A_260 = arith.constant 0 : i32
        %dma_start3A_261 = tpu.memref_slice %arg9[%dma_start3A_260] : memref<200xi32, #tpu.memory_space<vmem>> -> memref<128xi32, #tpu.memory_space<vmem>>
        %dma_start3A_262 = arith.constant 0 : i32
        %dma_start3A_263 = arith.constant 0 : i32
        %dma_start3A_264 = tpu.memref_slice %arg4[%dma_start3A_262, %dma_start3A_263] : memref<100000x64xf32, #tpu.memory_space<hbm>> -> memref<100000x64xf32, #tpu.memory_space<hbm>>
        tpu.enqueue_indirect_dma source(%dma_start3A_264 : memref<100000x64xf32, #tpu.memory_space<hbm>>) target(%dma_start3A_259 : memref<128x64xf32, #tpu.memory_space<vmem>>) offsets(%dma_start3A_261 : memref<128xi32, #tpu.memory_space<vmem>>) semaphore(%arg21 : memref<!tpu.dma_semaphore, #tpu.memory_space<semaphore_mem>>)
        %dma_start3A_265 = arith.constant 0 : i32
        %dma_start3A_266 = arith.constant 0 : i32
        %dma_start3A_267 = tpu.memref_slice %arg15[%dma_start3A_265, %dma_start3A_266] : memref<200x64xf32, #tpu.memory_space<vmem>> -> memref<128x64xf32, #tpu.memory_space<vmem>>
        %dma_start3A_268 = arith.constant 0 : i32
        %dma_start3A_269 = tpu.memref_slice %arg11[%dma_start3A_268] : memref<200xi32, #tpu.memory_space<vmem>> -> memref<128xi32, #tpu.memory_space<vmem>>
        %dma_start3A_270 = arith.constant 0 : i32
        %dma_start3A_271 = arith.constant 0 : i32
        %dma_start3A_272 = tpu.memref_slice %arg4[%dma_start3A_270, %dma_start3A_271] : memref<100000x64xf32, #tpu.memory_space<hbm>> -> memref<100000x64xf32, #tpu.memory_space<hbm>>
        tpu.enqueue_indirect_dma source(%dma_start3A_272 : memref<100000x64xf32, #tpu.memory_space<hbm>>) target(%dma_start3A_267 : memref<128x64xf32, #tpu.memory_space<vmem>>) offsets(%dma_start3A_269 : memref<128xi32, #tpu.memory_space<vmem>>) semaphore(%arg21 : memref<!tpu.dma_semaphore, #tpu.memory_space<semaphore_mem>>)
        %dma_start3A_273 = arith.constant 128 : i32
        %dma_start3A_274 = arith.constant 0 : i32
        %dma_start3A_275 = tpu.memref_slice %arg13[%dma_start3A_273, %dma_start3A_274] : memref<200x64xf32, #tpu.memory_space<vmem>> -> memref<72x64xf32, #tpu.memory_space<vmem>>
        %dma_start3A_276 = arith.constant 128 : i32
        %dma_start3A_277 = tpu.memref_slice %arg9[%dma_start3A_276] : memref<200xi32, #tpu.memory_space<vmem>> -> memref<72xi32, #tpu.memory_space<vmem>>
        %dma_start3A_278 = arith.constant 0 : i32
        %dma_start3A_279 = arith.constant 0 : i32
        %dma_start3A_280 = tpu.memref_slice %arg4[%dma_start3A_278, %dma_start3A_279] : memref<100000x64xf32, #tpu.memory_space<hbm>> -> memref<100000x64xf32, #tpu.memory_space<hbm>>
        tpu.enqueue_indirect_dma source(%dma_start3A_280 : memref<100000x64xf32, #tpu.memory_space<hbm>>) target(%dma_start3A_275 : memref<72x64xf32, #tpu.memory_space<vmem>>) offsets(%dma_start3A_277 : memref<72xi32, #tpu.memory_space<vmem>>) semaphore(%arg21 : memref<!tpu.dma_semaphore, #tpu.memory_space<semaphore_mem>>)
        %dma_start3A_281 = arith.constant 128 : i32
        %dma_start3A_282 = arith.constant 0 : i32
        %dma_start3A_283 = tpu.memref_slice %arg15[%dma_start3A_281, %dma_start3A_282] : memref<200x64xf32, #tpu.memory_space<vmem>> -> memref<72x64xf32, #tpu.memory_space<vmem>>
        %dma_start3A_284 = arith.constant 128 : i32
        %dma_start3A_285 = tpu.memref_slice %arg11[%dma_start3A_284] : memref<200xi32, #tpu.memory_space<vmem>> -> memref<72xi32, #tpu.memory_space<vmem>>
        %dma_start3A_286 = arith.constant 0 : i32
        %dma_start3A_287 = arith.constant 0 : i32
        %dma_start3A_288 = tpu.memref_slice %arg4[%dma_start3A_286, %dma_start3A_287] : memref<100000x64xf32, #tpu.memory_space<hbm>> -> memref<100000x64xf32, #tpu.memory_space<hbm>>
        tpu.enqueue_indirect_dma source(%dma_start3A_288 : memref<100000x64xf32, #tpu.memory_space<hbm>>) target(%dma_start3A_283 : memref<72x64xf32, #tpu.memory_space<vmem>>) offsets(%dma_start3A_285 : memref<72xi32, #tpu.memory_space<vmem>>) semaphore(%arg21 : memref<!tpu.dma_semaphore, #tpu.memory_space<semaphore_mem>>)
      } else {
      }
    }
    %scan3A_95 = arith.constant 16 : i32
    %add3A_96 = arith.constant 32 : i32
    %add3A_97 = arith.addi %mul3A_2, %add3A_96 : i32
    %sub3A = arith.constant 2 : i32
    %sub3A_98 = arith.subi %add3A_97, %sub3A : i32
    %add3A_99 = arith.constant 0 : i32
    %add3A_100 = arith.addi %sub3A_98, %add3A_99 : i32
    %dma_wait3A = arith.constant 0 : i32
    %dma_wait3A_101 = arith.constant 0 : i32
    %dma_wait3A_102 = tpu.memref_slice %arg7[%add3A_100, %dma_wait3A, %dma_wait3A_101] : memref<1024x100x128xf32, #tpu.memory_space<hbm>> -> memref<1x100x128xf32, #tpu.memory_space<hbm>>
    %dma_wait3A_103 = tpu.memref_squeeze %dma_wait3A_102 : memref<1x100x128xf32, #tpu.memory_space<hbm>> -> memref<100x128xf32, #tpu.memory_space<hbm>>
    %dma_wait3A_104 = arith.constant 0 : i32
    %dma_wait3A_105 = arith.constant 0 : i32
    %dma_wait3A_106 = tpu.memref_slice %arg7[%add3A_100, %dma_wait3A_104, %dma_wait3A_105] : memref<1024x100x128xf32, #tpu.memory_space<hbm>> -> memref<1x100x128xf32, #tpu.memory_space<hbm>>
    %dma_wait3A_107 = tpu.memref_squeeze %dma_wait3A_106 : memref<1x100x128xf32, #tpu.memory_space<hbm>> -> memref<100x128xf32, #tpu.memory_space<hbm>>
    tpu.wait_dma2 semaphore(%arg24 : memref<!tpu.dma_semaphore, #tpu.memory_space<semaphore_mem>>) src(%arg16 : memref<100x128xf32, #tpu.memory_space<vmem>>) dst(%dma_wait3A_107 : memref<100x128xf32, #tpu.memory_space<hbm>>)
    %add3A_108 = arith.constant 32 : i32
    %add3A_109 = arith.addi %mul3A_2, %add3A_108 : i32
    %sub3A_110 = arith.constant 2 : i32
    %sub3A_111 = arith.subi %add3A_109, %sub3A_110 : i32
    %add3A_112 = arith.constant 1 : i32
    %add3A_113 = arith.addi %sub3A_111, %add3A_112 : i32
    %dma_wait3A_114 = arith.constant 0 : i32
    %dma_wait3A_115 = arith.constant 0 : i32
    %dma_wait3A_116 = tpu.memref_slice %arg7[%add3A_113, %dma_wait3A_114, %dma_wait3A_115] : memref<1024x100x128xf32, #tpu.memory_space<hbm>> -> memref<1x100x128xf32, #tpu.memory_space<hbm>>
    %dma_wait3A_117 = tpu.memref_squeeze %dma_wait3A_116 : memref<1x100x128xf32, #tpu.memory_space<hbm>> -> memref<100x128xf32, #tpu.memory_space<hbm>>
    %dma_wait3A_118 = arith.constant 0 : i32
    %dma_wait3A_119 = arith.constant 0 : i32
    %dma_wait3A_120 = tpu.memref_slice %arg7[%add3A_113, %dma_wait3A_118, %dma_wait3A_119] : memref<1024x100x128xf32, #tpu.memory_space<hbm>> -> memref<1x100x128xf32, #tpu.memory_space<hbm>>
    %dma_wait3A_121 = tpu.memref_squeeze %dma_wait3A_120 : memref<1x100x128xf32, #tpu.memory_space<hbm>> -> memref<100x128xf32, #tpu.memory_space<hbm>>
    tpu.wait_dma2 semaphore(%arg25 : memref<!tpu.dma_semaphore, #tpu.memory_space<semaphore_mem>>) src(%arg17 : memref<100x128xf32, #tpu.memory_space<vmem>>) dst(%dma_wait3A_121 : memref<100x128xf32, #tpu.memory_space<hbm>>)
    return
  }
}

</mosaic_0001>

<sc_bundles>
// kernel: kernel.3.cloned.1.call-start
scs
__scs_entry_jumppad:
0x0: {  	(pc) =	sbr.rel $0x88, $3  }
0x1: {  	(tag) =	ssettag $0x0;
	lr =	simm.s32 $0x1  }
0x2: {  	[smem:$0x3F9B] =	sst lr;
	_ =	strace $0xD0000000  }
0x3: {  	_ = 	snop  }
0x4: {  	_ = 	snop  }
0x5: {  	_ = 	snop  }
0x6: {  	_ = 	snop  }
0x7: {  	_ = 	snop  }
__scs_overlays_trampoline_lowered:
0x8: {  	[smem:$0x3FAA] =	sst s0  }
0x9: {  	[smem:$0x3FAB] =	sst s1  }
0xa: {  	[smem:$0x3FAC] =	sst s2  }
0xb: {  	[smem:$0x3FAD] =	sst s3  }
0xc: {  	[smem:$0x3FAE] =	sst s4  }
0xd: {  	[smem:$0x3FAF] =	sst s5  }
0xe: {  	[smem:$0x3FB0] =	sst s6  }
0xf: {  	[smem:$0x3FB1] =	sst s7  }
0x10: {  	[smem:$0x3FB2] =	sst s8  }
0x11: {  	[smem:$0x3FB3] =	sst s9;
	s0 =	simm.s32 @!p0 $0x0  }
0x12: {  	s1 =	sld [smem:$0x3F99];
	s0 =	simm.s32 @p0 $0x1  }
0x13: {  	[smem:$0x3FB4] =	sst s0;
	s0 =	simm.s32 @!p1 $0x0  }
0x14: {  	s2 =	sld [smem:$0x3F98];
	s0 =	simm.s32 @p1 $0x1  }
0x15: {  	[smem:$0x3FB5] =	sst s0;
	s0 =	simm.s32 @!p2 $0x0  }
0x16: {  	s3 =	sld [smem:$0x3FDB];
	s0 =	simm.s32 @p2 $0x1  }
0x17: {  	s4 =	simm.s32 $0x1BF5;
	[smem:$0x3FB7] =	sst s0  }
0x18: {  	s0 =	sld [smem:$0x3F9A];
	_ =	swait.ge [sflag:s4], $0x0  }
0x19: {  	s7 =	sld [smem:$0x3F9B]  }
0x1a: {  	s8 =	sadd.s32 $0xFFFFE003, lr  }
0x1b: {  	s9 =	sadd.s32 $0xFFFFFEF7, lr;
	s5 =	simm.s32 $0xFFFFFFFF;
	p2 =	slt.u32 s8, $0xFFFFF086  }
0x1c: {  	p1 =	slt.u32 s9, $0xF7A;
	s5 =	simm.s32 @!p2 $0x0  }
0x1d: {  	s5 =	simm.s32 @p1 $0x1;
	p0 =	seq.s32 s7, s2  }
0x1e: {  	s7 =	smul.u32 @!p0 $0xF7A, s2;
	p2 =	seq.s32 @!p0 s5, $0x0  }
0x1f: {  	s9 =	smul.u32 $0xF7A, s1;
	s8 =	simm.s32 @!p0 $0x1BF5;
	p2 =	por !p2, p0  }
0x20: {  	[sflag:s8] =	ssyncset.s32 @!p0 $0xFFFFF086;
	s6 =	sadd.s32 @!p0 s3, s7;
	s7 =	simm.s32 @!p0 $0x108  }
0x21: {  	s3 =	sadd.s32 s3, s9;
	s6 =	sadd.s32 @!p0 $0x88, s6;
	s7 =	simm.s32 @p2 $0x1082  }
0x22: {  	[simem:s7], [sflag:s8] =	dma.local @!p0 [hbm:s6], $0xF7A  }
0x23: {  	s9 =	sor.u32 $0xD0000000, s2;
	s6 =	simm.s32 $0x108;
	_ =	swait.ge @!p0 [sflag:s8], $0x0  }
0x24: {  	s3 =	sadd.s32 $0x88, s3;
	s6 =	simm.s32 @!p1 $0x1082;
	[sflag:s4] =	ssyncset.s32 $0xFFFFF086  }
0x25: {  	[simem:s6], [sflag:s4] =	dma.local [hbm:s3], $0xF7A  }
0x26: {  	[smem:$0x3F9B] =	sst s1;
	(tag) =	ssettag s2;
	_ =	strace s9  }
0x27: {  	s1 =	sld [smem:$0x3FAB]  }
0x28: {  	s2 =	sld [smem:$0x3FAC]  }
0x29: {  	s4 =	sld [smem:$0x3FAE]  }
0x2a: {  	p0 =	seq.s32 s5, $0x0;
	s5 =	sld [smem:$0x3FAF]  }
0x2b: {  	s6 =	sld [smem:$0x3FB0]  }
0x2c: {  	s7 =	sld [smem:$0x3FB1]  }
0x2d: {  	s3 =	simm.s32 $0x108;
	s8 =	sld [smem:$0x3FB2]  }
0x2e: {  	s3 =	simm.s32 @!p0 $0x1082;
	s9 =	sld [smem:$0x3FB3]  }
0x2f: {  	lr =	sadd.s32 s0, s3;
	s0 =	sld [smem:$0x3FAA]  }
0x30: {  	s3 =	sld [smem:$0x3FAD]  }
0x31: {  	[smem:$0x3FB6] =	sst s10  }
0x32: {  	s10 =	sld [smem:$0x3FB4];
	_ =	sdelay $0x3  }
0x33: {  	p0 =	seq.s32 s10, $0x1;
	s10 =	sld [smem:$0x3FB6];
	_ =	sdelay $0x3  }
0x34: {  	[smem:$0x3FB6] =	sst s10  }
0x35: {  	s10 =	sld [smem:$0x3FB5];
	_ =	sdelay $0x3  }
0x36: {  	p1 =	seq.s32 s10, $0x1;
	s10 =	sld [smem:$0x3FB6];
	_ =	sdelay $0x3  }
0x37: {  	[smem:$0x3FB6] =	sst s10  }
0x38: {  	s10 =	sld [smem:$0x3FB7]  }
0x39: {  	_ = 	snop;
	(pc) =	sbr.ind lr, $3  }
0x3a: {  	_ = 	snop  }
0x3b: {  	_ = 	snop  }
0x3c: {  	p2 =	seq.s32 s10, $0x1;
	s10 =	sld [smem:$0x3FB6]  }
0x3d: {  	_ =	shalt  }
0x3e: {  	_ =	shalt  }
0x3f: {  	_ =	shalt  }
0x40: {  	_ =	shalt  }
0x41: {  	_ =	shalt  }
0x42: {  	_ =	shalt  }
0x43: {  	_ =	shalt  }
0x44: {  	_ =	shalt  }
0x45: {  	_ =	shalt  }
0x46: {  	_ =	shalt  }
0x47: {  	_ =	shalt  }
0x48: {  	_ =	shalt  }
0x49: {  	_ =	shalt  }
0x4a: {  	_ =	shalt  }
0x4b: {  	_ =	shalt  }
0x4c: {  	_ =	shalt  }
0x4d: {  	_ =	shalt  }
0x4e: {  	_ =	shalt  }
0x4f: {  	_ =	shalt  }
0x50: {  	_ =	shalt  }
0x51: {  	_ =	shalt  }
0x52: {  	_ =	shalt  }
0x53: {  	_ =	shalt  }
0x54: {  	_ =	shalt  }
0x55: {  	_ =	shalt  }
0x56: {  	_ =	shalt  }
0x57: {  	_ =	shalt  }
0x58: {  	_ =	shalt  }
0x59: {  	_ =	shalt  }
0x5a: {  	_ =	shalt  }
0x5b: {  	_ =	shalt  }
0x5c: {  	_ =	shalt  }
0x5d: {  	_ =	shalt  }
0x5e: {  	_ =	shalt  }
0x5f: {  	_ =	shalt  }
0x60: {  	_ =	shalt  }
0x61: {  	_ =	shalt  }
0x62: {  	_ =	shalt  }
0x63: {  	_ =	shalt  }
0x64: {  	_ =	shalt  }
0x65: {  	_ =	shalt  }
0x66: {  	_ =	shalt  }
0x67: {  	_ =	shalt  }
0x68: {  	_ =	shalt  }
0x69: {  	_ =	shalt  }
0x6a: {  	_ =	shalt  }
0x6b: {  	_ =	shalt  }
0x6c: {  	_ =	shalt  }
0x6d: {  	_ =	shalt  }
0x6e: {  	_ =	shalt  }
0x6f: {  	_ =	shalt  }
0x70: {  	_ =	shalt  }
0x71: {  	_ =	shalt  }
0x72: {  	_ =	shalt  }
0x73: {  	_ =	shalt  }
0x74: {  	_ =	shalt  }
0x75: {  	_ =	shalt  }
0x76: {  	_ =	shalt  }
0x77: {  	_ =	shalt  }
0x78: {  	_ =	shalt  }
0x79: {  	_ =	shalt  }
0x7a: {  	_ =	shalt  }
0x7b: {  	_ =	shalt  }
0x7c: {  	_ =	shalt  }
0x7d: {  	_ =	shalt  }
0x7e: {  	_ =	shalt  }
0x7f: {  	_ =	shalt  }
0x80: {  	_ =	shalt  }
0x81: {  	_ =	shalt  }
0x82: {  	_ =	shalt  }
0x83: {  	_ =	shalt  }
0x84: {  	_ =	shalt  }
0x85: {  	_ =	shalt  }
0x86: {  	_ =	shalt  }
0x87: {  	_ =	shalt  }
.Lfunc_end0:
.L_simem_size_0:
called_computation.1_lowered:
.L_overlay_start_0:
0x88: {  	s2 =	sld [smem:$0x3FD9]  }
0x89: {  	s3 =	sld [smem:$0x3FFE];
	_ =	sdelay $0x1  }
0x8a: {  	s1 =	srdreg.scid  }
0x8b: {  	s0 =	sand.u32 $0x1, s1  }
0x8c: {  	s14 =	sshll.u32 s0, $0xA;
	s2 =	sadd.s32 s3, s2  }
0x8d: {  	s2 =	sadd.s32 s2, s14  }
0x8e: {  	[smem:$0x3FC2] =	sst s2  }
0x8f: {  	_ = 	snop  }
0x90: {  	s2 =	sld [smem:$0x3FD0];
	_ =	sdelay $0x1  }
0x91: {  	s15 =	sld [smem:$0x3FC5]  }
0x92: {  	s5 =	simm.s32 $0xA;
	s6 =	simm.s32 $0x10;
	s4 =	sld [smem:$0x3FC4]  }
0x93: {  	[smem:s6], [sflag:s5] =	dma.local [hbm:s2], $0x1  }
0x94: {  	_ =	swait.eq [sflag:s5], $0x1  }
0x95: {  	[sflag:s5] =	ssyncset.done $0x0  }
0x96: {  	[sflag:s5] =	ssyncadd.s32 $0xFFFFFFFF  }
0x97: {  	s16 =	sld [smem:$0x10];
	(tm) =	ssettm $0x1  }
0x98: {  	s17 =	sld [smem:$0x3FFB];
	_ =	sdelay $0x3  }
0x99: {  	_ =	strace s17  }
0x9a: {  	s5 =	sld [smem:$0x3FFC];
	_ =	sdelay $0x3  }
0x9b: {  	_ =	strace s5  }
0x9c: {  	s5 =	sld [smem:$0x3FFD];
	_ =	sdelay $0x3  }
0x9d: {  	_ =	strace s5  }
0x9e: {  	_ =	strace $0x8FFFFFFF  }
0x9f: {  	s18 =	sld [smem:$0x3FDB];
	_ =	sdelay $0x1  }
0xa0: {  	s19 =	simm.s32 $_scs_section_size  }
0xa1: {  	s7 =	simm.s32 $_size__tile_overlayer_lowered;
	s8 =	simm.s32 $_tile_overlayer_lowered  }
0xa2: {  	s22 =	simm.s32 $0x1BFF;
	s21 =	sshll.u32 s8, $0x1;
	s5 =	sadd.s32 s19, s18  }
0xa3: {  	s9 =	simm.s32 $0x0;
	s20 =	sshll.u32 s7, $0x1;
	s7 =	sadd.s32 s21, s5  }
0xa4: {  	[timem:s9], [sflag:s22] =	dma.local [hbm:s7], s20  }
0xa5: {  	_ =	swait.ge [sflag:s22], s20  }
0xa6: {  	s6 =	ssub.s32 $0x0, s20;
	[sflag:s22] =	ssyncset.done $0x0  }
0xa7: {  	[sflag:s22] =	ssyncadd.s32 s6;
	_ =	sdelay $0x1  }
0xa8: {  	s23 =	simm.s32 $0x1B8B  }
0xa9: {  	_ =	swait.ge [sflag:s23], $0x1  }
0xaa: {  	[sflag:s23] =	ssyncset.done $0x0  }
0xab: {  	s25 =	simm.s32 $0x1B8E;
	s24 =	sld [smem:$0x3FFE];
	[sflag:s23] =	ssyncadd.s32 $0xFFFFFFFF  }
0xac: {  	s26 =	simm.s32 $execute0_lowered;
	[smem:$0x3FD2] =	sst s25  }
0xad: {  	s7 =	sshll.u32 s26, $0x1;
	_ =	strace $0x80000046;
	[dreg:$0x1] =	wrdreg $0xFFFFFFFF  }
0xae: {  	s28 =	simm.s32 $_size_execute0_lowered;
	s5 =	sadd.s32 s5, s7;
	[dreg:$0x0] =	wrdreg $0x0  }
0xaf: {  	s7 =	sshll.u32 s28, $0x1;
	[dreg:$0x2] =	wrdreg s5  }
0xb0: {  	[dreg:$0x3] =	wrdreg s7  }
0xb1: {  	[dreg:$0x4] =	wrdreg $0xC0  }
0xb2: {  	_ =	task [dreg:s9], $0x5FFFF  }
0xb3: {  	[dreg:$0x1] =	wrdreg $0xFFFFFFFF  }
0xb4: {  	[dreg:$0x0] =	wrdreg $0x60  }
0xb5: {  	[dreg:$0x2] =	wrdreg s24  }
0xb6: {  	[dreg:$0x3] =	wrdreg s15  }
0xb7: {  	[dreg:$0x4] =	wrdreg s4  }
0xb8: {  	[dreg:$0x5] =	wrdreg s16  }
0xb9: {  	[dreg:$0x6] =	wrdreg $0x9  }
0xba: {  	_ =	task.clear_ibuf [dreg:s9], $0x7FFFF;
	_ =	strace $0x90000046  }
0xbb: {  	s29 =	simm.s32 $0x9;
	_ =	strace $0x80000048  }
0xbc: {  	_ =	swait.ge [sflag:s29], $0x1  }
0xbd: {  	[sflag:s29] =	ssyncadd.s32 $0xFFFFFFFF  }
0xbe: {  	_ =	strace $0x90000048  }
0xbf: {  	_ =	sfence  }
0xc0: {  	s30 =	sld [smem:$0x0];
	_ =	sdelay $0x2  }
0xc1: {  	s31 =	sshll.u32 s1, $0xD;
	s1 =	sshrl.u32 s1, $0x2  }
0xc2: {  	s3 =	sand.u32 $0x4000, s31;
	s1 =	sadd.s32 s1, s30  }
0xc3: {  	s0 =	sor.u32 s3, s0;
	s1 =	sshll.u32 s1, $0x11  }
0xc4: {  	s0 =	sor.u32 s1, s0  }
0xc5: {  	s0 =	sadd.s32 $0x8F2B, s0  }
0xc6: {  	[sflag:s0] =	ssyncadd.remote.s32 $0x1  }
0xc7: {  	_ =	sfence.sel $0xFFFF  }
0xc8: {  	[dreg:$0x0] =	wrdreg $0xFFFFFFFF;
	(pc) =	sbr.abs _section_cstart, $3  }
0xc9: {  	[dreg:$0x1] =	wrdreg $0xFFFFFFFF  }
0xca: {  	_ =	task.clear_ibuf [dreg:s9], $0x2FFFF;
	_ =	strace $0x9FFFFFFF  }
0xcb: {  	(tm) =	ssettm $0x7FFFFFFF  }
tec
execute0_lowered:
.L_overlay_start_1:
0x0: {  	(tag) =	ssettag $0x1  }
0x1: {  	s0 =	rddreg [dreg:$0x0];
	s1 =	srdreg.scid  }
0x2: {  	s2 =	stileid.u32;
	s3 =	simm.s32 $0x0;
	s1 =	sand.u32 $0x1, s1  }
0x3: {  	s2 =	sshll.u32 s2, $0x1;
	[smem:$0x7FF] =	sst s3;
	s5 =	sadd.s32 $0xCA800, s0  }
0x4: {  	s6 =	sadd.s32 $0xC4400, s0;
	s8 =	sadd.s32 $0xE00, s0;
	s2 =	sor.u32 s1, s2  }
0x5: {  	_ =	strace $0x80000047;
	[dreg:$0x5] =	wrdreg s5;
	s22 =	smul.u32 $0x1900, s2  }
0x6: {  	s1 =	ssub.s32 $0x2, s1;
	[dreg:$0x6] =	wrdreg s6;
	s2 =	sshll.u32 s2, $0x5  }
0x7: {  	s4 =	sshrl.u32 s1, $0x1;
	[dreg:$0x7] =	wrdreg s2;
	s30 =	sadd.s32 $0x190, s22  }
0x8: {  	s23 =	ssub.s32 s1, s4;
	s31 =	sadd.s32 $0x258, s22;
	[dreg:$0xc] =	wrdreg s30  }
0x9: {  	s24 =	sshrl.u32 s22, $0x3;
	s0 =	smax.u32 s23, $0x1;
	[dreg:$0xd] =	wrdreg s31  }
.Ltmp0:
0xa: {  	s25 =	sadd.s32 s5, s24;
	[dreg:$0xe] =	wrdreg s0;
	(pc) =	sbr.rel .LBB2_1-.Ltmp0, $4  }
0xb: {  	s26 =	sor.u32 $0x19, s24;
	s1 =	sadd.s32 s6, s24;
	[dreg:$0x8] =	wrdreg s25  }
0xc: {  	[dreg:$0x9] =	wrdreg s1;
	s28 =	sadd.s32 s5, s26  }
0xd: {  	s19 =	simm.s32 $0x1;
	s29 =	sadd.s32 s6, s26;
	[dreg:$0xa] =	wrdreg s28  }
0xe: {  	s2 =	simm.s32 $0x0;
	s23 =	simm.s32 $0x2;
	[dreg:$0xb] =	wrdreg s29  }
.LBB2_8:
0xf: {  	s0 =	simm.s32 $0x5  }
0x10: {  	_ =	swait.ge [sflag:s0], $0x3200  }
0x11: {  	[sflag:s0] =	ssyncset.done $0x0  }
0x12: {  	s1 =	simm.s32 $0x6;
	[sflag:s0] =	ssyncadd.s32 $0xFFFFCE00  }
0x13: {  	_ =	swait.ge [sflag:s1], $0x3200  }
0x14: {  	s2 =	rddreg [dreg:$0xf]  }
0x15: {  	s31 =	rddreg [dreg:$0xe];
	s2 =	sadd.s32 $0x1, s2  }
0x16: {  	p0 =	sne.s32 s2, s31  }
.Ltmp1:
0x17: {  	_ = 	snop;
	(pc) =	sbr.rel @!p0 .LBB2_9-.Ltmp1, $3  }
0x18: {  	_ =	sdelay $0x1  }
0x19: {  	[sflag:s1] =	ssyncset.done $0x0  }
0x1a: {  	[sflag:s1] =	ssyncadd.s32 $0xFFFFCE00  }
.LBB2_1:
0x1b: {  	[dreg:$0xf] =	wrdreg s2  }
0x1c: {  	s0 =	rddreg [dreg:$0x1]  }
0x1d: {  	s1 =	simm.s32 $0x0;
	s9 =	simm.s32 $0x12F20;
	s10 =	simm.s32 $0x7  }
0x1e: {  	[tilespmem:s9], [sflag:$0x7] =	stream.linear.gather [hbm4b:s0+s1], $0x40, $0x38;
	[tilespmem:$0x12FA0] =	vst v63  }
0x1f: {  	_ =	swait.ge [sflag:s10], $0x40  }
0x20: {  	[sflag:s10] =	ssyncset.done $0x0  }
0x21: {  	[sflag:s10] =	ssyncadd.s32 $0xFFFFFFC0  }
0x22: {  	s3 =	simm.s32 $0x12F60;
	s11 =	rddreg [dreg:$0x2]  }
0x23: {  	[tilespmem:s3], [sflag:$0x7] =	stream.linear.gather [hbm4b:s11+s1], $0x40, $0x38;
	[tilespmem:$0x12FA0] =	vst v63  }
0x24: {  	_ =	swait.ge [sflag:s10], $0x40  }
0x25: {  	[sflag:s10] =	ssyncset.done $0x0  }
0x26: {  	[sflag:s10] =	ssyncadd.s32 $0xFFFFFFC0  }
0x27: {  	v59 =	vld [tilespmem:$0x12F20]  }
0x28: {  	v60 =	vld [tilespmem:$0x12F30]  }
0x29: {  	v61 =	vld [tilespmem:$0x12F40]  }
0x2a: {  	v63 =	vld [tilespmem:$0x12F50]  }
0x2b: {  	v62 =	vld [tilespmem:$0x12F60]  }
0x2c: {  	v5 =	vld [tilespmem:$0x12F70]  }
0x2d: {  	s12 =	rddreg [dreg:$0x8];
	v6 =	vld [tilespmem:$0x12F80]  }
0x2e: {  	v7 =	vld [tilespmem:$0x12F90];
	[tilespmem:s1], [sflag:$0x7] =	stream.linear.gather [hbm4b:s12+s1], $0xC8, $0x38  }
0x2f: {  	_ =	swait.ge [sflag:s10], $0xC8  }
0x30: {  	[sflag:s10] =	ssyncset.done $0x0  }
0x31: {  	s14 =	simm.s32 $0x190;
	s13 =	rddreg [dreg:$0x9];
	[sflag:s10] =	ssyncadd.s32 $0xFFFFFF38  }
0x32: {  	[tilespmem:s14], [sflag:$0x7] =	stream.linear.gather [hbm4b:s13+s1], $0xC8, $0x38;
	[tilespmem:$0x12FA0] =	vst v63  }
0x33: {  	_ =	swait.ge [sflag:s10], $0xC8  }
0x34: {  	[sflag:s10] =	ssyncset.done $0x0  }
0x35: {  	s4 =	simm.s32 $0x80;
	s15 =	simm.s32 $0x320;
	[sflag:s10] =	ssyncadd.s32 $0xFFFFFF38  }
0x36: {  	[tilespmem:s15], [sflag:$0x1] =	stream.indirect.gather [hbm4b:s8+s4], $0x40, s1, s4, $0xb8;
	[tilespmem:$0x12FA0] =	vst v63  }
0x37: {  	s16 =	simm.s32 $0x6720  }
0x38: {  	[tilespmem:s16], [sflag:$0x1] =	stream.indirect.gather [hbm4b:s8+s4], $0x40, s14, s4, $0xb8;
	[tilespmem:$0x12FA0] =	vst v63  }
0x39: {  	s17 =	simm.s32 $0x48;
	s18 =	simm.s32 $0x2320  }
0x3a: {  	[tilespmem:s18], [sflag:$0x1] =	stream.indirect.gather [hbm4b:s8+s17], $0x40, s4, s17, $0xb8;
	[tilespmem:$0x12FA0] =	vst v63  }
0x3b: {  	s20 =	simm.s32 $0x210;
	s5 =	simm.s32 $0x8720  }
0x3c: {  	[tilespmem:s5], [sflag:$0x1] =	stream.indirect.gather [hbm4b:s8+s17], $0x40, s20, s17, $0xb8;
	[tilespmem:$0x12FA0] =	vst v63  }
0x3d: {  	s22 =	simm.s32 $0xC8;
	s21 =	rddreg [dreg:$0xa]  }
0x3e: {  	[tilespmem:s22], [sflag:$0x7] =	stream.linear.gather [hbm4b:s21+s1], $0xC8, $0x38;
	[tilespmem:$0x12FA0] =	vst v63  }
0x3f: {  	_ =	swait.ge [sflag:s10], $0xC8  }
0x40: {  	[sflag:s10] =	ssyncset.done $0x0  }
0x41: {  	s6 =	simm.s32 $0x258;
	s24 =	rddreg [dreg:$0xb];
	[sflag:s10] =	ssyncadd.s32 $0xFFFFFF38  }
0x42: {  	[tilespmem:s6], [sflag:$0x7] =	stream.linear.gather [hbm4b:s24+s1], $0xC8, $0x38;
	[tilespmem:$0x12FA0] =	vst v63  }
0x43: {  	_ =	swait.ge [sflag:s10], $0xC8  }
0x44: {  	[sflag:s10] =	ssyncset.done $0x0  }
0x45: {  	s25 =	simm.s32 $0x3520;
	[tilespmem:$0x1FFC0] =	vst v59;
	[sflag:s10] =	ssyncadd.s32 $0xFFFFFF38  }
0x46: {  	[tilespmem:s25], [sflag:$0x2] =	stream.indirect.gather [hbm4b:s8+s4], $0x40, s22, s4, $0xb8;
	[tilespmem:$0x12FA0] =	vst v63  }
0x47: {  	s26 =	simm.s32 $0x9920;
	[tilespmem:$0x1FFD0] =	vst v60  }
0x48: {  	[tilespmem:s26], [sflag:$0x2] =	stream.indirect.gather [hbm4b:s8+s4], $0x40, s6, s4, $0xb8;
	[tilespmem:$0x12FA0] =	vst v63  }
0x49: {  	s28 =	simm.s32 $0x148;
	s29 =	simm.s32 $0x5520;
	[tilespmem:$0x1FFE0] =	vst v61  }
0x4a: {  	[tilespmem:s29], [sflag:$0x2] =	stream.indirect.gather [hbm4b:s8+s17], $0x40, s28, s17, $0xb8;
	[tilespmem:$0x12FA0] =	vst v63  }
0x4b: {  	s30 =	simm.s32 $0x2D8;
	s31 =	simm.s32 $0xB920;
	s11 =	simm.s32 $0x0;
	[tilespmem:$0x1FFF0] =	vst v62  }
0x4c: {  	[tilespmem:s31], [sflag:$0x2] =	stream.indirect.gather [hbm4b:s8+s17], $0x40, s30, s17, $0xb8;
	[tilespmem:$0x12FA0] =	vst v63  }
.LBB2_2:
0x4d: {  	_ =	swait.ge [sflag:s19], $0x2000  }
0x4e: {  	[sflag:s19] =	ssyncset.done $0x0  }
0x4f: {  	[sflag:s19] =	ssyncadd.s32 $0xFFFFE000  }
0x50: {  	_ =	swait.ge [sflag:s19], $0x2000  }
0x51: {  	[sflag:s19] =	ssyncset.done $0x0  }
0x52: {  	[sflag:s19] =	ssyncadd.s32 $0xFFFFE000  }
0x53: {  	_ =	swait.ge [sflag:s19], $0x1200  }
0x54: {  	[sflag:s19] =	ssyncset.done $0x0  }
0x55: {  	p0 =	seq.s32 s11, $0xF;
	[sflag:s19] =	ssyncadd.s32 $0xFFFFEE00  }
0x56: {  	s12 =	smul.u32 @!p0 $0x190, s11;
	_ =	swait.ge [sflag:s19], $0x1200  }
0x57: {  	s0 =	rddreg [dreg:$0xc]  }
0x58: {  	s0 =	sadd.s32 @!p0 s12, s0  }
0x59: {  	[sflag:s19] =	ssyncset.done $0x0;
	s1 =	rddreg [dreg:$0x5];
	s0 =	sshrl.u32 @!p0 s0, $0x3  }
0x5a: {  	s2 =	simm.s32 @!p0 $0x0;
	[sflag:s19] =	ssyncadd.s32 $0xFFFFEE00;
	s1 =	sadd.s32 @!p0 s1, s0  }
0x5b: {  	[tilespmem:s2], [sflag:$0x3] =	stream.linear.gather @!p0 [hbm4b:s1+s2], $0xC8, $0x38;
	[tilespmem:$0x12FA0] =	vst v63  }
0x5c: {  	p1 =	seq.s32 @!p0 s11, $0x0;
	s1 =	rddreg [dreg:$0x6]  }
0x5d: {  	p1 =	por p0, !p1;
	s0 =	sadd.s32 @!p0 s1, s0;
	s1 =	simm.s32 @!p0 $0x190  }
0x5e: {  	[tilespmem:s1], [sflag:$0x3] =	stream.linear.gather @!p0 [hbm4b:s0+s2], $0xC8, $0x38;
	[tilespmem:$0x12FA0] =	vst v63  }
0x5f: {  	s0 =	simm.s32 @p1 $0x5  }
0x60: {  	_ =	swait.ge @p1 [sflag:s0], $0x3200  }
0x61: {  	[sflag:s0] =	ssyncset.done @p1 $0x0  }
0x62: {  	s16 =	simm.s32 $0x0;
	[sflag:s0] =	ssyncadd.s32 @p1 $0xFFFFCE00  }
0x63: {  	v8 =	vld [tilespmem:s16+$0x3E0]  }
0x64: {  	v9 =	vld [tilespmem:s16+$0x3F0]  }
0x65: {  	v10 =	vld [tilespmem:s16+$0x400]  }
0x66: {  	v11 =	vld [tilespmem:s16+$0x410]  }
0x67: {  	v12 =	vld [tilespmem:s16+$0x67E0]  }
0x68: {  	v13 =	vld [tilespmem:s16+$0x67F0]  }
0x69: {  	v14 =	vld [tilespmem:s16+$0x6800]  }
0x6a: {  	v15 =	vld [tilespmem:s16+$0x6810]  }
0x6b: {  	v16 =	vld [tilespmem:s16+$0x320]  }
0x6c: {  	v17 =	vld [tilespmem:s16+$0x330]  }
0x6d: {  	v20 =	vld [tilespmem:s16+$0x380]  }
0x6e: {  	v21 =	vld [tilespmem:s16+$0x6730];
	v38 =	vadd.f32 v12, v8;
	v37 =	vadd.f32 v13, v9  }
0x6f: {  	v23 =	vld [tilespmem:s16+$0x6740];
	v31 =	vadd.f32 v14, v10;
	v22 =	vadd.f32 v15, v11  }
0x70: {  	v24 =	vld [tilespmem:s16+$0x6750];
	v10 =	vmul.f32 v38, v38;
	v11 =	vmul.f32 v37, v37  }
0x71: {  	v25 =	vld [tilespmem:s16+$0x6760];
	v13 =	vmul.f32 v31, v31;
	v14 =	vmul.f32 v22, v22  }
0x72: {  	v26 =	vld [tilespmem:s16+$0x6770];
	v18 =	vadd.f32 v37, v38;
	v19 =	vadd.f32 v22, v31  }
0x73: {  	v27 =	vld [tilespmem:s16+$0x6780];
	v10 =	vadd.f32 v11, v10;
	v11 =	vadd.f32 v14, v13  }
0x74: {  	v8 =	vld [tilespmem:s16+$0x340];
	v14 =	vadd.f32 v19, v18  }
0x75: {  	v9 =	vld [tilespmem:s16+$0x350];
	v10 =	vadd.f32 v11, v10  }
0x76: {  	v12 =	vld [tilespmem:s16+$0x360];
	(xrf2) =	vadd.scan.msk.f32 $0xffff, v14  }
0x77: {  	v15 =	vld [tilespmem:s16+$0x370];
	(xrf2) =	vadd.scan.msk.f32 $0xffff, v10  }
0x78: {  	v34 =	vadd.f32 v21, v17;
	v17 =	vld [tilespmem:s16+$0x67A0]  }
0x79: {  	v13 =	vld [tilespmem:s16+$0x390]  }
0x7a: {  	v10 =	vld [tilespmem:s16+$0x6720]  }
0x7b: {  	v18 =	vld [tilespmem:s16+$0x3A0]  }
0x7c: {  	v19 =	vld [tilespmem:s16+$0x3D0]  }
0x7d: {  	v32 =	vadd.f32 v23, v8;
	v8 =	vld [tilespmem:s16+$0x67B0]  }
0x7e: {  	v36 =	vadd.f32 v26, v15;
	v15 =	vld [tilespmem:s16+$0x67D0]  }
0x7f: {  	v30 =	vadd.f32 v10, v16;
	v10 =	vld [tilespmem:s16+$0x6790]  }
0x80: {  	v35 =	vadd.f32 v24, v9;
	v11 =	vld [tilespmem:s16+$0x3B0];
	v16, _, _ =	vpop (xrf2)  }
0x81: {  	v33 =	vadd.f32 v25, v12;
	v14 =	vld [tilespmem:s16+$0x3C0];
	(v2sf) =	vpush v16, $0xF;
	v21, _, _ =	vpop (xrf2)  }
0x82: {  	v12 =	vadd.f32 v27, v20;
	v16 =	vld [tilespmem:s16+$0x67C0];
	(v2sf) =	vpush v21, $0xF  }
0x83: {  	v20 =	vadd.f32 v35, v32;
	v9 =	vadd.f32 v34, v30  }
0x84: {  	v13 =	vadd.f32 v10, v13  }
0x85: {  	v10 =	vadd.f32 v17, v18;
	v17 =	vadd.f32 v20, v9  }
0x86: {  	v8 =	vadd.f32 v8, v11  }
0x87: {  	v9 =	vadd.f32 v15, v19;
	(xrf2) =	vadd.scan.msk.f32 $0xffff, v17;
	v11 =	vadd.f32 v16, v14  }
0x88: {  	v18 =	vadd.f32 v36, v33;
	v19 =	vmul.f32 v32, v32;
	v14 =	vadd.f32 v13, v12  }
0x89: {  	v20 =	vmul.f32 v35, v35;
	v15 =	vadd.f32 v8, v10;
	v17 =	vadd.f32 v9, v11  }
0x8a: {  	v16 =	vmul.f32 v30, v30;
	v14 =	vadd.f32 v14, v18;
	v18 =	vmul.f32 v34, v34  }
0x8b: {  	v23 =	vmul.f32 v13, v13;
	v15 =	vadd.f32 v17, v15;
	v17 =	vmul.f32 v12, v12  }
0x8c: {  	v21 =	vmul.f32 v33, v33;
	(xrf2) =	vadd.scan.msk.f32 $0xffff, v14;
	v16 =	vadd.f32 v18, v16  }
0x8d: {  	v14 =	vmul.f32 v36, v36;
	v18 =	vadd.f32 v20, v19;
	(xrf2) =	vadd.scan.msk.f32 $0xffff, v15;
	v15 =	vadd.f32 v23, v17  }
0x8e: {  	v19 =	vmul.f32 v11, v11  }
0x8f: {  	v20 =	vmul.f32 v9, v9;
	v14 =	vadd.f32 v14, v21;
	v16 =	vadd.f32 v18, v16  }
0x90: {  	v17 =	vmul.f32 v10, v10;
	v18 =	vmul.f32 v8, v8;
	s7 =	spop (v2sf)  }
0x91: {  	v14 =	vadd.f32 v15, v14;
	(xrf2) =	vadd.scan.msk.f32 $0xffff, v16;
	v16 =	vadd.f32 v20, v19;
	v15, _, _ =	vpop (xrf2);
	s9 =	smul.f32 $1.562500000e-02, s7;
	s14 =	spop (v2sf)  }
0x92: {  	(v2sf) =	vpush v15, $0xF;
	v15 =	vadd.f32 v18, v17;
	s0 =	smul.f32 $1.562500000e-02, s14  }
0x93: {  	s15 =	smul.f32 s9, s9  }
0x94: {  	(xrf2) =	vadd.scan.msk.f32 $0xffff, v14;
	v14 =	vadd.f32 v16, v15  }
0x95: {  	s0 =	ssub.f32 s0, s15;
	_ =	sdelay $0x1  }
0x96: {  	v15, _, _ =	vpop (xrf2);
	s0 =	sadd.f32 $9.999999960e-13, s0  }
0x97: {  	(xrf2) =	vadd.scan.msk.f32 $0xffff, v14;
	(v2sf) =	vpush v15, $0xF;
	v14, _, _ =	vpop (xrf2)  }
0x98: {  	s10 =	simm.s32 $0x100;
	(v2sf) =	vpush v14, $0xF;
	s17 =	sshra.s32 s0, $0x1;
	s3 =	smul.f32 $5.000000000e-01, s0  }
0x99: {  	v21 =	vld [tilespmem:s10+$0x6800];
	s18 =	ssub.s32 $0x5F3759DF, s17  }
0x9a: {  	v23 =	vld [tilespmem:s10+$0x6810];
	s2 =	smul.f32 s18, s3  }
0x9b: {  	v19 =	vld [tilespmem:s10+$0x67E0];
	v15, _, _ =	vpop (xrf2)  }
0x9c: {  	v20 =	vld [tilespmem:s10+$0x67F0];
	(v2sf) =	vpush v15, $0xF;
	s2 =	smul.f32 s18, s2  }
0x9d: {  	v17 =	vld [tilespmem:s10+$0x400];
	v15, _, _ =	vpop (xrf2)  }
0x9e: {  	v16 =	vld [tilespmem:s10+$0x3F0];
	(v2sf) =	vpush v15, $0xF;
	s2 =	ssub.f32 $1.500000000e+00, s2  }
0x9f: {  	v14 =	vld [tilespmem:s10+$0x3E0]  }
0xa0: {  	v18 =	vld [tilespmem:s10+$0x410];
	s4 =	smul.f32 s18, s2  }
0xa1: {  	v15, _, _ =	vpop (xrf2)  }
0xa2: {  	s20 =	spop (v2sf);
	(v2sf) =	vpush v15, $0xF;
	s0 =	smul.f32 s4, s3  }
0xa3: {  	v16 =	vadd.f32 v20, v16;
	s2 =	smul.f32 $1.562500000e-02, s20  }
0xa4: {  	v15 =	vadd.f32 v19, v14;
	v14 =	vadd.f32 v21, v17;
	s0 =	smul.f32 s0, s4  }
0xa5: {  	v17 =	vadd.f32 v23, v18;
	v19 =	vmul.f32 v16, v16;
	s5 =	smul.f32 s2, s2  }
0xa6: {  	v28 =	vld [tilespmem:s10+$0x380];
	v18 =	vmul.f32 v15, v15;
	v20 =	vmul.f32 v14, v14;
	s13 =	spop (v2sf);
	s14 =	ssub.f32 $1.500000000e+00, s0  }
0xa7: {  	v29 =	vld [tilespmem:s10+$0x390];
	v21 =	vmul.f32 v17, v17;
	v24 =	vadd.f32 v16, v15;
	v25 =	vadd.f32 v17, v14;
	s0 =	smul.f32 $1.562500000e-02, s13;
	s21 =	spop (v2sf)  }
0xa8: {  	v39 =	vld [tilespmem:s10+$0x3A0];
	v18 =	vadd.f32 v19, v18;
	s31 =	smul.f32 $1.562500000e-02, s21  }
0xa9: {  	v40 =	vld [tilespmem:s10+$0x6740];
	v19 =	vadd.f32 v21, v20;
	v20 =	vadd.f32 v25, v24;
	s4 =	smul.f32 s14, s4  }
0xaa: {  	v41 =	vld [tilespmem:s10+$0x6750];
	s22 =	smul.f32 s0, s0  }
0xab: {  	v42 =	vld [tilespmem:s10+$0x3B0];
	v18 =	vadd.f32 v19, v18;
	(xrf2) =	vadd.scan.msk.f32 $0xffff, v20;
	s24 =	spop (v2sf);
	s3 =	smul.f32 s4, s3  }
0xac: {  	v43 =	vld [tilespmem:s10+$0x3C0];
	s14 =	smul.f32 $1.562500000e-02, s24  }
0xad: {  	v26 =	vld [tilespmem:s10+$0x330];
	(xrf2) =	vadd.scan.msk.f32 $0xffff, v18;
	s15 =	spop (v2sf);
	s3 =	smul.f32 s3, s4  }
0xae: {  	v23 =	vld [tilespmem:s10+$0x320];
	s15 =	smul.f32 $1.562500000e-02, s15;
	s25 =	ssub.f32 s14, s5  }
0xaf: {  	v21 =	vld [tilespmem:s10+$0x340];
	s3 =	ssub.f32 $1.500000000e+00, s3  }
0xb0: {  	v18 =	vld [tilespmem:s10+$0x6720];
	s26 =	smul.f32 s31, s31;
	s13 =	ssub.f32 s15, s22  }
0xb1: {  	v19 =	vld [tilespmem:s10+$0x6730];
	s28 =	spop (v2sf);
	s3 =	smul.f32 s3, s4  }
0xb2: {  	v24 =	vld [tilespmem:s10+$0x350];
	s14 =	smul.f32 $1.562500000e-02, s28;
	s4 =	sadd.f32 $9.999999960e-13, s25  }
0xb3: {  	v44 =	vld [tilespmem:s10+$0x3D0];
	s13 =	sadd.f32 $9.999999960e-13, s13;
	s29 =	smul.f32 s3, s9  }
0xb4: {  	v45 =	vld [tilespmem:s10+$0x6760];
	s5 =	ssub.f32 s14, s26;
	s1 =	sshra.s32 s4, $0x1;
	s6 =	smul.f32 $5.000000000e-01, s4  }
0xb5: {  	v27 =	vld [tilespmem:s10+$0x370];
	v18 =	vadd.f32 v18, v23;
	v20, _, _ =	vpop (xrf2);
	s17 =	sshra.s32 s13, $0x1;
	s4 =	smul.f32 $5.000000000e-01, s13;
	s14 =	ssub.s32 $0x5F3759DF, s1  }
0xb6: {  	v25 =	vld [tilespmem:s10+$0x360];
	(v2sf) =	vpush v20, $0xF;
	v20 =	vadd.f32 v19, v26;
	s17 =	ssub.s32 $0x5F3759DF, s17;
	s5 =	sadd.f32 $9.999999960e-13, s5;
	s18 =	smul.f32 s14, s6  }
0xb7: {  	v19 =	vadd.f32 v40, v21;
	v21 =	vadd.f32 v41, v24;
	v24 =	vld [tilespmem:s10+$0x6780];
	v23, _, _ =	vpop (xrf2);
	s21 =	smul.f32 s17, s4  }
0xb8: {  	v26 =	vld [tilespmem:s10+$0x6790];
	(v2sf) =	vpush v23, $0xF;
	s13 =	smul.f32 $5.000000000e-01, s5  }
0xb9: {  	v23 =	vld [tilespmem:s10+$0x6770];
	v57 =	vadd.f32 v20, v18;
	v41 =	vadd.f32 v21, v19;
	s22 =	sshra.s32 s5, $0x1;
	s7 =	smul.f32 s14, s18  }
0xba: {  	v46 =	vld [tilespmem:s10+$0x67A0];
	v22 =	vmul.f32 s3, v22;
	s9 =	ssub.s32 $0x5F3759DF, s22;
	s21 =	smul.f32 s17, s21  }
0xbb: {  	v47 =	vld [tilespmem:s10+$0x67B0];
	v40 =	vadd.f32 v41, v57;
	v41 =	vmov s29;
	s22 =	smul.f32 s9, s13  }
0xbc: {  	v48 =	vld [tilespmem:s10+$0x67C0];
	v49 =	vsub.f32 v22, v41;
	s5 =	ssub.f32 $1.500000000e+00, s7  }
0xbd: {  	v51 =	vld [tilespmem:s10+$0x67D0];
	v22 =	vadd.f32 v45, v25;
	v28 =	vadd.f32 v24, v28;
	s21 =	ssub.f32 $1.500000000e+00, s21;
	s22 =	smul.f32 s9, s22  }
0xbe: {  	v29 =	vadd.f32 v26, v29;
	v23 =	vadd.f32 v23, v27;
	s5 =	smul.f32 s14, s5  }
0xbf: {  	v24 =	vadd.f32 v46, v39;
	(xrf2) =	vadd.scan.msk.f32 $0xffff, v40;
	s20 =	smul.f32 s17, s21  }
0xc0: {  	v53 =	vadd.f32 v29, v28;
	v2 =	vadd.f32 v23, v22;
	s15 =	ssub.f32 $1.500000000e+00, s22;
	s21 =	smul.f32 s5, s6  }
0xc1: {  	v50 =	vmul.f32 v18, v18;
	v25 =	vadd.f32 v47, v42;
	v26 =	vadd.f32 v48, v43;
	s22 =	smul.f32 s20, s4  }
0xc2: {  	v58 =	vmul.f32 v20, v20;
	v27 =	vadd.f32 v51, v44;
	v42 =	vadd.f32 v53, v2;
	s14 =	smul.f32 s9, s15  }
0xc3: {  	v0 =	vmul.f32 v19, v19;
	v52 =	vmul.f32 v21, v21;
	s17 =	smul.f32 s21, s5  }
0xc4: {  	v56 =	vadd.f32 v25, v24;
	v48 =	vadd.f32 v27, v26;
	(xrf2) =	vadd.scan.msk.f32 $0xffff, v42;
	s18 =	smul.f32 s22, s20  }
0xc5: {  	v45 =	vadd.f32 v52, v0;
	v40 =	vadd.f32 v58, v50;
	s24 =	smul.f32 s14, s13;
	s25 =	spop (v2sf)  }
0xc6: {  	v1 =	vmul.f32 v22, v22;
	v55 =	vmul.f32 v28, v28;
	v44 =	vadd.f32 v48, v56;
	s25 =	smul.f32 $1.562500000e-02, s25  }
0xc7: {  	v57 =	vmul.f32 v29, v29;
	v54 =	vmul.f32 v23, v23;
	s21 =	smul.f32 s24, s14;
	s26 =	spop (v2sf)  }
0xc8: {  	v58 =	vmul.f32 v24, v24;
	v0 =	vmul.f32 v25, v25;
	v40 =	vadd.f32 v45, v40;
	(xrf2) =	vadd.scan.msk.f32 $0xffff, v44;
	s17 =	ssub.f32 $1.500000000e+00, s17;
	s22 =	smul.f32 $1.562500000e-02, s26  }
0xc9: {  	v39 =	vadd.f32 v54, v1;
	v1 =	vmul.f32 v26, v26;
	v2 =	vmul.f32 v27, v27;
	s18 =	ssub.f32 $1.500000000e+00, s18;
	v52, _, _ =	vpop (xrf2);
	s24 =	smul.f32 s25, s25  }
0xca: {  	v43 =	vadd.f32 v57, v55;
	(v2sf) =	vpush v52, $0xF;
	s5 =	smul.f32 s17, s5  }
0xcb: {  	v53 =	vadd.f32 v0, v58;
	v54 =	vadd.f32 v2, v1;
	s15 =	smul.f32 s18, s20;
	s28 =	ssub.f32 s22, s24  }
0xcc: {  	v39 =	vadd.f32 v43, v39;
	(xrf2) =	vadd.scan.msk.f32 $0xffff, v40;
	s21 =	ssub.f32 $1.500000000e+00, s21;
	s6 =	smul.f32 s5, s6  }
0xcd: {  	v55 =	vmul.f32 v49, v63;
	v56 =	vadd.f32 v54, v53;
	s18 =	smul.f32 s15, s4;
	s29 =	sadd.f32 $9.999999960e-13, s28  }
0xce: {  	(xrf2) =	vadd.scan.msk.f32 $0xffff, v39;
	s26 =	smul.f32 s21, s14;
	v57, _, _ =	vpop (xrf2)  }
0xcf: {  	v39 =	vadd.f32 v55, v7;
	(xrf2) =	vadd.scan.msk.f32 $0xffff, v56;
	s7 =	sshra.s32 s29, $0x1;
	s4 =	smul.f32 $5.000000000e-01, s29;
	(v2sf) =	vpush v57, $0xF  }
0xd0: {  	v38 =	vmul.f32 s3, v38;
	s17 =	smul.f32 s6, s5;
	s9 =	ssub.s32 $0x5F3759DF, s7  }
0xd1: {  	v37 =	vmul.f32 s3, v37;
	s1 =	simm.s32 $0x200;
	[tilespmem:s16+$0xCC10] =	vst v39;
	s20 =	smul.f32 s9, s4  }
0xd2: {  	v31 =	vmul.f32 s3, v31;
	v38 =	vsub.f32 v38, v41;
	v44 =	vld [tilespmem:s1+$0x3E0];
	s13 =	smul.f32 s26, s13;
	v58, _, _ =	vpop (xrf2)  }
0xd3: {  	v37 =	vsub.f32 v37, v41;
	v45 =	vld [tilespmem:s1+$0x3F0];
	s28 =	rddreg [dreg:$0x7];
	(v2sf) =	vpush v58, $0xF;
	s21 =	smul.f32 s9, s20  }
0xd4: {  	v31 =	vsub.f32 v31, v41;
	v38 =	vmul.f32 v38, v59;
	v46 =	vld [tilespmem:s1+$0x400];
	s18 =	smul.f32 s18, s15;
	s17 =	ssub.f32 $1.500000000e+00, s17  }
0xd5: {  	v37 =	vmul.f32 v37, v60;
	v47 =	vld [tilespmem:s1+$0x410];
	s22 =	smul.f32 s13, s26;
	s3 =	ssub.f32 $1.500000000e+00, s21  }
0xd6: {  	v61 =	vmul.f32 v31, v61;
	v51 =	vadd.f32 v38, v62;
	v48 =	vld [tilespmem:s1+$0x67E0];
	s24 =	ssub.f32 $1.500000000e+00, s18;
	v59, _, _ =	vpop (xrf2);
	s13 =	sshll.u32 s11, $0x1;
	s30 =	smul.f32 s17, s5  }
0xd7: {  	v53 =	vadd.f32 v37, v5;
	v49 =	vld [tilespmem:s1+$0x67F0];
	(v2sf) =	vpush v59, $0xF;
	s5 =	sadd.s32 s28, s13;
	s14 =	smul.f32 s9, s3  }
0xd8: {  	v52 =	vadd.f32 v61, v6;
	v50 =	vld [tilespmem:s1+$0x6800];
	v60, _, _ =	vpop (xrf2);
	[dreg:$0x10] =	wrdreg s5;
	v31 =	vmul.f32 s30, v30;
	v30 =	vmul.f32 s30, v34;
	s3 =	smul.f32 s24, s15  }
0xd9: {  	v54 =	vld [tilespmem:s1+$0x6810];
	(v2sf) =	vpush v60, $0xF;
	v62, _, _ =	vpop (xrf2);
	v34 =	vmul.f32 s30, v32;
	v32 =	vmul.f32 s30, v35;
	s29 =	spop (v2sf);
	s15 =	smul.f32 s14, s4  }
0xda: {  	v37 =	vld [tilespmem:s1+$0x320];
	s5 =	ssub.f32 $1.500000000e+00, s22;
	s22 =	simm.s32 $0xC00;
	(v2sf) =	vpush v62, $0xF;
	s17 =	smul.f32 $1.562500000e-02, s29;
	v35 =	vmul.f32 s3, v33;
	v33 =	vmul.f32 s3, v36  }
.LBB2_3:
0xdb: {  	s15 =	smul.f32 s15, s14  }
0xdc: {  	v36 =	vld [tilespmem:s1+$0x330];
	[tilespmem:s16+$0xCBE0] =	vst v51;
	s21 =	smul.f32 s17, s17  }
0xdd: {  	v43 =	vmul.f32 s3, v12;
	v12 =	vmov v28;
	s29 =	smov.u32 s10;
	s10 =	smov.u32 s1;
	v28 =	vld [tilespmem:s1+$0x340];
	s1 =	smul.f32 s5, s26  }
0xde: {  	s24 =	spop (v2sf);
	s15 =	ssub.f32 $1.500000000e+00, s15  }
0xdf: {  	s28 =	smul.f32 $1.562500000e-02, s24  }
0xe0: {  	[tilespmem:s16+$0xCBF0] =	vst v53;
	s9 =	smul.f32 s15, s14  }
0xe1: {  	v41 =	vmul.f32 s3, v13;
	v13 =	vmovc v29;
	v38 =	vadd.f32 v48, v44;
	v39 =	vadd.f32 v49, v45;
	v29 =	vld [tilespmem:s10+$0x350];
	[tilespmem:s16+$0xCC00] =	vst v52;
	s14 =	smul.f32 s28, s28  }
0xe2: {  	v42 =	vadd.f32 v50, v46;
	v2 =	vadd.f32 v54, v47;
	v40 =	vld [tilespmem:s10+$0x360];
	s15 =	spop (v2sf);
	s4 =	smul.f32 s9, s4  }
0xe3: {  	v59 =	vmul.f32 v38, v38;
	v52 =	vld [tilespmem:s10+$0x370];
	s26 =	smul.f32 $1.562500000e-02, s15  }
0xe4: {  	v44 =	vadd.f32 v39, v38;
	v60 =	vmul.f32 v39, v39;
	v53 =	vld [tilespmem:s10+$0x380];
	v58 =	vadd.f32 v2, v42;
	s4 =	smul.f32 s4, s9  }
0xe5: {  	v61 =	vmul.f32 v42, v42;
	v56 =	vld [tilespmem:s10+$0x6720];
	v62 =	vmul.f32 v2, v2;
	s7 =	smul.f32 s26, s26  }
0xe6: {  	v57 =	vld [tilespmem:s10+$0x6730];
	v0 =	vadd.f32 v58, v44;
	s4 =	ssub.f32 $1.500000000e+00, s4;
	s18 =	spop (v2sf)  }
0xe7: {  	v54 =	vld [tilespmem:s10+$0x390];
	v44 =	vmul.f32 s1, v10;
	v10 =	vmovc v24;
	v24 =	vadd.f32 v60, v59;
	v48 =	vadd.f32 v62, v61;
	s15 =	smul.f32 $1.562500000e-02, s18  }
0xe8: {  	v45 =	vmul.f32 s1, v8;
	v8 =	vmov v25;
	v25 =	vld [tilespmem:s10+$0x3B0];
	(xrf2) =	vadd.scan.msk.f32 $0xffff, v0;
	s20 =	spop (v2sf);
	s4 =	smul.f32 s4, s9  }
0xe9: {  	v46 =	vmul.f32 s1, v11;
	v11 =	vmov v26;
	v26 =	vld [tilespmem:s10+$0x3C0];
	v24 =	vadd.f32 v48, v24;
	s6 =	smul.f32 $1.562500000e-02, s20  }
0xea: {  	v59 =	vld [tilespmem:s10+$0x6760];
	s9 =	spop (v2sf);
	s15 =	ssub.f32 s15, s21  }
0xeb: {  	v37 =	vadd.f32 v56, v37;
	v36 =	vadd.f32 v57, v36;
	v57 =	vld [tilespmem:s10+$0x67B0];
	(xrf2) =	vadd.scan.msk.f32 $0xffff, v24;
	s24 =	smul.f32 $1.562500000e-02, s9;
	s14 =	ssub.f32 s6, s14  }
0xec: {  	v47 =	vmul.f32 s1, v9;
	s1 =	smul.f32 s1, s31;
	v0 =	vld [tilespmem:s10+$0x67C0];
	s15 =	sadd.f32 $9.999999960e-13, s15  }
0xed: {  	v58 =	vld [tilespmem:s10+$0x6750];
	v61 =	vmul.f32 v37, v37;
	s20 =	smul.f32 s30, s2;
	s5 =	ssub.f32 s24, s7  }
0xee: {  	v24 =	vld [tilespmem:s10+$0x6740];
	s18 =	smul.f32 s4, s25;
	v51 =	vmul.f32 s4, v15;
	v48 =	vmul.f32 s4, v16;
	s14 =	sadd.f32 $9.999999960e-13, s14  }
0xef: {  	v55 =	vld [tilespmem:s10+$0x3A0];
	v49 =	vmul.f32 s4, v14;
	v1 =	vmul.f32 s4, v17;
	s24 =	sshra.s32 s15, $0x1;
	s4 =	smul.f32 $5.000000000e-01, s15;
	s5 =	sadd.f32 $9.999999960e-13, s5  }
0xf0: {  	v56 =	vld [tilespmem:s10+$0x6780];
	v40 =	vadd.f32 v59, v40;
	s2 =	smov.u32 s17;
	v25 =	vadd.f32 v57, v25;
	v50 =	vmov s18;
	s15 =	ssub.s32 $0x5F3759DF, s24;
	s17 =	smul.f32 $5.000000000e-01, s14  }
0xf1: {  	v60 =	vld [tilespmem:s10+$0x6790];
	v59 =	vmul.f32 v36, v36;
	v26 =	vadd.f32 v0, v26;
	v17 =	vmovc v2;
	v2 =	vsub.f32 v1, v50;
	s25 =	sshra.s32 s14, $0x1;
	s6 =	smul.f32 s15, s4  }
0xf2: {  	v16 =	vmov v39;
	v14 =	vmov v42;
	v42 =	vld [tilespmem:s10+$0x6770];
	v39 =	vadd.f32 v58, v29;
	v29, _, _ =	vpop (xrf2);
	s7 =	ssub.s32 $0x5F3759DF, s25;
	s30 =	smul.f32 $5.000000000e-01, s5  }
0xf3: {  	v15 =	vmovc v38;
	v38 =	vadd.f32 v24, v28;
	v24 =	vld [tilespmem:s10+$0x67A0];
	v28 =	vmul.f32 v2, v63;
	(v2sf) =	vpush v29, $0xF;
	s9 =	sshra.s32 s5, $0x1;
	s24 =	smul.f32 s7, s17  }
0xf4: {  	v59 =	vadd.f32 v59, v61;
	v58 =	vadd.f32 v36, v37;
	v62 =	vmov s20;
	s20 =	ssub.s32 $0x5F3759DF, s9;
	s18 =	smul.f32 s15, s6  }
0xf5: {  	v1 =	vadd.f32 v28, v7;
	v28 =	vadd.f32 v56, v53;
	v56, _, _ =	vpop (xrf2);
	s25 =	smul.f32 s20, s30  }
0xf6: {  	v4 =	vmovc v63;
	v9 =	vmovc v27;
	v27 =	vld [tilespmem:s10+$0x3D0];
	v30 =	vsub.f32 v30, v62;
	v63 =	vmul.f32 v38, v38;
	(v2sf) =	vpush v56, $0xF;
	s24 =	smul.f32 s7, s24  }
0xf7: {  	v42 =	vadd.f32 v42, v52;
	v52 =	vmul.f32 v39, v39;
	v2 =	vld [tilespmem:s10+$0x67D0];
	v29 =	vadd.f32 v60, v54;
	s5 =	ssub.f32 $1.500000000e+00, s18;
	s25 =	smul.f32 s20, s25  }
0xf8: {  	v3 =	vmul.f32 v25, v25;
	v24 =	vadd.f32 v24, v55;
	s6 =	smul.f32 s3, s0;
	[tilespmem:s29+$0xCC10] =	vst v1;
	v1 =	vadd.f32 v39, v38;
	s24 =	ssub.f32 $1.500000000e+00, s24  }
0xf9: {  	v53 =	vmul.f32 v40, v40;
	v54 =	vmul.f32 v42, v42;
	v52 =	vadd.f32 v52, v63;
	s5 =	smul.f32 s15, s5;
	s25 =	ssub.f32 $1.500000000e+00, s25  }
0xfa: {  	v57 =	vmul.f32 v29, v29;
	v56 =	vadd.f32 v42, v40;
	v1 =	vadd.f32 v1, v58;
	s7 =	smul.f32 s7, s24  }
0xfb: {  	v60 =	vmul.f32 v24, v24;
	v0 =	vadd.f32 v29, v28;
	v53 =	vadd.f32 v54, v53;
	s14 =	smul.f32 s20, s25  }
0xfc: {  	v55 =	vmul.f32 v28, v28;
	v52 =	vadd.f32 v52, v59;
	v27 =	vadd.f32 v2, v27;
	(xrf2) =	vadd.scan.msk.f32 $0xffff, v1;
	s9 =	smul.f32 s5, s4  }
0xfd: {  	v2 =	vadd.f32 v25, v24;
	v3 =	vadd.f32 v3, v60;
	s21 =	smul.f32 s7, s17  }
0xfe: {  	v0 =	vadd.f32 v0, v56;
	v56 =	vmul.f32 v26, v26;
	v54 =	vadd.f32 v57, v55;
	s24 =	smul.f32 s14, s30  }
0xff: {  	v57 =	vmov s1;
	v58 =	vadd.f32 v27, v26;
	v61 =	vmul.f32 v27, v27;
	s15 =	smul.f32 s9, s5  }
0x100: {  	v46 =	vsub.f32 v46, v57;
	v53 =	vadd.f32 v54, v53;
	s21 =	smul.f32 s21, s7  }
0x101: {  	v60 =	vld [tilespmem:$0x1FFD0];
	v1 =	vmov s6;
	v2 =	vadd.f32 v58, v2;
	v55 =	vadd.f32 v61, v56;
	(xrf2) =	vadd.scan.msk.f32 $0xffff, v0;
	s24 =	smul.f32 s24, s14  }
0x102: {  	v59 =	vld [tilespmem:$0x1FFC0];
	v56 =	vsub.f32 v35, v1;
	v33 =	vsub.f32 v33, v1;
	s21 =	ssub.f32 $1.500000000e+00, s21;
	s18 =	spop (v2sf)  }
0x103: {  	v35 =	vsub.f32 v51, v50;
	v58 =	vsub.f32 v44, v57;
	s25 =	smul.f32 $1.562500000e-02, s18  }
0x104: {  	v0 =	vadd.f32 v55, v3;
	v3 =	vsub.f32 v31, v62;
	s15 =	ssub.f32 $1.500000000e+00, s15;
	s3 =	smul.f32 s21, s7  }
0x105: {  	s0 =	smov.u32 s28;
	v61 =	vld [tilespmem:$0x1FFE0];
	v31 =	vsub.f32 v34, v62;
	(xrf2) =	vadd.scan.msk.f32 $0xffff, v2;
	v55 =	vsub.f32 v32, v62;
	s20 =	spop (v2sf);
	s28 =	smul.f32 s25, s25  }
0x106: {  	s31 =	smov.u32 s26;
	v30 =	vmul.f32 v30, v60;
	v62 =	vld [tilespmem:$0x1FFF0];
	v34 =	vsub.f32 v43, v1;
	v1 =	vsub.f32 v41, v1;
	v54, _, _ =	vpop (xrf2);
	s26 =	smul.f32 $1.562500000e-02, s20  }
0x107: {  	v41 =	vsub.f32 v47, v57;
	v32 =	vmul.f32 v56, v59;
	s5 =	smul.f32 s15, s5;
	(v2sf) =	vpush v54, $0xF  }
0x108: {  	v56 =	vsub.f32 v49, v50;
	v33 =	vmul.f32 v33, v60;
	v43 =	vmul.f32 v58, v59;
	s7 =	smul.f32 s3, s17;
	s1 =	ssub.f32 s26, s28  }
0x109: {  	(xrf2) =	vadd.scan.msk.f32 $0xffff, v52;
	v52 =	vsub.f32 v45, v57;
	v30 =	vadd.f32 v30, v5;
	v3 =	vmul.f32 v3, v59;
	s24 =	ssub.f32 $1.500000000e+00, s24;
	s6 =	smul.f32 s5, s4  }
0x10a: {  	v2 =	vmul.f32 v55, v4;
	v55 =	vsub.f32 v48, v50;
	v31 =	vmul.f32 v31, v61;
	s15 =	smul.f32 s7, s3;
	s1 =	sadd.f32 $9.999999960e-13, s1  }
0x10b: {  	v1 =	vmul.f32 v1, v4;
	v34 =	vmul.f32 v34, v61;
	v3 =	vadd.f32 v3, v62;
	(xrf2) =	vadd.scan.msk.f32 $0xffff, v53;
	v57, _, _ =	vpop (xrf2);
	s26 =	smul.f32 s24, s14  }
0x10c: {  	[tilespmem:s16+$0xCB30] =	vst v30;
	(xrf2) =	vadd.scan.msk.f32 $0xffff, v0;
	(v2sf) =	vpush v57, $0xF;
	v57 =	vadd.f32 v31, v6;
	s9 =	sshra.s32 s1, $0x1;
	s4 =	smul.f32 $5.000000000e-01, s1  }
0x10d: {  	v48 =	vmul.f32 v52, v60;
	v56 =	vmul.f32 v56, v61;
	v2 =	vadd.f32 v2, v7;
	[tilespmem:s16+$0xCB20] =	vst v3;
	s14 =	smul.f32 s6, s5;
	s17 =	ssub.s32 $0x5F3759DF, s9  }
0x10e: {  	v49 =	vmul.f32 v46, v61;
	v30 =	vadd.f32 v33, v5;
	v3 =	vadd.f32 v32, v62;
	[tilespmem:s16+$0xCB40] =	vst v57;
	s1 =	sshra.s32 s22, $0x2;
	s20 =	smul.f32 s17, s4  }
0x10f: {  	v50 =	vmul.f32 v55, v60;
	v1 =	vadd.f32 v1, v7;
	v52 =	vadd.f32 v56, v6;
	v58, _, _ =	vpop (xrf2);
	s15 =	ssub.f32 $1.500000000e+00, s15;
	s18 =	smul.f32 s26, s30;
	v44 =	vld [tilespmem:s1+$0x3E0];
	[tilespmem:s16+$0xCB50] =	vst v2  }
0x110: {  	v0 =	vmul.f32 v35, v59;
	(v2sf) =	vpush v58, $0xF;
	v58 =	vadd.f32 v34, v6;
	s14 =	ssub.f32 $1.500000000e+00, s14;
	v45 =	vld [tilespmem:s1+$0x3F0];
	[tilespmem:s16+$0xCB60] =	vst v3;
	s24 =	smul.f32 s17, s20  }
0x111: {  	v53 =	vadd.f32 v50, v5;
	v35 =	vmul.f32 v41, v4;
	v41 =	vadd.f32 v43, v62;
	s3 =	smul.f32 s15, s3;
	v46 =	vld [tilespmem:s1+$0x400];
	[tilespmem:s16+$0xCB70] =	vst v30  }
0x112: {  	p2 =	sne.s32 s22, $0xC400;
	v43 =	vadd.f32 v49, v6;
	v51 =	vadd.f32 v0, v62;
	s30 =	smul.f32 s14, s5;
	v47 =	vld [tilespmem:s1+$0x410];
	[tilespmem:s16+$0xCB80] =	vst v58;
	s24 =	ssub.f32 $1.500000000e+00, s24  }
.Ltmp2:
0x113: {  	v31, _, _ =	vpop (xrf2);
	v57 =	vadd.f32 v35, v7;
	v3 =	vadd.f32 v48, v5;
	v48 =	vld [tilespmem:s1+$0x67E0];
	[tilespmem:s16+$0xCB90] =	vst v1;
	(pc) =	sbr.rel @p2 .LBB2_3-.Ltmp2, $4  }
0x114: {  	v63 =	vmovc v4;
	(v2sf) =	vpush v31, $0xF;
	v35 =	vmul.f32 s3, v22;
	v33 =	vmul.f32 s3, v23;
	v22 =	vmovc v40;
	v49 =	vld [tilespmem:s1+$0x67F0];
	[tilespmem:s16+$0xCBA0] =	vst v41;
	s14 =	smul.f32 s17, s24  }
0x115: {  	s21 =	smul.f32 s18, s26;
	v23 =	vmov v42;
	v31 =	vmul.f32 s30, v18;
	v18 =	vmov v37;
	v30, _, _ =	vpop (xrf2);
	v50 =	vld [tilespmem:s1+$0x6800];
	[tilespmem:s16+$0xCBB0] =	vst v3  }
0x116: {  	s22 =	sadd.s32 $0x400, s22;
	v34 =	vmul.f32 s30, v19;
	v32 =	vmul.f32 s30, v21;
	(v2sf) =	vpush v30, $0xF;
	v58, _, _ =	vpop (xrf2);
	v54 =	vld [tilespmem:s1+$0x6810];
	[tilespmem:s16+$0xCBC0] =	vst v43;
	s28 =	spop (v2sf);
	s15 =	smul.f32 s14, s4  }
0x117: {  	s5 =	ssub.f32 $1.500000000e+00, s21;
	v19 =	vmovc v38;
	v21 =	vmovc v39;
	v30 =	vmul.f32 s30, v20;
	v20 =	vmov v36;
	(v2sf) =	vpush v58, $0xF;
	v37 =	vld [tilespmem:s1+$0x320];
	[tilespmem:s16+$0xCBD0] =	vst v57;
	s16 =	smov.u32 s29;
	s17 =	smul.f32 $1.562500000e-02, s28  }
0x118: {  	_ =	sdelay $0x1  }
0x119: {  	s15 =	smul.f32 s15, s14  }
0x11a: {  	v0 =	vld [tilespmem:s1+$0x330];
	[tilespmem:s16+$0xCBE0] =	vst v51  }
0x11b: {  	s30 =	smul.f32 s30, s2;
	v1 =	vld [tilespmem:s1+$0x340];
	[tilespmem:s16+$0xCBF0] =	vst v53;
	s15 =	ssub.f32 $1.500000000e+00, s15  }
0x11c: {  	v48 =	vadd.f32 v48, v44;
	s21 =	smul.f32 s17, s17;
	v49 =	vadd.f32 v49, v45;
	v2 =	vld [tilespmem:s1+$0x350];
	[tilespmem:s16+$0xCC00] =	vst v52  }
0x11d: {  	v50 =	vadd.f32 v50, v46;
	s22 =	spop (v2sf);
	v51 =	vadd.f32 v54, v47;
	v38 =	vld [tilespmem:s1+$0x360];
	s28 =	smul.f32 s15, s14  }
0x11e: {  	v3 =	vmul.f32 v48, v48;
	v36 =	vmul.f32 v49, v49;
	v41 =	vld [tilespmem:s1+$0x370];
	s29 =	smul.f32 $1.562500000e-02, s22  }
0x11f: {  	v52 =	vld [tilespmem:s1+$0x380];
	v39 =	vmul.f32 v50, v50;
	v40 =	vmul.f32 v51, v51;
	s4 =	smul.f32 s28, s4  }
0x120: {  	v42 =	vadd.f32 v49, v48;
	v53 =	vld [tilespmem:s1+$0x3A0];
	v43 =	vadd.f32 v51, v50;
	s7 =	smul.f32 s29, s29;
	s6 =	spop (v2sf)  }
0x121: {  	v54 =	vld [tilespmem:s1+$0x3B0];
	v3 =	vadd.f32 v36, v3;
	v45 =	vadd.f32 v40, v39;
	s22 =	smul.f32 $1.562500000e-02, s6  }
0x122: {  	v55 =	vld [tilespmem:s1+$0x3C0];
	v46 =	vadd.f32 v43, v42;
	s4 =	smul.f32 s4, s28  }
0x123: {  	v47 =	vld [tilespmem:s1+$0x6720];
	v3 =	vadd.f32 v45, v3;
	s18 =	smul.f32 s22, s22;
	s9 =	spop (v2sf)  }
0x124: {  	v56 =	vld [tilespmem:s1+$0x6760];
	(xrf2) =	vadd.scan.msk.f32 $0xffff, v46;
	s15 =	smul.f32 $1.562500000e-02, s9;
	s24 =	spop (v2sf)  }
0x125: {  	v57 =	vld [tilespmem:s1+$0x6770];
	s4 =	ssub.f32 $1.500000000e+00, s4;
	(xrf2) =	vadd.scan.msk.f32 $0xffff, v3;
	s24 =	smul.f32 $1.562500000e-02, s24  }
0x126: {  	v58 =	vld [tilespmem:s1+$0x6780];
	s15 =	ssub.f32 s15, s21;
	s20 =	spop (v2sf)  }
0x127: {  	v36 =	vld [tilespmem:s1+$0x6790];
	s21 =	smul.f32 $1.562500000e-02, s20;
	s14 =	ssub.f32 s24, s7  }
0x128: {  	v40 =	vld [tilespmem:s1+$0x6730];
	s4 =	smul.f32 s4, s28;
	s15 =	sadd.f32 $9.999999960e-13, s15  }
0x129: {  	s26 =	smul.f32 s5, s26;
	v43 =	vld [tilespmem:s1+$0x6750];
	s21 =	ssub.f32 s21, s18  }
0x12a: {  	v42 =	vld [tilespmem:s1+$0x6740];
	s28 =	smul.f32 s4, s25;
	s14 =	sadd.f32 $9.999999960e-13, s14;
	s24 =	sshra.s32 s15, $0x1  }
0x12b: {  	v39 =	vld [tilespmem:s1+$0x390];
	s2 =	smul.f32 $5.000000000e-01, s15;
	s25 =	ssub.s32 $0x5F3759DF, s24  }
0x12c: {  	v3 =	vld [tilespmem:s1+$0x3D0];
	s21 =	sadd.f32 $9.999999960e-13, s21;
	s5 =	smul.f32 $5.000000000e-01, s14  }
0x12d: {  	v44 =	vadd.f32 v47, v37;
	v45 =	vadd.f32 v40, v0;
	v0 =	vld [tilespmem:s1+$0x67A0];
	s9 =	sshra.s32 s14, $0x1;
	s18 =	smul.f32 s25, s2  }
0x12e: {  	v47 =	vadd.f32 v43, v2;
	v43 =	vadd.f32 v57, v41;
	v57 =	vld [tilespmem:s1+$0x67D0];
	v37, _, _ =	vpop (xrf2);
	s20 =	ssub.s32 $0x5F3759DF, s9;
	s24 =	smul.f32 $5.000000000e-01, s21  }
0x12f: {  	v46 =	vadd.f32 v42, v1;
	v1 =	vld [tilespmem:s1+$0x67B0];
	(v2sf) =	vpush v37, $0xF;
	v40, _, _ =	vpop (xrf2);
	s7 =	sshra.s32 s21, $0x1;
	s6 =	smul.f32 s20, s5  }
0x130: {  	v2 =	vld [tilespmem:s1+$0x67C0];
	(v2sf) =	vpush v40, $0xF;
	s14 =	smul.f32 s25, s18;
	s7 =	ssub.s32 $0x5F3759DF, s7  }
0x131: {  	v41 =	vadd.f32 v58, v52;
	v42 =	vadd.f32 v36, v39;
	s21 =	smul.f32 s7, s24  }
0x132: {  	v58 =	vadd.f32 v47, v46;
	v36 =	vadd.f32 v0, v53;
	s14 =	ssub.f32 $1.500000000e+00, s14;
	s6 =	smul.f32 s20, s6  }
0x133: {  	v39 =	vadd.f32 v57, v3;
	v40 =	vadd.f32 v56, v38;
	s21 =	smul.f32 s7, s21  }
0x134: {  	v37 =	vadd.f32 v1, v54;
	v56 =	vadd.f32 v45, v44;
	s9 =	smul.f32 s25, s14;
	s6 =	ssub.f32 $1.500000000e+00, s6  }
0x135: {  	v52 =	vmul.f32 v44, v44;
	v38 =	vadd.f32 v2, v55;
	v1 =	vadd.f32 v43, v40;
	s14 =	smul.f32 s3, s0  }
0x136: {  	v3 =	vmul.f32 v46, v46;
	v0 =	vadd.f32 v58, v56;
	v58 =	vadd.f32 v42, v41;
	s21 =	ssub.f32 $1.500000000e+00, s21;
	s0 =	smul.f32 s20, s6  }
0x137: {  	v54 =	vmul.f32 v47, v47;
	v2 =	vmul.f32 v45, v45;
	v57 =	vadd.f32 v37, v36;
	s15 =	smul.f32 s9, s2  }
0x138: {  	(xrf2) =	vadd.scan.msk.f32 $0xffff, v0;
	v1 =	vadd.f32 v58, v1;
	v58 =	vadd.f32 v39, v38;
	s6 =	smul.f32 s7, s21  }
0x139: {  	v3 =	vadd.f32 v54, v3;
	v2 =	vadd.f32 v2, v52;
	s18 =	smul.f32 s0, s5  }
0x13a: {  	v0 =	vadd.f32 v58, v57;
	(xrf2) =	vadd.scan.msk.f32 $0xffff, v1;
	s7 =	smul.f32 s15, s9  }
0x13b: {  	v2 =	vadd.f32 v3, v2;
	s20 =	smul.f32 s6, s24  }
0x13c: {  	(xrf2) =	vadd.scan.msk.f32 $0xffff, v0;
	s25 =	smul.f32 s18, s0;
	s7 =	ssub.f32 $1.500000000e+00, s7  }
0x13d: {  	v53 =	vmul.f32 v43, v43;
	v54 =	vmul.f32 v41, v41;
	(xrf2) =	vadd.scan.msk.f32 $0xffff, v2;
	s20 =	smul.f32 s20, s6  }
0x13e: {  	v52 =	vmul.f32 v40, v40;
	v3 =	vmul.f32 v42, v42;
	s7 =	smul.f32 s7, s9;
	s21 =	spop (v2sf)  }
0x13f: {  	s15 =	smul.f32 $1.562500000e-02, s21;
	s18 =	spop (v2sf)  }
0x140: {  	v55 =	vadd.f32 v3, v54;
	v0 =	vadd.f32 v53, v52;
	s18 =	smul.f32 $1.562500000e-02, s18  }
0x141: {  	s9 =	ssub.f32 $1.500000000e+00, s25;
	s25 =	smul.f32 s15, s15  }
0x142: {  	v0 =	vadd.f32 v55, v0;
	s20 =	ssub.f32 $1.500000000e+00, s20;
	v56, _, _ =	vpop (xrf2)  }
0x143: {  	s0 =	smul.f32 s9, s0;
	(v2sf) =	vpush v56, $0xF;
	s18 =	ssub.f32 s18, s25  }
0x144: {  	(xrf2) =	vadd.scan.msk.f32 $0xffff, v0;
	s2 =	smul.f32 s7, s2;
	v57, _, _ =	vpop (xrf2)  }
0x145: {  	s6 =	smul.f32 s20, s6;
	(v2sf) =	vpush v57, $0xF;
	s20 =	sadd.f32 $9.999999960e-13, s18  }
0x146: {  	v1 =	vmul.f32 v36, v36;
	v3 =	vmul.f32 v38, v38;
	s5 =	smul.f32 s0, s5;
	v58, _, _ =	vpop (xrf2)  }
0x147: {  	v2 =	vmul.f32 v37, v37;
	v56 =	vmul.f32 v39, v39;
	(v2sf) =	vpush v58, $0xF;
	v57, _, _ =	vpop (xrf2);
	s18 =	sshra.s32 s20, $0x1;
	s9 =	smul.f32 $5.000000000e-01, s20  }
0x148: {  	s2 =	smul.f32 s2, s7;
	(v2sf) =	vpush v57, $0xF;
	s18 =	ssub.s32 $0x5F3759DF, s18  }
0x149: {  	v52 =	vadd.f32 v56, v3;
	v58 =	vadd.f32 v2, v1;
	s25 =	smul.f32 s18, s9  }
0x14a: {  	s20 =	smul.f32 s6, s24  }
0x14b: {  	v0 =	vadd.f32 v52, v58;
	s24 =	smul.f32 s18, s25  }
0x14c: {  	s21 =	smul.f32 s26, s31;
	s2 =	ssub.f32 $1.500000000e+00, s2  }
0x14d: {  	s31 =	smul.f32 s5, s0;
	(xrf2) =	vadd.scan.msk.f32 $0xffff, v0;
	s24 =	ssub.f32 $1.500000000e+00, s24  }
0x14e: {  	s5 =	smul.f32 s2, s7;
	v53, _, _ =	vpop (xrf2)  }
0x14f: {  	(v2sf) =	vpush v53, $0xF;
	s7 =	smul.f32 s18, s24  }
0x150: {  	s31 =	ssub.f32 $1.500000000e+00, s31;
	s20 =	smul.f32 s20, s6  }
0x151: {  	s18 =	smul.f32 s7, s9  }
0x152: {  	s24 =	smul.f32 s31, s0;
	s25 =	spop (v2sf)  }
0x153: {  	s31 =	ssub.f32 $1.500000000e+00, s20;
	s0 =	smul.f32 s18, s7  }
0x154: {  	s25 =	smul.f32 $1.562500000e-02, s25;
	s20 =	spop (v2sf)  }
0x155: {  	s31 =	smul.f32 s31, s6;
	s0 =	ssub.f32 $1.500000000e+00, s0  }
0x156: {  	v9 =	vmul.f32 s26, v9;
	s18 =	smul.f32 s25, s25;
	s6 =	spop (v2sf)  }
0x157: {  	v14 =	vmul.f32 s4, v14;
	v55 =	vmul.f32 s3, v12;
	v54, _, _ =	vpop (xrf2);
	s2 =	spop (v2sf);
	s7 =	smul.f32 s0, s7  }
0x158: {  	v12 =	vmul.f32 s4, v16;
	v16 =	vmov s14;
	(v2sf) =	vpush v54, $0xF;
	s0 =	smul.f32 $1.562500000e-02, s2  }
0x159: {  	v33 =	vsub.f32 v33, v16;
	v56 =	vmul.f32 s3, v13;
	v3 =	vmul.f32 s26, v8;
	s2 =	smul.f32 $1.562500000e-02, s20  }
0x15a: {  	v8 =	vmul.f32 s26, v11;
	v11 =	vmul.f32 s4, v15;
	v15 =	vmov s30;
	s18 =	ssub.f32 s0, s18;
	s0 =	smul.f32 $1.562500000e-02, s6  }
0x15b: {  	v33 =	vmul.f32 v33, v60;
	v13 =	vmov s28;
	v30 =	vsub.f32 v30, v15;
	s9 =	smul.f32 s7, s9  }
0x15c: {  	v12 =	vsub.f32 v12, v13;
	v1 =	vsub.f32 v56, v16;
	v57 =	vmul.f32 s26, v10;
	s6 =	smul.f32 s2, s2;
	s18 =	sadd.f32 $9.999999960e-13, s18  }
0x15d: {  	v10 =	vmul.f32 s4, v17;
	v17 =	vsub.f32 v31, v15;
	v31 =	vsub.f32 v34, v15;
	s3 =	smul.f32 s9, s7  }
0x15e: {  	v15 =	vsub.f32 v32, v15;
	v30 =	vmul.f32 v30, v60;
	v12 =	vmul.f32 v12, v60;
	s20 =	spop (v2sf);
	s28 =	sshra.s32 s18, $0x1;
	s26 =	smul.f32 $5.000000000e-01, s18  }
0x15f: {  	v1 =	vmul.f32 v1, v63;
	v10 =	vsub.f32 v10, v13;
	v17 =	vmul.f32 v17, v59;
	s3 =	ssub.f32 $1.500000000e+00, s3;
	s18 =	smul.f32 $1.562500000e-02, s20;
	s28 =	ssub.s32 $0x5F3759DF, s28  }
0x160: {  	v11 =	vsub.f32 v11, v13;
	v31 =	vmul.f32 v31, v61;
	v15 =	vmul.f32 v15, v63;
	s30 =	smul.f32 s28, s26  }
0x161: {  	v58 =	vsub.f32 v35, v16;
	v18 =	vmul.f32 s5, v18;
	v10 =	vmul.f32 v10, v63;
	s7 =	smul.f32 s3, s7;
	s4 =	ssub.f32 s18, s6  }
0x162: {  	v13 =	vsub.f32 v14, v13;
	v0 =	vsub.f32 v55, v16;
	v16 =	vmov s21;
	s18 =	smul.f32 s28, s30  }
0x163: {  	v20 =	vmul.f32 s5, v20;
	v2 =	vsub.f32 v57, v16;
	v10 =	vadd.f32 v10, v7;
	s6 =	smul.f32 s0, s0;
	s3 =	sadd.f32 $9.999999960e-13, s4  }
0x164: {  	v3 =	vsub.f32 v3, v16;
	v17 =	vadd.f32 v17, v62;
	v0 =	vmul.f32 v0, v61;
	s14 =	smul.f32 s7, s15;
	s4 =	ssub.f32 $1.500000000e+00, s18  }
0x165: {  	v32 =	vmul.f32 v58, v59;
	v8 =	vsub.f32 v8, v16;
	v15 =	vadd.f32 v15, v7;
	[tilespmem:s10+$0xCC10] =	vst v10;
	s20 =	sshra.s32 s3, $0x1;
	s3 =	smul.f32 $5.000000000e-01, s3  }
0x166: {  	v9 =	vsub.f32 v9, v16;
	v2 =	vmul.f32 v2, v59;
	v0 =	vadd.f32 v0, v6;
	[tilespmem:s16+$0xCB20] =	vst v17;
	s15 =	ssub.s32 $0x5F3759DF, s20;
	s9 =	smul.f32 s28, s4  }
0x167: {  	v1 =	vadd.f32 v1, v7;
	v3 =	vmul.f32 v3, v60;
	v8 =	vmul.f32 v8, v61;
	[tilespmem:s16+$0xCB50] =	vst v15;
	s21 =	spop (v2sf);
	s28 =	smul.f32 s15, s3  }
0x168: {  	v9 =	vmul.f32 v9, v63;
	v10 =	vmul.f32 v11, v59;
	v11 =	vadd.f32 v33, v5;
	[tilespmem:s16+$0xCB80] =	vst v0;
	s4 =	smul.f32 $1.562500000e-02, s21  }
0x169: {  	v55 =	vmul.f32 v13, v61;
	v2 =	vadd.f32 v2, v62;
	v3 =	vadd.f32 v3, v5;
	[tilespmem:s16+$0xCB90] =	vst v1;
	s18 =	smul.f32 s15, s28  }
0x16a: {  	v16 =	vmul.f32 s5, v19;
	v8 =	vadd.f32 v8, v6;
	v57 =	vadd.f32 v9, v7;
	[tilespmem:s16+$0xCB70] =	vst v11;
	s30 =	smul.f32 s9, s26  }
0x16b: {  	v19 =	vmul.f32 s5, v21;
	v9 =	vadd.f32 v12, v5;
	v0 =	vadd.f32 v55, v6;
	[tilespmem:s16+$0xCBA0] =	vst v2;
	s20 =	smul.f32 s5, s17;
	s4 =	ssub.f32 s4, s6  }
0x16c: {  	v10 =	vadd.f32 v10, v62;
	[tilespmem:s16+$0xCBB0] =	vst v3;
	v22 =	vmul.f32 s24, v22;
	v14 =	vmul.f32 s24, v28;
	s21 =	ssub.f32 $1.500000000e+00, s18;
	s28 =	smul.f32 s30, s9  }
0x16d: {  	[tilespmem:s16+$0xCBC0] =	vst v8;
	v28 =	vmul.f32 s24, v29;
	v29 =	vadd.f32 v30, v5;
	v53 =	vmul.f32 s7, v51;
	s30 =	smul.f32 s24, s29;
	s4 =	sadd.f32 $9.999999960e-13, s4  }
0x16e: {  	[tilespmem:s16+$0xCBD0] =	vst v57;
	v30 =	vadd.f32 v31, v6;
	v52 =	vmul.f32 s7, v50;
	v54 =	vmov s14;
	s5 =	smul.f32 s15, s21;
	s6 =	ssub.f32 $1.500000000e+00, s28  }
0x16f: {  	v31 =	vadd.f32 v32, v62;
	[tilespmem:s16+$0xCB30] =	vst v29;
	v11 =	vmul.f32 s31, v26;
	v26 =	vsub.f32 v53, v54;
	s15 =	sshra.s32 s4, $0x1;
	s4 =	smul.f32 $5.000000000e-01, s4  }
0x170: {  	v23 =	vmul.f32 s24, v23;
	[tilespmem:s16+$0xCB40] =	vst v30;
	v15 =	vmul.f32 s31, v24;
	v33 =	vsub.f32 v52, v54;
	s18 =	ssub.s32 $0x5F3759DF, s15;
	s6 =	smul.f32 s6, s9  }
0x171: {  	[tilespmem:s16+$0xCB60] =	vst v31;
	v21 =	vmul.f32 s7, v48;
	v17 =	vmov s20;
	v56 =	vmul.f32 v26, v63;
	s14 =	smul.f32 s18, s4  }
0x172: {  	[tilespmem:s10+$0xCC00] =	vst v0;
	v0 =	vmul.f32 v33, v61;
	v18 =	vsub.f32 v18, v17;
	v20 =	vsub.f32 v20, v17;
	s21 =	smul.f32 s5, s3  }
0x173: {  	v34 =	vmul.f32 s7, v49;
	v16 =	vsub.f32 v16, v17;
	v17 =	vsub.f32 v19, v17;
	s20 =	smul.f32 s6, s26  }
0x174: {  	v1 =	vadd.f32 v56, v7;
	v0 =	vadd.f32 v0, v6;
	v18 =	vmul.f32 v18, v59;
	s14 =	smul.f32 s18, s14  }
0x175: {  	[tilespmem:s10+$0xCBF0] =	vst v9;
	v9 =	vmul.f32 v20, v60;
	v20 =	vsub.f32 v21, v54;
	v16 =	vmul.f32 v16, v61;
	s7 =	smul.f32 s21, s5  }
0x176: {  	v21 =	vsub.f32 v34, v54;
	v34 =	vmul.f32 v17, v63;
	v18 =	vadd.f32 v18, v62;
	s15 =	smul.f32 s20, s6;
	s14 =	ssub.f32 $1.500000000e+00, s14  }
0x177: {  	[tilespmem:s10+$0xCBE0] =	vst v10;
	s24 =	smul.f32 s31, s22;
	v19 =	vmov s30;
	v9 =	vadd.f32 v9, v5;
	v16 =	vadd.f32 v16, v6;
	s7 =	ssub.f32 $1.500000000e+00, s7  }
0x178: {  	v24 =	vmul.f32 s31, v25;
	[tilespmem:s1+$0xCC10] =	vst v1;
	v1 =	vadd.f32 v34, v7;
	v13 =	vsub.f32 v22, v19;
	s15 =	ssub.f32 $1.500000000e+00, s15;
	s9 =	smul.f32 s18, s14  }
0x179: {  	v25 =	vmul.f32 s31, v27;
	v22 =	vsub.f32 v23, v19;
	v14 =	vsub.f32 v14, v19;
	s5 =	smul.f32 s7, s5  }
0x17a: {  	v19 =	vsub.f32 v28, v19;
	v23 =	vmov s24;
	v13 =	vmul.f32 v13, v59;
	s6 =	smul.f32 s15, s6  }
0x17b: {  	v8 =	vsub.f32 v15, v23;
	v17 =	vmul.f32 v22, v60;
	v14 =	vmul.f32 v14, v61;
	s26 =	smul.f32 s9, s4  }
0x17c: {  	v24 =	vsub.f32 v24, v23;
	v3 =	vmul.f32 s6, v44;
	v12 =	vmul.f32 s6, v45;
	s25 =	smul.f32 s6, s25  }
0x17d: {  	v11 =	vsub.f32 v11, v23;
	[tilespmem:s10+$0xCB20] =	vst v18;
	v15 =	vmul.f32 s6, v46;
	v58 =	vmul.f32 s6, v47;
	s6 =	smul.f32 s26, s9  }
0x17e: {  	v10 =	vsub.f32 v25, v23;
	[tilespmem:s10+$0xCB30] =	vst v9;
	v9 =	vmul.f32 v19, v63;
	v8 =	vmul.f32 v8, v59;
	s3 =	smul.f32 s5, s3  }
0x17f: {  	[tilespmem:s10+$0xCB40] =	vst v16;
	v16 =	vmul.f32 v24, v60;
	v13 =	vadd.f32 v13, v62;
	v17 =	vadd.f32 v17, v5;
	s6 =	ssub.f32 $1.500000000e+00, s6  }
0x180: {  	[tilespmem:s10+$0xCB50] =	vst v1;
	v11 =	vmul.f32 v11, v61;
	v35 =	vadd.f32 v14, v6;
	v8 =	vadd.f32 v8, v62;
	s3 =	smul.f32 s3, s5  }
0x181: {  	v9 =	vadd.f32 v9, v7;
	v16 =	vadd.f32 v16, v5;
	[tilespmem:s10+$0xCB60] =	vst v13;
	v23 =	vmov s25;
	s28 =	smul.f32 s6, s9  }
0x182: {  	[tilespmem:s10+$0xCBA0] =	vst v8;
	v8 =	vadd.f32 v11, v6;
	s3 =	ssub.f32 $1.500000000e+00, s3;
	v3 =	vsub.f32 v3, v23  }
0x183: {  	[tilespmem:s10+$0xCB90] =	vst v9;
	v9 =	vmul.f32 v10, v63;
	v12 =	vsub.f32 v12, v23;
	v10 =	vsub.f32 v15, v23;
	s4 =	smul.f32 s28, s4  }
0x184: {  	[tilespmem:s10+$0xCB70] =	vst v17;
	v11 =	vmul.f32 v21, v60;
	v2 =	vsub.f32 v58, v23;
	s3 =	smul.f32 s3, s5;
	v3 =	vmul.f32 v3, v59  }
0x185: {  	[tilespmem:s10+$0xCB80] =	vst v35;
	v9 =	vadd.f32 v9, v7;
	v12 =	vmul.f32 v12, v60;
	v10 =	vmul.f32 v10, v61;
	s30 =	smul.f32 s4, s28  }
0x186: {  	[tilespmem:s10+$0xCBB0] =	vst v16;
	v11 =	vadd.f32 v11, v5;
	v2 =	vmul.f32 v2, v63;
	v14 =	vmul.f32 s3, v40;
	s2 =	smul.f32 s3, s2  }
0x187: {  	[tilespmem:s10+$0xCBC0] =	vst v8;
	v18 =	vmul.f32 s3, v43;
	v13 =	vmul.f32 s3, v41;
	v3 =	vadd.f32 v3, v62;
	s31 =	ssub.f32 $1.500000000e+00, s30  }
0x188: {  	[tilespmem:s10+$0xCBD0] =	vst v9;
	v12 =	vadd.f32 v12, v5;
	v10 =	vadd.f32 v10, v6;
	v15 =	vmov s2  }
0x189: {  	[tilespmem:s1+$0xCBF0] =	vst v11;
	v19 =	vmul.f32 s3, v42;
	v14 =	vsub.f32 v14, v15;
	v8 =	vsub.f32 v18, v15;
	s2 =	smul.f32 s31, s28  }
0x18a: {  	[tilespmem:s1+$0xCC00] =	vst v0;
	v40 =	vmul.f32 v20, v59;
	v2 =	vadd.f32 v2, v7;
	v13 =	vsub.f32 v13, v15  }
0x18b: {  	v9 =	vsub.f32 v19, v15;
	[tilespmem:s1+$0xCB20] =	vst v3;
	v14 =	vmul.f32 v14, v59;
	v8 =	vmul.f32 v8, v60;
	s0 =	smul.f32 s2, s0  }
0x18c: {  	v1 =	vadd.f32 v40, v62;
	[tilespmem:s1+$0xCB40] =	vst v10;
	v10 =	vmul.f32 v13, v61;
	v41 =	vmul.f32 s2, v36  }
0x18d: {  	[tilespmem:s1+$0xCB30] =	vst v12;
	v9 =	vmul.f32 v9, v63;
	v11 =	vmul.f32 s2, v37;
	v12 =	vmov s0  }
0x18e: {  	[tilespmem:s1+$0xCBE0] =	vst v1;
	v13 =	vadd.f32 v14, v62;
	v42 =	vmul.f32 s2, v38;
	v1 =	vsub.f32 v41, v12  }
0x18f: {  	[tilespmem:s1+$0xCB50] =	vst v2;
	v8 =	vadd.f32 v8, v5;
	v3 =	vmul.f32 s2, v39;
	v43 =	vsub.f32 v11, v12  }
0x190: {  	v10 =	vadd.f32 v10, v6;
	[tilespmem:s1+$0xCB60] =	vst v13;
	v0 =	vsub.f32 v42, v12;
	v1 =	vmul.f32 v1, v59  }
0x191: {  	[tilespmem:s1+$0xCB70] =	vst v8;
	v8 =	vadd.f32 v9, v7;
	v3 =	vsub.f32 v3, v12;
	v2 =	vmul.f32 v43, v60  }
0x192: {  	[tilespmem:s1+$0xCB80] =	vst v10;
	v0 =	vmul.f32 v0, v61;
	v1 =	vadd.f32 v1, v62  }
0x193: {  	[tilespmem:s1+$0xCB90] =	vst v8;
	v3 =	vmul.f32 v3, v63;
	v2 =	vadd.f32 v2, v5  }
0x194: {  	s3 =	rddreg [dreg:$0x10];
	v0 =	vadd.f32 v0, v6;
	[tilespmem:s1+$0xCBA0] =	vst v1  }
0x195: {  	s0 =	smul.u32 $0x640, s3;
	v44 =	vadd.f32 v3, v7;
	[tilespmem:s1+$0xCBB0] =	vst v2  }
0x196: {  	s4 =	rddreg [dreg:$0x3];
	[tilespmem:s1+$0xCBC0] =	vst v0  }
0x197: {  	s5 =	simm.s32 $0x0;
	s6 =	simm.s32 $0xCB20;
	s0 =	sadd.s32 s4, s0;
	[tilespmem:s1+$0xCBD0] =	vst v44  }
0x198: {  	[hbm4b:s0+s5] =	stream.linear.scatter [tilespmem:s6], [sflag:$0x5], $0x3200, $0x38;
	[tilespmem:$0x12FA0] =	vst v63  }
0x199: {  	s0 =	simm.s32 @!p0 $0x3  }
0x19a: {  	_ =	swait.ge @!p0 [sflag:s0], $0xC8  }
0x19b: {  	[sflag:s0] =	ssyncset.done @!p0 $0x0  }
0x19c: {  	[sflag:s0] =	ssyncadd.s32 @!p0 $0xFFFFFF38  }
0x19d: {  	_ =	swait.ge @!p0 [sflag:s0], $0xC8  }
0x19e: {  	s2 =	simm.s32 @!p0 $0x320;
	[sflag:s0] =	ssyncset.done @!p0 $0x0  }
0x19f: {  	s1 =	simm.s32 @!p0 $0x0;
	[sflag:s0] =	ssyncadd.s32 @!p0 $0xFFFFFF38;
	s0 =	simm.s32 @!p0 $0x80  }
0x1a0: {  	[tilespmem:s2], [sflag:$0x1] =	stream.indirect.gather @!p0 [hbm4b:s8+s0], $0x40, s1, s0, $0xb8;
	[tilespmem:$0x12FA0] =	vst v63  }
0x1a1: {  	s3 =	simm.s32 @!p0 $0x6720;
	s2 =	simm.s32 @!p0 $0x190  }
0x1a2: {  	[tilespmem:s3], [sflag:$0x1] =	stream.indirect.gather @!p0 [hbm4b:s8+s0], $0x40, s2, s0, $0xb8;
	[tilespmem:$0x12FA0] =	vst v63  }
0x1a3: {  	s2 =	simm.s32 @!p0 $0x48;
	s3 =	simm.s32 @!p0 $0x2320  }
0x1a4: {  	[tilespmem:s3], [sflag:$0x1] =	stream.indirect.gather @!p0 [hbm4b:s8+s2], $0x40, s0, s2, $0xb8;
	[tilespmem:$0x12FA0] =	vst v63  }
0x1a5: {  	s0 =	simm.s32 @!p0 $0x210;
	s3 =	simm.s32 @!p0 $0x8720  }
0x1a6: {  	[tilespmem:s3], [sflag:$0x1] =	stream.indirect.gather @!p0 [hbm4b:s8+s2], $0x40, s0, s2, $0xb8;
	[tilespmem:$0x12FA0] =	vst v63  }
0x1a7: {  	_ =	swait.ge [sflag:s23], $0x2000  }
0x1a8: {  	[sflag:s23] =	ssyncset.done $0x0  }
0x1a9: {  	[sflag:s23] =	ssyncadd.s32 $0xFFFFE000  }
0x1aa: {  	_ =	swait.ge [sflag:s23], $0x2000  }
0x1ab: {  	[sflag:s23] =	ssyncset.done $0x0  }
0x1ac: {  	[sflag:s23] =	ssyncadd.s32 $0xFFFFE000  }
0x1ad: {  	_ =	swait.ge [sflag:s23], $0x1200  }
0x1ae: {  	[sflag:s23] =	ssyncset.done $0x0  }
0x1af: {  	[sflag:s23] =	ssyncadd.s32 $0xFFFFEE00  }
0x1b0: {  	_ =	swait.ge [sflag:s23], $0x1200  }
0x1b1: {  	s0 =	rddreg [dreg:$0xd]  }
0x1b2: {  	s0 =	sadd.s32 @!p0 s12, s0  }
0x1b3: {  	[sflag:s23] =	ssyncset.done $0x0;
	s2 =	rddreg [dreg:$0x5];
	s0 =	sshrl.u32 @!p0 s0, $0x3  }
0x1b4: {  	s3 =	simm.s32 @!p0 $0xC8;
	[sflag:s23] =	ssyncadd.s32 $0xFFFFEE00;
	s2 =	sadd.s32 @!p0 s2, s0  }
0x1b5: {  	[tilespmem:s3], [sflag:$0x4] =	stream.linear.gather @!p0 [hbm4b:s2+s1], $0xC8, $0x38;
	[tilespmem:$0x12FA0] =	vst v63  }
0x1b6: {  	s2 =	rddreg [dreg:$0x6]  }
0x1b7: {  	s0 =	sadd.s32 @!p0 s2, s0;
	s2 =	simm.s32 @!p0 $0x258  }
0x1b8: {  	[tilespmem:s2], [sflag:$0x4] =	stream.linear.gather @!p0 [hbm4b:s0+s1], $0xC8, $0x38;
	[tilespmem:$0x12FA0] =	vst v63  }
0x1b9: {  	s0 =	simm.s32 @p1 $0x6  }
0x1ba: {  	_ =	swait.ge @p1 [sflag:s0], $0x3200  }
0x1bb: {  	[sflag:s0] =	ssyncset.done @p1 $0x0  }
0x1bc: {  	s12 =	simm.s32 $0x0;
	[sflag:s0] =	ssyncadd.s32 @p1 $0xFFFFCE00  }
0x1bd: {  	v45 =	vld [tilespmem:s12+$0x35E0]  }
0x1be: {  	v46 =	vld [tilespmem:s12+$0x35F0]  }
0x1bf: {  	v47 =	vld [tilespmem:s12+$0x3600]  }
0x1c0: {  	v3 =	vld [tilespmem:s12+$0x3610]  }
0x1c1: {  	v8 =	vld [tilespmem:s12+$0x99E0]  }
0x1c2: {  	v9 =	vld [tilespmem:s12+$0x99F0]  }
0x1c3: {  	v10 =	vld [tilespmem:s12+$0x9A00]  }
0x1c4: {  	v11 =	vld [tilespmem:s12+$0x9A10]  }
0x1c5: {  	v12 =	vld [tilespmem:s12+$0x3520]  }
0x1c6: {  	v13 =	vld [tilespmem:s12+$0x3530]  }
0x1c7: {  	v48 =	vld [tilespmem:s12+$0x3540]  }
0x1c8: {  	v49 =	vld [tilespmem:s12+$0x3550]  }
0x1c9: {  	v16 =	vld [tilespmem:s12+$0x3580]  }
0x1ca: {  	v51 =	vld [tilespmem:s12+$0x35D0];
	v38 =	vadd.f32 v8, v45;
	v37 =	vadd.f32 v9, v46  }
0x1cb: {  	v17 =	vld [tilespmem:s12+$0x9930];
	v31 =	vadd.f32 v10, v47;
	v22 =	vadd.f32 v11, v3  }
0x1cc: {  	v18 =	vld [tilespmem:s12+$0x9940];
	v50 =	vmul.f32 v38, v38;
	v3 =	vmul.f32 v37, v37  }
0x1cd: {  	v19 =	vld [tilespmem:s12+$0x9950];
	v9 =	vmul.f32 v31, v31;
	v10 =	vmul.f32 v22, v22  }
0x1ce: {  	v20 =	vld [tilespmem:s12+$0x9960];
	v14 =	vadd.f32 v37, v38;
	v15 =	vadd.f32 v22, v31  }
0x1cf: {  	v21 =	vld [tilespmem:s12+$0x9970];
	v2 =	vadd.f32 v3, v50;
	v3 =	vadd.f32 v10, v9  }
0x1d0: {  	v23 =	vld [tilespmem:s12+$0x9980];
	v10 =	vadd.f32 v15, v14  }
0x1d1: {  	v52 =	vld [tilespmem:s12+$0x99B0];
	v2 =	vadd.f32 v3, v2  }
0x1d2: {  	v8 =	vld [tilespmem:s12+$0x3560];
	(xrf2) =	vadd.scan.msk.f32 $0xffff, v10  }
0x1d3: {  	v11 =	vld [tilespmem:s12+$0x3570];
	(xrf2) =	vadd.scan.msk.f32 $0xffff, v2  }
0x1d4: {  	v34 =	vadd.f32 v17, v13;
	v17 =	vld [tilespmem:s12+$0x99A0]  }
0x1d5: {  	v32 =	vadd.f32 v18, v48;
	v18 =	vld [tilespmem:s12+$0x99C0]  }
0x1d6: {  	v15 =	vld [tilespmem:s12+$0x9920]  }
0x1d7: {  	v9 =	vld [tilespmem:s12+$0x3590]  }
0x1d8: {  	v14 =	vld [tilespmem:s12+$0x35A0]  }
0x1d9: {  	v33 =	vadd.f32 v20, v8;
	v8 =	vld [tilespmem:s12+$0x99D0]  }
0x1da: {  	v36 =	vadd.f32 v21, v11;
	v3 =	vld [tilespmem:s12+$0x35B0]  }
0x1db: {  	v30 =	vadd.f32 v15, v12;
	v15 =	vld [tilespmem:s12+$0x9990]  }
0x1dc: {  	v35 =	vadd.f32 v19, v49;
	v10 =	vld [tilespmem:s12+$0x35C0];
	v55 =	vadd.f32 v36, v33;
	v12, _, _ =	vpop (xrf2)  }
0x1dd: {  	v11 =	vadd.f32 v17, v14;
	(v2sf) =	vpush v12, $0xF;
	v13, _, _ =	vpop (xrf2)  }
0x1de: {  	v8 =	vadd.f32 v8, v51;
	(v2sf) =	vpush v13, $0xF  }
0x1df: {  	v53 =	vadd.f32 v34, v30;
	v12 =	vadd.f32 v23, v16  }
0x1e0: {  	v16 =	vadd.f32 v35, v32;
	v13 =	vadd.f32 v15, v9  }
0x1e1: {  	v10 =	vadd.f32 v18, v10;
	v9 =	vadd.f32 v52, v3  }
0x1e2: {  	v54 =	vadd.f32 v16, v53;
	v3 =	vadd.f32 v13, v12  }
0x1e3: {  	v14 =	vmul.f32 v34, v34;
	v56 =	vadd.f32 v9, v11  }
0x1e4: {  	v57 =	vmul.f32 v30, v30;
	(xrf2) =	vadd.scan.msk.f32 $0xffff, v54;
	v1 =	vadd.f32 v3, v55;
	v3 =	vadd.f32 v8, v10  }
0x1e5: {  	v15 =	vmul.f32 v32, v32;
	v16 =	vmul.f32 v35, v35  }
0x1e6: {  	v0 =	vadd.f32 v3, v56  }
0x1e7: {  	v2 =	vadd.f32 v14, v57;
	v14 =	vadd.f32 v16, v15;
	(xrf2) =	vadd.scan.msk.f32 $0xffff, v1  }
0x1e8: {  	v58 =	vmul.f32 v36, v36;
	v17 =	vmul.f32 v33, v33;
	(xrf2) =	vadd.scan.msk.f32 $0xffff, v0  }
0x1e9: {  	v18 =	vmul.f32 v13, v13;
	v2 =	vadd.f32 v14, v2;
	v3 =	vmul.f32 v12, v12;
	_ =	sdelay $0x1  }
0x1ea: {  	v39 =	vadd.f32 v58, v17;
	v40 =	vadd.f32 v18, v3;
	(xrf2) =	vadd.scan.msk.f32 $0xffff, v2  }
0x1eb: {  	v15 =	vmul.f32 v10, v10;
	v16 =	vmul.f32 v8, v8;
	s7 =	spop (v2sf)  }
0x1ec: {  	v14 =	vmul.f32 v9, v9;
	v3 =	vmul.f32 v11, v11;
	v0 =	vadd.f32 v40, v39;
	s1 =	smul.f32 $1.562500000e-02, s7;
	s9 =	spop (v2sf)  }
0x1ed: {  	v43 =	vadd.f32 v16, v15;
	v41, _, _ =	vpop (xrf2);
	s0 =	smul.f32 $1.562500000e-02, s9  }
0x1ee: {  	v42 =	vadd.f32 v14, v3;
	(xrf2) =	vadd.scan.msk.f32 $0xffff, v0;
	(v2sf) =	vpush v41, $0xF;
	s10 =	smul.f32 s1, s1;
	_ =	sdelay $0x1  }
0x1ef: {  	v44 =	vadd.f32 v43, v42;
	v45, _, _ =	vpop (xrf2);
	s0 =	ssub.f32 s0, s10  }
0x1f0: {  	(v2sf) =	vpush v45, $0xF;
	v46, _, _ =	vpop (xrf2)  }
0x1f1: {  	(xrf2) =	vadd.scan.msk.f32 $0xffff, v44;
	(v2sf) =	vpush v46, $0xF;
	s0 =	sadd.f32 $9.999999960e-13, s0  }
0x1f2: {  	s10 =	simm.s32 $0x100  }
0x1f3: {  	v47 =	vld [tilespmem:s10+$0x35E0];
	v49, _, _ =	vpop (xrf2);
	s14 =	sshra.s32 s0, $0x1;
	s15 =	smul.f32 $5.000000000e-01, s0  }
0x1f4: {  	v48 =	vld [tilespmem:s10+$0x35F0];
	(v2sf) =	vpush v49, $0xF;
	s16 =	ssub.s32 $0x5F3759DF, s14  }
0x1f5: {  	v3 =	vld [tilespmem:s10+$0x3600];
	s2 =	smul.f32 s16, s15  }
0x1f6: {  	v50 =	vld [tilespmem:s10+$0x3610]  }
0x1f7: {  	v15 =	vld [tilespmem:s10+$0x99E0];
	v14, _, _ =	vpop (xrf2);
	s2 =	smul.f32 s16, s2  }
0x1f8: {  	v18 =	vld [tilespmem:s10+$0x9A10];
	(v2sf) =	vpush v14, $0xF  }
0x1f9: {  	v14 =	vld [tilespmem:s10+$0x99F0];
	s2 =	ssub.f32 $1.500000000e+00, s2  }
0x1fa: {  	v17 =	vld [tilespmem:s10+$0x9A00]  }
0x1fb: {  	v16, _, _ =	vpop (xrf2);
	s17 =	smul.f32 s16, s2  }
0x1fc: {  	s18 =	spop (v2sf);
	(v2sf) =	vpush v16, $0xF  }
0x1fd: {  	v18 =	vadd.f32 v18, v50;
	s0 =	smul.f32 s17, s15  }
0x1fe: {  	v16 =	vadd.f32 v15, v47;
	v15 =	vadd.f32 v14, v48;
	s2 =	smul.f32 $1.562500000e-02, s18  }
0x1ff: {  	v14 =	vadd.f32 v17, v3;
	v3 =	vmul.f32 v18, v18;
	s21 =	spop (v2sf);
	s0 =	smul.f32 s0, s17  }
0x200: {  	v0 =	vmul.f32 v16, v16;
	v1 =	vmul.f32 v15, v15;
	s20 =	smul.f32 s2, s2;
	s24 =	spop (v2sf)  }
0x201: {  	v21 =	vld [tilespmem:s10+$0x3530];
	v51 =	vmul.f32 v14, v14;
	v19 =	vadd.f32 v15, v16;
	v20 =	vadd.f32 v18, v14;
	s16 =	smul.f32 $1.562500000e-02, s24;
	s22 =	ssub.f32 $1.500000000e+00, s0  }
0x202: {  	v53 =	vld [tilespmem:s10+$0x3540];
	v0 =	vadd.f32 v1, v0;
	s0 =	smul.f32 $1.562500000e-02, s21  }
0x203: {  	v23 =	vld [tilespmem:s10+$0x3550];
	v52 =	vadd.f32 v3, v51;
	v3 =	vadd.f32 v20, v19;
	s26 =	spop (v2sf);
	s4 =	smul.f32 s22, s17  }
0x204: {  	v54 =	vld [tilespmem:s10+$0x3560];
	s7 =	smul.f32 $1.562500000e-02, s26  }
0x205: {  	v55 =	vld [tilespmem:s10+$0x3580];
	v0 =	vadd.f32 v52, v0;
	(xrf2) =	vadd.scan.msk.f32 $0xffff, v3;
	s3 =	smul.f32 s4, s15  }
0x206: {  	v24 =	vld [tilespmem:s10+$0x3590];
	s25 =	smul.f32 s0, s0  }
0x207: {  	v25 =	vld [tilespmem:s10+$0x35A0];
	(xrf2) =	vadd.scan.msk.f32 $0xffff, v0;
	s28 =	spop (v2sf);
	s3 =	smul.f32 s3, s4  }
0x208: {  	v26 =	vld [tilespmem:s10+$0x9940];
	s30 =	ssub.f32 s7, s20;
	s9 =	smul.f32 $1.562500000e-02, s28  }
0x209: {  	v27 =	vld [tilespmem:s10+$0x9950];
	s3 =	ssub.f32 $1.500000000e+00, s3  }
0x20a: {  	v56 =	vld [tilespmem:s10+$0x35B0];
	s31 =	smul.f32 s16, s16;
	s6 =	ssub.f32 s9, s25  }
0x20b: {  	v17 =	vld [tilespmem:s10+$0x3520];
	s14 =	spop (v2sf);
	s3 =	smul.f32 s3, s4  }
0x20c: {  	v19 =	vld [tilespmem:s10+$0x9920];
	s7 =	smul.f32 $1.562500000e-02, s14;
	s4 =	sadd.f32 $9.999999960e-13, s30  }
0x20d: {  	v20 =	vld [tilespmem:s10+$0x9930];
	s6 =	sadd.f32 $9.999999960e-13, s6;
	s15 =	smul.f32 s3, s1  }
0x20e: {  	v40 =	vld [tilespmem:s10+$0x35C0];
	s5 =	ssub.f32 s7, s31;
	s18 =	sshra.s32 s4, $0x1;
	s1 =	smul.f32 $5.000000000e-01, s4  }
0x20f: {  	v41 =	vld [tilespmem:s10+$0x35D0];
	v28, _, _ =	vpop (xrf2);
	s20 =	sshra.s32 s6, $0x1;
	s4 =	smul.f32 $5.000000000e-01, s6;
	s7 =	ssub.s32 $0x5F3759DF, s18  }
0x210: {  	v29 =	vld [tilespmem:s10+$0x9970];
	(v2sf) =	vpush v28, $0xF;
	s22 =	ssub.s32 $0x5F3759DF, s20;
	s5 =	sadd.f32 $9.999999960e-13, s5;
	s21 =	smul.f32 s7, s1  }
0x211: {  	v57 =	vld [tilespmem:s10+$0x9980];
	v17 =	vadd.f32 v19, v17;
	v19, _, _ =	vpop (xrf2);
	s24 =	smul.f32 s22, s4  }
0x212: {  	v58 =	vld [tilespmem:s10+$0x99A0];
	v20 =	vadd.f32 v20, v21;
	(v2sf) =	vpush v19, $0xF;
	s25 =	sshra.s32 s5, $0x1;
	s14 =	smul.f32 $5.000000000e-01, s5  }
0x213: {  	v3 =	vld [tilespmem:s10+$0x3570];
	v21 =	vadd.f32 v27, v23;
	v19 =	vadd.f32 v26, v53;
	s28 =	ssub.s32 $0x5F3759DF, s25;
	s26 =	smul.f32 s7, s21  }
0x214: {  	v28 =	vld [tilespmem:s10+$0x9960];
	s18 =	smul.f32 s28, s14  }
0x215: {  	v23 =	vadd.f32 v20, v17;
	v26 =	vld [tilespmem:s10+$0x9990];
	v27 =	vadd.f32 v21, v19;
	s17 =	smul.f32 s22, s24  }
0x216: {  	v48 =	vld [tilespmem:s10+$0x99B0];
	v22 =	vmul.f32 s3, v22;
	s5 =	ssub.f32 $1.500000000e+00, s26;
	s18 =	smul.f32 s28, s18  }
0x217: {  	v50 =	vld [tilespmem:s10+$0x99D0];
	v47 =	vmov s15;
	v23 =	vadd.f32 v27, v23;
	s17 =	ssub.f32 $1.500000000e+00, s17  }
0x218: {  	v27 =	vld [tilespmem:s10+$0x99C0];
	v44 =	vsub.f32 v22, v47;
	s5 =	smul.f32 s7, s5;
	s30 =	ssub.f32 $1.500000000e+00, s18  }
0x219: {  	v22 =	vadd.f32 v28, v54;
	v28 =	vadd.f32 v57, v55;
	(xrf2) =	vadd.scan.msk.f32 $0xffff, v23;
	s31 =	smul.f32 s22, s17  }
0x21a: {  	v23 =	vadd.f32 v29, v3;
	v29 =	vadd.f32 v26, v24;
	s6 =	smul.f32 s28, s30  }
0x21b: {  	v24 =	vadd.f32 v58, v25;
	v25 =	vadd.f32 v48, v56;
	s20 =	smul.f32 s5, s1  }
0x21c: {  	v49 =	vmul.f32 v17, v17;
	v54 =	vadd.f32 v23, v22;
	v55 =	vadd.f32 v29, v28;
	s15 =	smul.f32 s31, s4  }
0x21d: {  	v51 =	vmul.f32 v20, v20;
	v26 =	vadd.f32 v27, v40;
	v27 =	vadd.f32 v50, v41;
	s21 =	smul.f32 s6, s14  }
0x21e: {  	v52 =	vmul.f32 v21, v21;
	v3 =	vmul.f32 v19, v19;
	v58 =	vadd.f32 v25, v24;
	s7 =	smul.f32 s20, s5  }
0x21f: {  	v53 =	vmul.f32 v22, v22;
	v39 =	vadd.f32 v55, v54;
	v46 =	vadd.f32 v27, v26;
	s15 =	smul.f32 s15, s31;
	s22 =	spop (v2sf)  }
0x220: {  	v1 =	vadd.f32 v51, v49;
	v57 =	vmul.f32 v28, v28;
	v56 =	vmul.f32 v23, v23;
	s18 =	smul.f32 $1.562500000e-02, s22  }
0x221: {  	v48 =	vmul.f32 v29, v29;
	v49 =	vmul.f32 v24, v24;
	(xrf2) =	vadd.scan.msk.f32 $0xffff, v39;
	v41 =	vadd.f32 v46, v58;
	s17 =	smul.f32 s21, s6;
	s24 =	spop (v2sf)  }
0x222: {  	v0 =	vadd.f32 v52, v3;
	v3 =	vmul.f32 v25, v25;
	v2 =	vadd.f32 v56, v53;
	s7 =	ssub.f32 $1.500000000e+00, s7;
	s20 =	smul.f32 $1.562500000e-02, s24  }
0x223: {  	v40 =	vadd.f32 v48, v57;
	v50 =	vmul.f32 v26, v26;
	v51 =	vmul.f32 v27, v27;
	s15 =	ssub.f32 $1.500000000e+00, s15;
	(xrf2) =	vadd.scan.msk.f32 $0xffff, v41;
	s25 =	smul.f32 s18, s18;
	v52, _, _ =	vpop (xrf2)  }
0x224: {  	v0 =	vadd.f32 v0, v1;
	s5 =	smul.f32 s7, s5;
	s26 =	ssub.f32 $1.500000000e+00, s17;
	(v2sf) =	vpush v52, $0xF  }
0x225: {  	v53 =	vadd.f32 v3, v49;
	v3 =	vadd.f32 v51, v50;
	s9 =	smul.f32 s15, s31;
	s28 =	ssub.f32 s20, s25  }
0x226: {  	v2 =	vadd.f32 v40, v2;
	s26 =	smul.f32 s26, s6  }
0x227: {  	v54 =	vmul.f32 v44, v63;
	v1 =	vadd.f32 v3, v53;
	(xrf2) =	vadd.scan.msk.f32 $0xffff, v0;
	s31 =	smul.f32 s5, s1;
	s30 =	sadd.f32 $9.999999960e-13, s28  }
0x228: {  	(xrf2) =	vadd.scan.msk.f32 $0xffff, v2;
	s15 =	smul.f32 s9, s4  }
0x229: {  	v0 =	vadd.f32 v54, v7;
	(xrf2) =	vadd.scan.msk.f32 $0xffff, v1;
	s17 =	sshra.s32 s30, $0x1;
	s4 =	smul.f32 $5.000000000e-01, s30  }
0x22a: {  	v3 =	vmul.f32 s3, v31;
	s14 =	smul.f32 s26, s14;
	s20 =	ssub.s32 $0x5F3759DF, s17  }
0x22b: {  	v55 =	vmul.f32 s3, v38;
	v56 =	vmul.f32 s3, v37;
	[tilespmem:s12+$0xFE10] =	vst v0;
	s1 =	simm.s32 $0x200;
	v57, _, _ =	vpop (xrf2);
	s21 =	smul.f32 s20, s4  }
0x22c: {  	v3 =	vsub.f32 v3, v47;
	v44 =	vld [tilespmem:s1+$0x35E0];
	s7 =	smul.f32 s31, s5;
	(v2sf) =	vpush v57, $0xF  }
0x22d: {  	v1 =	vsub.f32 v55, v47;
	v0 =	vsub.f32 v56, v47;
	v45 =	vld [tilespmem:s1+$0x35F0];
	v58, _, _ =	vpop (xrf2);
	s22 =	smul.f32 s20, s21  }
0x22e: {  	v3 =	vmul.f32 v3, v61;
	v46 =	vld [tilespmem:s1+$0x3600];
	s15 =	smul.f32 s15, s9;
	s7 =	ssub.f32 $1.500000000e+00, s7;
	(v2sf) =	vpush v58, $0xF  }
0x22f: {  	v1 =	vmul.f32 v1, v59;
	v47 =	vld [tilespmem:s1+$0x3610];
	v0 =	vmul.f32 v0, v60;
	s24 =	smul.f32 s14, s26;
	s3 =	ssub.f32 $1.500000000e+00, s22  }
0x230: {  	v48 =	vld [tilespmem:s1+$0x99E0];
	v52 =	vadd.f32 v3, v6;
	s25 =	ssub.f32 $1.500000000e+00, s15;
	s29 =	smul.f32 s7, s5  }
0x231: {  	v49 =	vld [tilespmem:s1+$0x99F0];
	s28 =	rddreg [dreg:$0x7];
	v50 =	vadd.f32 v1, v62;
	v54 =	vadd.f32 v0, v5;
	v59, _, _ =	vpop (xrf2);
	s14 =	smul.f32 s20, s3  }
0x232: {  	v53 =	vld [tilespmem:s1+$0x9A00];
	s30 =	sadd.s32 s13, s28;
	(v2sf) =	vpush v59, $0xF;
	v60, _, _ =	vpop (xrf2);
	v31 =	vmul.f32 s29, v30;
	v30 =	vmul.f32 s29, v34;
	s3 =	smul.f32 s25, s9  }
0x233: {  	v55 =	vld [tilespmem:s1+$0x9A10];
	s13 =	sadd.s32 $0x1, s30;
	v34 =	vmul.f32 s29, v32;
	v32 =	vmul.f32 s29, v35;
	(v2sf) =	vpush v60, $0xF;
	v62, _, _ =	vpop (xrf2);
	s15 =	smul.f32 s14, s4;
	s31 =	spop (v2sf)  }
0x234: {  	v37 =	vld [tilespmem:s1+$0x3520];
	s17 =	simm.s32 $0xC00;
	s5 =	ssub.f32 $1.500000000e+00, s24;
	(v2sf) =	vpush v62, $0xF;
	v35 =	vmul.f32 s3, v33;
	v33 =	vmul.f32 s3, v36;
	s22 =	smul.f32 $1.562500000e-02, s31  }
.LBB2_5:
0x235: {  	_ =	sdelay $0x1  }
0x236: {  	s6 =	smul.f32 s15, s14;
	_ =	sdelay $0x1  }
0x237: {  	v0 =	vld [tilespmem:s1+$0x3530];
	[tilespmem:s12+$0xFDE0] =	vst v50;
	s7 =	smul.f32 s22, s22;
	s6 =	ssub.f32 $1.500000000e+00, s6  }
0x238: {  	s25 =	smov.u32 s10;
	s10 =	smov.u32 s1;
	v1 =	vld [tilespmem:s1+$0x3540];
	s1 =	smul.f32 s5, s26  }
0x239: {  	s24 =	smul.f32 s6, s14;
	s9 =	spop (v2sf)  }
0x23a: {  	s28 =	smul.f32 $1.562500000e-02, s9  }
0x23b: {  	s30 =	spop (v2sf);
	s4 =	smul.f32 s24, s4  }
0x23c: {  	v43 =	vmul.f32 s3, v12;
	v12 =	vmovc v28;
	v3 =	vadd.f32 v48, v44;
	v28 =	vadd.f32 v49, v45;
	s26 =	smul.f32 $1.562500000e-02, s30  }
0x23d: {  	v36 =	vadd.f32 v53, v46;
	v38 =	vadd.f32 v55, v47;
	s31 =	smul.f32 s28, s28  }
0x23e: {  	[tilespmem:s12+$0xFDF0] =	vst v54;
	v57 =	vmul.f32 v3, v3;
	v39 =	vadd.f32 v28, v3;
	v58 =	vmul.f32 v28, v28;
	s4 =	smul.f32 s4, s24  }
0x23f: {  	v2 =	vld [tilespmem:s10+$0x3550];
	[tilespmem:s12+$0xFE00] =	vst v52;
	v59 =	vmul.f32 v36, v36;
	v40 =	vadd.f32 v38, v36;
	v60 =	vmul.f32 v38, v38;
	s21 =	smul.f32 s26, s26  }
0x240: {  	v41 =	vmul.f32 s3, v13;
	v13 =	vmovc v29;
	v29 =	vld [tilespmem:s10+$0x3560];
	v44 =	vmul.f32 s1, v11;
	v11 =	vmovc v24;
	v24 =	vadd.f32 v58, v57;
	s4 =	ssub.f32 $1.500000000e+00, s4;
	s14 =	spop (v2sf)  }
0x241: {  	v42 =	vld [tilespmem:s10+$0x3570];
	v39 =	vadd.f32 v40, v39;
	v61 =	vadd.f32 v60, v59;
	s9 =	smul.f32 $1.562500000e-02, s14  }
0x242: {  	v52 =	vld [tilespmem:s10+$0x3580];
	s15 =	spop (v2sf);
	s4 =	smul.f32 s4, s24  }
0x243: {  	v53 =	vld [tilespmem:s10+$0x3590];
	(xrf2) =	vadd.scan.msk.f32 $0xffff, v39;
	v24 =	vadd.f32 v61, v24;
	s20 =	smul.f32 $1.562500000e-02, s15  }
0x244: {  	v62 =	vld [tilespmem:s10+$0x9920];
	s24 =	spop (v2sf);
	s7 =	ssub.f32 s9, s7  }
0x245: {  	v56 =	vld [tilespmem:s10+$0x9970];
	(xrf2) =	vadd.scan.msk.f32 $0xffff, v24;
	s14 =	smul.f32 $1.562500000e-02, s24;
	s6 =	ssub.f32 s20, s31  }
0x246: {  	v61 =	vld [tilespmem:s10+$0x9950];
	s7 =	sadd.f32 $9.999999960e-13, s7  }
0x247: {  	v45 =	vmul.f32 s1, v9;
	v60 =	vld [tilespmem:s10+$0x9930];
	s30 =	smul.f32 s4, s18;
	s5 =	ssub.f32 s14, s21  }
0x248: {  	v24 =	vld [tilespmem:s10+$0x9940];
	v51 =	vmul.f32 s4, v16;
	v48 =	vmul.f32 s4, v15;
	s31 =	smul.f32 s29, s2;
	s6 =	sadd.f32 $9.999999960e-13, s6  }
0x249: {  	v9 =	vmovc v25;
	v25 =	vld [tilespmem:s10+$0x35B0];
	v15 =	vmov v28;
	v49 =	vmul.f32 s4, v14;
	v28 =	vmul.f32 s4, v18;
	s15 =	sshra.s32 s7, $0x1;
	s4 =	smul.f32 $5.000000000e-01, s7;
	s5 =	sadd.f32 $9.999999960e-13, s5  }
0x24a: {  	v46 =	vmul.f32 s1, v10;
	v57 =	vld [tilespmem:s10+$0x9980];
	v37 =	vadd.f32 v62, v37;
	s2 =	smov.u32 s22;
	s18 =	ssub.s32 $0x5F3759DF, s15;
	s22 =	smul.f32 $5.000000000e-01, s6  }
0x24b: {  	v47 =	vmul.f32 s1, v8;
	v58 =	vld [tilespmem:s10+$0x9990];
	v42 =	vadd.f32 v56, v42;
	v39 =	vadd.f32 v61, v2;
	s20 =	sshra.s32 s6, $0x1;
	s21 =	smul.f32 s18, s4  }
0x24c: {  	v16 =	vmovc v3;
	v3 =	vld [tilespmem:s10+$0x9960];
	v14 =	vmovc v36;
	v18 =	vmov v38;
	v36 =	vadd.f32 v60, v0;
	v50 =	vmov s30;
	s9 =	ssub.s32 $0x5F3759DF, s20;
	s29 =	smul.f32 $5.000000000e-01, s5  }
0x24d: {  	v60 =	vld [tilespmem:s10+$0x99B0];
	v38 =	vadd.f32 v24, v1;
	v1 =	vmul.f32 v37, v37;
	v62 =	vsub.f32 v28, v50;
	v55, _, _ =	vpop (xrf2);
	s24 =	sshra.s32 s5, $0x1;
	s14 =	smul.f32 s9, s22  }
0x24e: {  	v54 =	vld [tilespmem:s10+$0x35A0];
	v2 =	vadd.f32 v36, v37;
	v59 =	vmov s31;
	(v2sf) =	vpush v55, $0xF;
	s31 =	ssub.s32 $0x5F3759DF, s24;
	s30 =	smul.f32 s18, s21  }
0x24f: {  	v24 =	vld [tilespmem:s10+$0x99A0];
	v28 =	vadd.f32 v57, v52;
	v30 =	vsub.f32 v30, v59;
	v0 =	vmul.f32 v62, v63;
	v57, _, _ =	vpop (xrf2);
	s15 =	smul.f32 s31, s29  }
0x250: {  	v10 =	vmovc v26;
	v26 =	vld [tilespmem:s10+$0x35C0];
	v56 =	vmul.f32 v39, v39;
	v32 =	vsub.f32 v32, v59;
	(v2sf) =	vpush v57, $0xF;
	s14 =	smul.f32 s9, s14;
	s5 =	ssub.f32 $1.500000000e+00, s30  }
0x251: {  	v8 =	vmovc v27;
	v27 =	vld [tilespmem:s10+$0x35D0];
	v61 =	vmul.f32 v38, v38;
	v40 =	vadd.f32 v3, v29;
	v0 =	vadd.f32 v0, v7;
	s15 =	smul.f32 s31, s15  }
0x252: {  	v3 =	vmul.f32 v36, v36;
	v62 =	vld [tilespmem:s10+$0x99C0];
	v29 =	vadd.f32 v58, v53;
	v25 =	vadd.f32 v60, v25;
	s5 =	smul.f32 s18, s5;
	s18 =	ssub.f32 $1.500000000e+00, s14  }
0x253: {  	v63 =	vld [tilespmem:s10+$0x99D0];
	v53 =	vmul.f32 v42, v42;
	v56 =	vadd.f32 v56, v61;
	s21 =	smul.f32 s3, s0;
	[tilespmem:s25+$0xFE10] =	vst v0;
	v0 =	vadd.f32 v39, v38;
	s20 =	ssub.f32 $1.500000000e+00, s15  }
0x254: {  	v24 =	vadd.f32 v24, v54;
	v54 =	vmul.f32 v28, v28;
	v52 =	vmul.f32 v40, v40;
	s3 =	smul.f32 s9, s18  }
0x255: {  	v55 =	vadd.f32 v42, v40;
	v57 =	vmul.f32 v29, v29;
	v0 =	vadd.f32 v0, v2;
	s14 =	smul.f32 s31, s20  }
0x256: {  	v58 =	vadd.f32 v29, v28;
	v1 =	vadd.f32 v3, v1;
	s24 =	smul.f32 s5, s4  }
0x257: {  	v52 =	vadd.f32 v53, v52;
	v54 =	vadd.f32 v57, v54;
	(xrf2) =	vadd.scan.msk.f32 $0xffff, v0;
	s7 =	smul.f32 s3, s22  }
0x258: {  	v60 =	vmul.f32 v24, v24;
	s0 =	smov.u32 s28;
	v26 =	vadd.f32 v62, v26;
	v27 =	vadd.f32 v63, v27;
	s28 =	smul.f32 s14, s29  }
0x259: {  	v1 =	vadd.f32 v56, v1;
	v62 =	vadd.f32 v25, v24;
	v63 =	vmul.f32 v25, v25;
	s6 =	smul.f32 s24, s5  }
0x25a: {  	v2 =	vadd.f32 v58, v55;
	v55 =	vmul.f32 v26, v26;
	v3 =	vmul.f32 v27, v27;
	s7 =	smul.f32 s7, s3  }
0x25b: {  	s1 =	smul.f32 s1, s16;
	v52 =	vadd.f32 v54, v52;
	v58 =	vadd.f32 v27, v26;
	s6 =	ssub.f32 $1.500000000e+00, s6  }
0x25c: {  	v57 =	vadd.f32 v63, v60;
	v0 =	vmov s21;
	v3 =	vadd.f32 v3, v55;
	s9 =	smul.f32 s28, s14;
	s7 =	ssub.f32 $1.500000000e+00, s7  }
0x25d: {  	v61 =	vld [tilespmem:$0x1FFE0];
	v53 =	vadd.f32 v58, v62;
	(xrf2) =	vadd.scan.msk.f32 $0xffff, v2;
	v56 =	vsub.f32 v35, v0;
	s30 =	spop (v2sf);
	s5 =	smul.f32 s6, s5  }
0x25e: {  	v60 =	vld [tilespmem:$0x1FFD0];
	v33 =	vsub.f32 v33, v0;
	v2 =	vadd.f32 v3, v57;
	s18 =	smul.f32 $1.562500000e-02, s30  }
0x25f: {  	v3 =	vsub.f32 v31, v59;
	v31 =	vsub.f32 v34, v59;
	v59 =	vld [tilespmem:$0x1FFC0];
	s31 =	spop (v2sf);
	s3 =	smul.f32 s7, s3  }
0x260: {  	v35 =	vsub.f32 v43, v0;
	v43 =	vsub.f32 v51, v50;
	(xrf2) =	vadd.scan.msk.f32 $0xffff, v53;
	s9 =	ssub.f32 $1.500000000e+00, s9;
	s20 =	smul.f32 $1.562500000e-02, s31  }
0x261: {  	v32 =	vmul.f32 v32, v4;
	v62 =	vld [tilespmem:$0x1FFF0];
	v0 =	vsub.f32 v41, v0;
	v55 =	vsub.f32 v48, v50;
	s21 =	smul.f32 s18, s18;
	v54, _, _ =	vpop (xrf2)  }
0x262: {  	s16 =	smov.u32 s26;
	v57 =	vmov s1;
	v35 =	vmul.f32 v35, v61;
	s26 =	smul.f32 s9, s14;
	(v2sf) =	vpush v54, $0xF  }
0x263: {  	v30 =	vmul.f32 v30, v60;
	(xrf2) =	vadd.scan.msk.f32 $0xffff, v1;
	v58 =	vsub.f32 v44, v57;
	v53 =	vsub.f32 v45, v57;
	s6 =	smul.f32 s5, s4;
	s1 =	ssub.f32 s20, s21  }
0x264: {  	v46 =	vsub.f32 v46, v57;
	v31 =	vmul.f32 v31, v61;
	v3 =	vmul.f32 v3, v59;
	s7 =	smul.f32 s3, s22  }
0x265: {  	v30 =	vadd.f32 v30, v5;
	v34 =	vmul.f32 v56, v59;
	v56 =	vsub.f32 v49, v50;
	s14 =	smul.f32 s26, s29;
	s1 =	sadd.f32 $9.999999960e-13, s1  }
0x266: {  	v0 =	vmul.f32 v0, v4;
	v41 =	vsub.f32 v47, v57;
	(xrf2) =	vadd.scan.msk.f32 $0xffff, v52;
	v3 =	vadd.f32 v3, v62;
	s6 =	smul.f32 s6, s5  }
0x267: {  	[tilespmem:s12+$0xFD30] =	vst v30;
	v52 =	vmul.f32 v56, v61;
	v56 =	vadd.f32 v31, v6;
	v57, _, _ =	vpop (xrf2);
	(xrf2) =	vadd.scan.msk.f32 $0xffff, v2;
	s24 =	sshra.s32 s1, $0x1;
	s4 =	smul.f32 $5.000000000e-01, s1  }
0x268: {  	v33 =	vmul.f32 v33, v60;
	v51 =	vmul.f32 v55, v60;
	[tilespmem:s12+$0xFD20] =	vst v3;
	v3 =	vadd.f32 v32, v7;
	s7 =	smul.f32 s7, s3;
	s9 =	ssub.s32 $0x5F3759DF, s24  }
0x269: {  	v0 =	vadd.f32 v0, v7;
	v1 =	vmul.f32 v58, v59;
	v30 =	vadd.f32 v34, v62;
	[tilespmem:s12+$0xFD40] =	vst v56;
	s1 =	sshra.s32 s17, $0x2;
	s28 =	smul.f32 s9, s4  }
0x26a: {  	v49 =	vmul.f32 v46, v61;
	(v2sf) =	vpush v57, $0xF;
	v57 =	vadd.f32 v33, v5;
	v58, _, _ =	vpop (xrf2);
	s6 =	ssub.f32 $1.500000000e+00, s6;
	s20 =	smul.f32 s14, s26;
	v44 =	vld [tilespmem:s1+$0x35E0];
	[tilespmem:s12+$0xFD50] =	vst v3  }
0x26b: {  	v48 =	vmul.f32 v53, v60;
	(v2sf) =	vpush v58, $0xF;
	v58 =	vadd.f32 v35, v6;
	s30 =	ssub.f32 $1.500000000e+00, s7;
	v45 =	vld [tilespmem:s1+$0x35F0];
	[tilespmem:s12+$0xFD60] =	vst v30;
	s15 =	smul.f32 s9, s28  }
0x26c: {  	v1 =	vadd.f32 v1, v62;
	v2 =	vmul.f32 v43, v59;
	v43 =	vadd.f32 v49, v6;
	s29 =	smul.f32 s6, s5;
	v46 =	vld [tilespmem:s1+$0x3600];
	[tilespmem:s12+$0xFD70] =	vst v57  }
0x26d: {  	p1 =	sne.s32 s17, $0xC400;
	v41 =	vmul.f32 v41, v4;
	v54 =	vadd.f32 v51, v5;
	v52 =	vadd.f32 v52, v6;
	v31, _, _ =	vpop (xrf2);
	s3 =	smul.f32 s30, s3;
	v47 =	vld [tilespmem:s1+$0x3610];
	[tilespmem:s12+$0xFD80] =	vst v58;
	s15 =	ssub.f32 $1.500000000e+00, s15  }
.Ltmp3:
0x26e: {  	(v2sf) =	vpush v31, $0xF;
	v3 =	vadd.f32 v48, v5;
	v31 =	vmul.f32 s29, v17;
	v48 =	vld [tilespmem:s1+$0x99E0];
	[tilespmem:s12+$0xFD90] =	vst v0;
	(pc) =	sbr.rel @p1 .LBB2_5-.Ltmp3, $4  }
0x26f: {  	v63 =	vmovc v4;
	v50 =	vadd.f32 v2, v62;
	v17 =	vmovc v37;
	v34 =	vmul.f32 s29, v19;
	v32 =	vmul.f32 s29, v21;
	v49 =	vld [tilespmem:s1+$0x99F0];
	[tilespmem:s12+$0xFDA0] =	vst v1;
	s14 =	smul.f32 s9, s15  }
0x270: {  	s5 =	ssub.f32 $1.500000000e+00, s20;
	v19 =	vmov v38;
	v21 =	vmov v39;
	v57 =	vadd.f32 v41, v7;
	v30, _, _ =	vpop (xrf2);
	v53 =	vld [tilespmem:s1+$0x9A00];
	[tilespmem:s12+$0xFDB0] =	vst v3  }
0x271: {  	v35 =	vmul.f32 s3, v22;
	v33 =	vmul.f32 s3, v23;
	(v2sf) =	vpush v30, $0xF;
	v58, _, _ =	vpop (xrf2);
	v55 =	vld [tilespmem:s1+$0x9A10];
	[tilespmem:s12+$0xFDC0] =	vst v43;
	s15 =	smul.f32 s14, s4;
	s31 =	spop (v2sf)  }
0x272: {  	s17 =	sadd.s32 $0x400, s17;
	v22 =	vmovc v40;
	v23 =	vmovc v42;
	v30 =	vmul.f32 s29, v20;
	v20 =	vmov v36;
	v37 =	vld [tilespmem:s1+$0x3520];
	[tilespmem:s12+$0xFDD0] =	vst v57;
	s12 =	smov.u32 s25;
	(v2sf) =	vpush v58, $0xF;
	s22 =	smul.f32 $1.562500000e-02, s31  }
0x273: {  	s6 =	smul.f32 s15, s14;
	_ =	sdelay $0x1  }
0x274: {  	s26 =	smul.f32 s5, s26;
	s6 =	ssub.f32 $1.500000000e+00, s6  }
0x275: {  	s29 =	smul.f32 s29, s2  }
0x276: {  	s20 =	smul.f32 s6, s14  }
0x277: {  	s7 =	smul.f32 s22, s22  }
0x278: {  	v0 =	vld [tilespmem:s1+$0x3530];
	[tilespmem:s12+$0xFDE0] =	vst v50;
	v51 =	vadd.f32 v48, v44;
	v50 =	vadd.f32 v49, v45;
	s9 =	spop (v2sf);
	s4 =	smul.f32 s20, s4  }
0x279: {  	v1 =	vld [tilespmem:s1+$0x3540];
	[tilespmem:s12+$0xFDF0] =	vst v54;
	v44 =	vadd.f32 v53, v46;
	v49 =	vadd.f32 v55, v47;
	s25 =	smul.f32 $1.562500000e-02, s9;
	s21 =	spop (v2sf)  }
0x27a: {  	v2 =	vld [tilespmem:s1+$0x3550];
	v3 =	vmul.f32 v51, v51;
	[tilespmem:s12+$0xFE00] =	vst v52;
	v36 =	vmul.f32 v50, v50;
	v40 =	vadd.f32 v50, v51;
	s17 =	smul.f32 $1.562500000e-02, s21  }
0x27b: {  	v41 =	vld [tilespmem:s1+$0x3560];
	v38 =	vmul.f32 v44, v44;
	v39 =	vmul.f32 v49, v49;
	v42 =	vadd.f32 v49, v44;
	s4 =	smul.f32 s4, s20  }
0x27c: {  	v47 =	vld [tilespmem:s1+$0x3570];
	v3 =	vadd.f32 v36, v3;
	s24 =	smul.f32 s25, s25;
	s28 =	spop (v2sf)  }
0x27d: {  	v52 =	vld [tilespmem:s1+$0x3590];
	v56 =	vadd.f32 v39, v38;
	v57 =	vadd.f32 v42, v40;
	s9 =	smul.f32 $1.562500000e-02, s28  }
0x27e: {  	v53 =	vld [tilespmem:s1+$0x35D0];
	s4 =	ssub.f32 $1.500000000e+00, s4;
	s31 =	smul.f32 s17, s17  }
0x27f: {  	v58 =	vld [tilespmem:s1+$0x9920];
	v3 =	vadd.f32 v56, v3;
	(xrf2) =	vadd.scan.msk.f32 $0xffff, v57;
	s30 =	spop (v2sf);
	s7 =	ssub.f32 s9, s7  }
0x280: {  	v43 =	vld [tilespmem:s1+$0x9940];
	s14 =	smul.f32 $1.562500000e-02, s30;
	s15 =	spop (v2sf)  }
0x281: {  	v45 =	vld [tilespmem:s1+$0x9950];
	(xrf2) =	vadd.scan.msk.f32 $0xffff, v3;
	s9 =	smul.f32 $1.562500000e-02, s15;
	s7 =	sadd.f32 $9.999999960e-13, s7  }
0x282: {  	v46 =	vld [tilespmem:s1+$0x9960];
	s4 =	smul.f32 s4, s20;
	s6 =	ssub.f32 s14, s24  }
0x283: {  	v48 =	vld [tilespmem:s1+$0x9970];
	s5 =	ssub.f32 s9, s31;
	s20 =	sshra.s32 s7, $0x1;
	s2 =	smul.f32 $5.000000000e-01, s7  }
0x284: {  	v54 =	vld [tilespmem:s1+$0x9980];
	s28 =	smul.f32 s4, s18;
	s6 =	sadd.f32 $9.999999960e-13, s6;
	s7 =	ssub.s32 $0x5F3759DF, s20  }
0x285: {  	v36 =	vld [tilespmem:s1+$0x35A0];
	s24 =	smul.f32 s7, s2;
	s5 =	sadd.f32 $9.999999960e-13, s5  }
0x286: {  	v38 =	vld [tilespmem:s1+$0x3580];
	s14 =	smul.f32 $5.000000000e-01, s6  }
0x287: {  	v42 =	vld [tilespmem:s1+$0x9930];
	s21 =	sshra.s32 s6, $0x1;
	s31 =	sshra.s32 s5, $0x1;
	s5 =	smul.f32 $5.000000000e-01, s5  }
0x288: {  	v39 =	vld [tilespmem:s1+$0x35B0];
	s9 =	ssub.s32 $0x5F3759DF, s21;
	s6 =	smul.f32 s7, s24  }
0x289: {  	v40 =	vadd.f32 v58, v37;
	v37 =	vld [tilespmem:s1+$0x9990];
	v55, _, _ =	vpop (xrf2);
	s30 =	smul.f32 s9, s14;
	s18 =	ssub.s32 $0x5F3759DF, s31  }
0x28a: {  	v43 =	vadd.f32 v43, v1;
	v1 =	vld [tilespmem:s1+$0x99B0];
	(v2sf) =	vpush v55, $0xF;
	s20 =	smul.f32 s18, s5  }
0x28b: {  	v45 =	vadd.f32 v45, v2;
	v3 =	vld [tilespmem:s1+$0x35C0];
	v56, _, _ =	vpop (xrf2);
	s6 =	ssub.f32 $1.500000000e+00, s6;
	s15 =	smul.f32 s9, s30  }
0x28c: {  	v42 =	vadd.f32 v42, v0;
	v0 =	vld [tilespmem:s1+$0x99A0];
	(v2sf) =	vpush v56, $0xF;
	s20 =	smul.f32 s18, s20  }
0x28d: {  	v46 =	vadd.f32 v46, v41;
	v47 =	vadd.f32 v48, v47;
	v55 =	vld [tilespmem:s1+$0x99C0];
	s6 =	smul.f32 s7, s6  }
0x28e: {  	v48 =	vadd.f32 v54, v38;
	v41 =	vadd.f32 v37, v52;
	v56 =	vld [tilespmem:s1+$0x99D0];
	s30 =	smul.f32 s3, s0;
	s15 =	ssub.f32 $1.500000000e+00, s15  }
0x28f: {  	v57 =	vadd.f32 v45, v43;
	v2 =	vadd.f32 v42, v40;
	s20 =	ssub.f32 $1.500000000e+00, s20;
	s21 =	smul.f32 s6, s2  }
0x290: {  	v52 =	vadd.f32 v47, v46;
	v54 =	vadd.f32 v41, v48;
	s0 =	smul.f32 s9, s15  }
0x291: {  	v38 =	vadd.f32 v1, v39;
	v58 =	vadd.f32 v57, v2;
	s7 =	smul.f32 s18, s20  }
0x292: {  	v2 =	vmul.f32 v42, v42;
	v37 =	vadd.f32 v0, v36;
	v1 =	vadd.f32 v54, v52;
	s9 =	smul.f32 s21, s6  }
0x293: {  	v0 =	vmul.f32 v40, v40;
	(xrf2) =	vadd.scan.msk.f32 $0xffff, v58;
	v39 =	vadd.f32 v55, v3;
	v36 =	vadd.f32 v56, v53;
	s24 =	smul.f32 s0, s14  }
0x294: {  	v54 =	vmul.f32 v45, v45;
	v52 =	vmul.f32 v48, v48;
	s18 =	smul.f32 s7, s5  }
0x295: {  	(xrf2) =	vadd.scan.msk.f32 $0xffff, v1;
	v3 =	vadd.f32 v38, v37;
	v53 =	vmul.f32 v43, v43;
	v57 =	vadd.f32 v36, v39;
	s9 =	ssub.f32 $1.500000000e+00, s9;
	s15 =	smul.f32 s24, s0  }
0x296: {  	v0 =	vadd.f32 v2, v0;
	v1 =	vmul.f32 v46, v46;
	v55 =	vmul.f32 v47, v47;
	s20 =	smul.f32 s18, s7  }
0x297: {  	v56 =	vmul.f32 v41, v41;
	v58 =	vadd.f32 v54, v53;
	v3 =	vadd.f32 v57, v3;
	s6 =	smul.f32 s9, s6  }
0x298: {  	v1 =	vadd.f32 v55, v1;
	v53 =	vmul.f32 v38, v38;
	s9 =	ssub.f32 $1.500000000e+00, s15;
	s15 =	smul.f32 s26, s16  }
0x299: {  	v52 =	vadd.f32 v56, v52;
	v57 =	vmul.f32 v39, v39;
	v0 =	vadd.f32 v58, v0;
	(xrf2) =	vadd.scan.msk.f32 $0xffff, v3;
	s31 =	spop (v2sf);
	s2 =	smul.f32 s6, s2  }
0x29a: {  	v58 =	vmul.f32 v36, v36;
	v3 =	vmul.f32 v37, v37;
	s18 =	smul.f32 $1.562500000e-02, s31  }
0x29b: {  	v1 =	vadd.f32 v52, v1;
	(xrf2) =	vadd.scan.msk.f32 $0xffff, v0;
	s0 =	smul.f32 s9, s0;
	s21 =	spop (v2sf)  }
0x29c: {  	v2 =	vadd.f32 v58, v57;
	v3 =	vadd.f32 v53, v3;
	s20 =	ssub.f32 $1.500000000e+00, s20;
	s21 =	smul.f32 $1.562500000e-02, s21  }
0x29d: {  	v52, _, _ =	vpop (xrf2);
	(xrf2) =	vadd.scan.msk.f32 $0xffff, v1;
	s24 =	smul.f32 s18, s18  }
0x29e: {  	(v2sf) =	vpush v52, $0xF;
	v53 =	vadd.f32 v2, v3;
	s7 =	smul.f32 s20, s7  }
0x29f: {  	v54, _, _ =	vpop (xrf2);
	s2 =	smul.f32 s2, s6;
	s31 =	ssub.f32 s21, s24  }
0x2a0: {  	(v2sf) =	vpush v54, $0xF;
	s14 =	smul.f32 s0, s14;
	(xrf2) =	vadd.scan.msk.f32 $0xffff, v53  }
0x2a1: {  	s5 =	smul.f32 s7, s5;
	s16 =	sadd.f32 $9.999999960e-13, s31  }
0x2a2: {  	s14 =	smul.f32 s14, s0  }
0x2a3: {  	v9 =	vmul.f32 s26, v9;
	v10 =	vmul.f32 s26, v10;
	v55, _, _ =	vpop (xrf2);
	s20 =	sshra.s32 s16, $0x1;
	s9 =	smul.f32 $5.000000000e-01, s16  }
0x2a4: {  	v8 =	vmul.f32 s26, v8;
	v52 =	vmov s29;
	s24 =	smul.f32 s5, s7;
	s14 =	ssub.f32 $1.500000000e+00, s14;
	(v2sf) =	vpush v55, $0xF;
	s16 =	ssub.s32 $0x5F3759DF, s20  }
0x2a5: {  	v0 =	vmul.f32 s3, v12;
	v54 =	vsub.f32 v31, v52;
	v12 =	vsub.f32 v32, v52;
	v56, _, _ =	vpop (xrf2);
	s21 =	smul.f32 s16, s9  }
0x2a6: {  	v2 =	vmul.f32 s26, v11;
	v53 =	vmul.f32 s4, v16;
	s31 =	smul.f32 s14, s0;
	s0 =	ssub.f32 $1.500000000e+00, s24;
	(v2sf) =	vpush v56, $0xF  }
0x2a7: {  	s2 =	ssub.f32 $1.500000000e+00, s2;
	v55 =	vsub.f32 v30, v52;
	v57, _, _ =	vpop (xrf2);
	v56 =	vsub.f32 v34, v52;
	v52 =	vmov s15;
	s20 =	smul.f32 s16, s21  }
0x2a8: {  	(v2sf) =	vpush v57, $0xF;
	s14 =	smul.f32 s0, s7;
	v57 =	vmov s30;
	v2 =	vsub.f32 v2, v52  }
0x2a9: {  	v16 =	vmul.f32 v54, v59;
	s5 =	smul.f32 s2, s6;
	v9 =	vsub.f32 v9, v52;
	v33 =	vsub.f32 v33, v57;
	s20 =	ssub.f32 $1.500000000e+00, s20  }
0x2aa: {  	v10 =	vsub.f32 v10, v52;
	v8 =	vsub.f32 v8, v52;
	s25 =	smul.f32 s31, s25;
	v34 =	vmul.f32 s14, v25;
	v58, _, _ =	vpop (xrf2)  }
0x2ab: {  	v52 =	vmul.f32 s14, v27;
	v54 =	vmul.f32 v33, v60;
	(v2sf) =	vpush v58, $0xF;
	s6 =	smul.f32 s16, s20  }
0x2ac: {  	v33 =	vmul.f32 s14, v24;
	v58 =	vsub.f32 v35, v57;
	v35 =	vmul.f32 s14, v26;
	s14 =	smul.f32 s14, s17  }
0x2ad: {  	s16 =	spop (v2sf);
	s20 =	smul.f32 s6, s9  }
0x2ae: {  	s16 =	smul.f32 $1.562500000e-02, s16  }
0x2af: {  	s21 =	spop (v2sf);
	s24 =	smul.f32 s20, s6  }
0x2b0: {  	s2 =	smul.f32 $1.562500000e-02, s21  }
0x2b1: {  	s20 =	smul.f32 s16, s16;
	s24 =	ssub.f32 $1.500000000e+00, s24  }
0x2b2: {  	v1 =	vmul.f32 s3, v13;
	s3 =	smul.f32 s2, s2  }
0x2b3: {  	s7 =	spop (v2sf);
	s6 =	smul.f32 s24, s6  }
0x2b4: {  	s0 =	smul.f32 $1.562500000e-02, s7  }
0x2b5: {  	s24 =	spop (v2sf);
	s21 =	smul.f32 s6, s9  }
0x2b6: {  	s9 =	smul.f32 $1.562500000e-02, s24  }
0x2b7: {  	v11 =	vmov s28;
	s28 =	spop (v2sf);
	s7 =	smul.f32 s21, s6  }
0x2b8: {  	s21 =	smul.f32 $1.562500000e-02, s28;
	s9 =	ssub.f32 s9, s20  }
0x2b9: {  	v3 =	vmul.f32 s4, v18;
	s29 =	smul.f32 s0, s0;
	s7 =	ssub.f32 $1.500000000e+00, s7  }
0x2ba: {  	s30 =	spop (v2sf);
	s3 =	ssub.f32 s21, s3  }
0x2bb: {  	v15 =	vmul.f32 s4, v15;
	v12 =	vmul.f32 v12, v63;
	v3 =	vsub.f32 v3, v11;
	s24 =	smul.f32 $1.562500000e-02, s30;
	s9 =	sadd.f32 $9.999999960e-13, s9  }
0x2bc: {  	v14 =	vmul.f32 s4, v14;
	s21 =	smul.f32 s5, s22;
	s3 =	sadd.f32 $9.999999960e-13, s3  }
0x2bd: {  	v15 =	vsub.f32 v15, v11;
	v12 =	vadd.f32 v12, v7;
	v3 =	vmul.f32 v3, v63;
	s15 =	smul.f32 s7, s6;
	s20 =	ssub.f32 s24, s29;
	s22 =	sshra.s32 s9, $0x1  }
0x2be: {  	v13 =	vsub.f32 v53, v11;
	v11 =	vsub.f32 v14, v11;
	v14 =	vmul.f32 s5, v17;
	s4 =	smul.f32 $5.000000000e-01, s9;
	s7 =	ssub.s32 $0x5F3759DF, s22  }
0x2bf: {  	v16 =	vadd.f32 v16, v62;
	v17 =	vmul.f32 s5, v20;
	v19 =	vmul.f32 s5, v19;
	s22 =	smul.f32 $5.000000000e-01, s3;
	s6 =	sadd.f32 $9.999999960e-13, s20  }
0x2c0: {  	v3 =	vadd.f32 v3, v7;
	v18 =	vmul.f32 v55, v60;
	v55 =	vmul.f32 s5, v21;
	s9 =	smul.f32 s7, s4  }
0x2c1: {  	v0 =	vsub.f32 v0, v57;
	v30 =	vmul.f32 v56, v61;
	v2 =	vmul.f32 v2, v59;
	s24 =	sshra.s32 s3, $0x1;
	s3 =	smul.f32 $5.000000000e-01, s6  }
0x2c2: {  	v1 =	vsub.f32 v1, v57;
	v9 =	vmul.f32 v9, v60;
	v53 =	vmul.f32 v58, v59;
	s20 =	ssub.s32 $0x5F3759DF, s24;
	s6 =	sshra.s32 s6, $0x1;
	s9 =	smul.f32 s7, s9  }
0x2c3: {  	v18 =	vadd.f32 v18, v5;
	v10 =	vmul.f32 v10, v61;
	v0 =	vmul.f32 v0, v61;
	s26 =	smul.f32 s20, s22;
	s6 =	ssub.s32 $0x5F3759DF, s6  }
0x2c4: {  	v8 =	vmul.f32 v8, v63;
	v56 =	vadd.f32 v30, v6;
	v57 =	vadd.f32 v53, v62;
	s28 =	smul.f32 s6, s3;
	s29 =	ssub.f32 $1.500000000e+00, s9  }
0x2c5: {  	[tilespmem:s10+$0xFE10] =	vst v3;
	v1 =	vmul.f32 v1, v63;
	v2 =	vadd.f32 v2, v62;
	v0 =	vadd.f32 v0, v6;
	s30 =	smul.f32 s20, s26  }
0x2c6: {  	v3 =	vadd.f32 v9, v5;
	v32 =	vadd.f32 v10, v6;
	[tilespmem:s12+$0xFD60] =	vst v57;
	v57 =	vmov s14;
	s5 =	smul.f32 s7, s29  }
0x2c7: {  	v8 =	vadd.f32 v8, v7;
	[tilespmem:s12+$0xFD80] =	vst v0;
	v0 =	vsub.f32 v35, v57;
	s24 =	smul.f32 s6, s28;
	s9 =	ssub.f32 $1.500000000e+00, s30  }
0x2c8: {  	v22 =	vmul.f32 s31, v22;
	v1 =	vadd.f32 v1, v7;
	v58 =	vadd.f32 v54, v5;
	s28 =	smul.f32 s15, s18  }
0x2c9: {  	v9 =	vsub.f32 v33, v57;
	v35 =	vmul.f32 v13, v59;
	v0 =	vmul.f32 v0, v61;
	s26 =	smul.f32 s20, s9;
	s7 =	ssub.f32 $1.500000000e+00, s24  }
0x2ca: {  	v23 =	vmul.f32 s31, v23;
	[tilespmem:s12+$0xFD20] =	vst v16;
	v24 =	vsub.f32 v34, v57;
	v30 =	vsub.f32 v52, v57;
	s29 =	smul.f32 s5, s4  }
0x2cb: {  	[tilespmem:s12+$0xFDA0] =	vst v2;
	v2 =	vadd.f32 v35, v62;
	v0 =	vadd.f32 v0, v6;
	v53 =	vmov s21;
	s6 =	smul.f32 s6, s7  }
0x2cc: {  	v28 =	vmul.f32 s31, v28;
	[tilespmem:s12+$0xFD50] =	vst v12;
	v14 =	vsub.f32 v14, v53;
	v17 =	vsub.f32 v17, v53;
	s30 =	smul.f32 s26, s22  }
0x2cd: {  	v29 =	vmul.f32 s31, v29;
	[tilespmem:s12+$0xFD30] =	vst v18;
	v19 =	vsub.f32 v19, v53;
	v20 =	vsub.f32 v55, v53;
	s7 =	smul.f32 s29, s5  }
0x2ce: {  	[tilespmem:s12+$0xFD40] =	vst v56;
	v55 =	vmov s25;
	v54 =	vmul.f32 s15, v51;
	v56 =	vmul.f32 s15, v50;
	s31 =	smul.f32 s6, s3  }
0x2cf: {  	[tilespmem:s12+$0xFD70] =	vst v58;
	v22 =	vsub.f32 v22, v55;
	v23 =	vsub.f32 v23, v55;
	v58 =	vmul.f32 s15, v49;
	s20 =	smul.f32 s30, s26  }
0x2d0: {  	[tilespmem:s12+$0xFDB0] =	vst v3;
	v26 =	vsub.f32 v28, v55;
	v33 =	vmul.f32 s15, v44;
	v31 =	vmov s28;
	s7 =	ssub.f32 $1.500000000e+00, s7  }
0x2d1: {  	[tilespmem:s12+$0xFDC0] =	vst v32;
	v49 =	vmul.f32 v15, v60;
	v50 =	vmul.f32 v11, v61;
	v34 =	vsub.f32 v58, v31;
	s21 =	smul.f32 s31, s6;
	s9 =	ssub.f32 $1.500000000e+00, s20  }
0x2d2: {  	[tilespmem:s12+$0xFDD0] =	vst v8;
	v21 =	vsub.f32 v29, v55;
	v52 =	vmul.f32 v14, v59;
	v53 =	vmul.f32 v17, v60;
	s7 =	smul.f32 s7, s5  }
0x2d3: {  	[tilespmem:s12+$0xFD90] =	vst v1;
	v55 =	vmul.f32 v20, v63;
	v8 =	vadd.f32 v49, v5;
	v51 =	vmul.f32 v34, v63;
	s9 =	smul.f32 s9, s26  }
0x2d4: {  	[tilespmem:s10+$0xFDE0] =	vst v2;
	v1 =	vadd.f32 v50, v6;
	v57 =	vmul.f32 v23, v60;
	v10 =	vadd.f32 v52, v62;
	s4 =	smul.f32 s7, s4  }
0x2d5: {  	v23 =	vmul.f32 v24, v60;
	v14 =	vadd.f32 v53, v5;
	[tilespmem:s10+$0xFDF0] =	vst v8;
	v8 =	vadd.f32 v51, v7;
	s14 =	ssub.f32 $1.500000000e+00, s21;
	s25 =	smul.f32 s9, s22  }
0x2d6: {  	v24 =	vadd.f32 v55, v7;
	[tilespmem:s10+$0xFE00] =	vst v1;
	v44 =	vsub.f32 v54, v31;
	v54 =	vmul.f32 v19, v61;
	s4 =	smul.f32 s4, s7  }
0x2d7: {  	v25 =	vadd.f32 v57, v5;
	v12 =	vsub.f32 v56, v31;
	v56 =	vmul.f32 v22, v59;
	[tilespmem:s1+$0xFE10] =	vst v8;
	s24 =	smul.f32 s14, s6  }
0x2d8: {  	v58 =	vmul.f32 v26, v61;
	v22 =	vmul.f32 v21, v63;
	v2 =	vadd.f32 v54, v6;
	[tilespmem:s10+$0xFD20] =	vst v10;
	s6 =	smul.f32 s25, s9;
	s4 =	ssub.f32 $1.500000000e+00, s4  }
0x2d9: {  	v3 =	vsub.f32 v33, v31;
	v13 =	vmul.f32 v44, v59;
	v11 =	vadd.f32 v56, v62;
	[tilespmem:s10+$0xFD30] =	vst v14;
	s3 =	smul.f32 s24, s3  }
0x2da: {  	v26 =	vmul.f32 v30, v63;
	v1 =	vadd.f32 v58, v6;
	v27 =	vadd.f32 v22, v7;
	[tilespmem:s10+$0xFD40] =	vst v2;
	s6 =	ssub.f32 $1.500000000e+00, s6;
	s4 =	smul.f32 s4, s7  }
0x2db: {  	v28 =	vmul.f32 v12, v60;
	v13 =	vadd.f32 v13, v62;
	v8 =	vmul.f32 v9, v59;
	[tilespmem:s10+$0xFD50] =	vst v24;
	s3 =	smul.f32 s3, s24  }
0x2dc: {  	v9 =	vadd.f32 v23, v5;
	[tilespmem:s10+$0xFD60] =	vst v11;
	s6 =	smul.f32 s6, s9;
	v29 =	vmul.f32 s4, v40;
	v30 =	vmul.f32 s4, v42  }
0x2dd: {  	[tilespmem:s10+$0xFD70] =	vst v25;
	v2 =	vadd.f32 v26, v7;
	s7 =	smul.f32 s4, s16;
	v31 =	vmul.f32 s4, v43;
	v32 =	vmul.f32 s4, v45  }
0x2de: {  	[tilespmem:s10+$0xFD80] =	vst v1;
	v8 =	vadd.f32 v8, v62;
	s3 =	ssub.f32 $1.500000000e+00, s3;
	v45 =	vmul.f32 v3, v61;
	v33 =	vmul.f32 s6, v46  }
0x2df: {  	[tilespmem:s10+$0xFD90] =	vst v27;
	v34 =	vmul.f32 s6, v47;
	v35 =	vmov s7;
	v47 =	vadd.f32 v28, v5  }
0x2e0: {  	[tilespmem:s10+$0xFDC0] =	vst v0;
	v40 =	vmul.f32 s6, v48;
	s26 =	smul.f32 s3, s24;
	v0 =	vadd.f32 v45, v6;
	v11 =	vsub.f32 v29, v35  }
0x2e1: {  	[tilespmem:s10+$0xFDA0] =	vst v8;
	s2 =	smul.f32 s6, s2;
	v44 =	vmul.f32 s6, v41;
	v12 =	vsub.f32 v30, v35;
	v8 =	vsub.f32 v31, v35  }
0x2e2: {  	[tilespmem:s10+$0xFDB0] =	vst v9;
	v42 =	vsub.f32 v32, v35;
	v49 =	vmul.f32 s26, v37;
	v50 =	vmul.f32 s26, v38  }
0x2e3: {  	[tilespmem:s10+$0xFDD0] =	vst v2;
	v43 =	vmov s2;
	v51 =	vmul.f32 s26, v39;
	v48 =	vmul.f32 v11, v59  }
0x2e4: {  	[tilespmem:s1+$0xFDE0] =	vst v13;
	v53 =	vmul.f32 s26, v36;
	v1 =	vsub.f32 v33, v43;
	v12 =	vmul.f32 v12, v60  }
0x2e5: {  	[tilespmem:s1+$0xFDF0] =	vst v47;
	v3 =	vsub.f32 v34, v43;
	v8 =	vmul.f32 v8, v61;
	v10 =	vadd.f32 v48, v62  }
0x2e6: {  	[tilespmem:s1+$0xFE00] =	vst v0;
	s0 =	smul.f32 s26, s0;
	v15 =	vsub.f32 v40, v43;
	v52 =	vmul.f32 v42, v63;
	v12 =	vadd.f32 v12, v5  }
0x2e7: {  	v46 =	vsub.f32 v44, v43;
	v1 =	vmul.f32 v1, v59;
	v8 =	vadd.f32 v8, v6;
	[tilespmem:s1+$0xFD20] =	vst v10  }
0x2e8: {  	v54 =	vmov s0;
	v3 =	vmul.f32 v3, v60;
	v13 =	vadd.f32 v52, v7;
	[tilespmem:s1+$0xFD30] =	vst v12  }
0x2e9: {  	v2 =	vmul.f32 v46, v63;
	v0 =	vsub.f32 v51, v54;
	[tilespmem:s1+$0xFD40] =	vst v8;
	v1 =	vadd.f32 v1, v62  }
0x2ea: {  	v55 =	vmul.f32 v15, v61;
	v8 =	vsub.f32 v49, v54;
	[tilespmem:s1+$0xFD50] =	vst v13;
	v3 =	vadd.f32 v3, v5  }
0x2eb: {  	v9 =	vsub.f32 v50, v54;
	v2 =	vadd.f32 v2, v7;
	v0 =	vmul.f32 v0, v61;
	[tilespmem:s1+$0xFD60] =	vst v1  }
0x2ec: {  	v10 =	vsub.f32 v53, v54;
	v56 =	vmul.f32 v8, v59;
	v8 =	vadd.f32 v55, v6;
	[tilespmem:s1+$0xFD70] =	vst v3  }
0x2ed: {  	v3 =	vmul.f32 v9, v60;
	[tilespmem:s1+$0xFD90] =	vst v2;
	v0 =	vadd.f32 v0, v6  }
0x2ee: {  	v57 =	vmul.f32 v10, v63;
	[tilespmem:s1+$0xFD80] =	vst v8;
	v1 =	vadd.f32 v56, v62  }
.Ltmp4:
0x2ef: {  	v3 =	vadd.f32 v3, v5;
	[tilespmem:s1+$0xFDC0] =	vst v0;
	(pc) =	sbr.rel @p0 .LBB2_8-.Ltmp4, $4  }
0x2f0: {  	s28 =	smul.u32 $0x640, s13;
	v58 =	vadd.f32 v57, v7;
	[tilespmem:s1+$0xFDA0] =	vst v1  }
0x2f1: {  	s29 =	rddreg [dreg:$0x3];
	[tilespmem:s1+$0xFDB0] =	vst v3  }
0x2f2: {  	s30 =	simm.s32 $0x0;
	s31 =	simm.s32 $0xFD20;
	s0 =	sadd.s32 s29, s28;
	[tilespmem:s1+$0xFDD0] =	vst v58  }
0x2f3: {  	[hbm4b:s0+s30] =	stream.linear.scatter [tilespmem:s31], [sflag:$0x6], $0x3200, $0x38;
	[tilespmem:$0x12FA0] =	vst v63  }
0x2f4: {  	s0 =	simm.s32 $0x4  }
0x2f5: {  	_ =	swait.ge [sflag:s0], $0xC8  }
0x2f6: {  	[sflag:s0] =	ssyncset.done $0x0  }
0x2f7: {  	[sflag:s0] =	ssyncadd.s32 $0xFFFFFF38  }
0x2f8: {  	_ =	swait.ge [sflag:s0], $0xC8  }
0x2f9: {  	s22 =	simm.s32 $0x80;
	[sflag:s0] =	ssyncset.done $0x0  }
0x2fa: {  	s1 =	simm.s32 $0xC8;
	s2 =	simm.s32 $0x3520;
	[sflag:s0] =	ssyncadd.s32 $0xFFFFFF38  }
0x2fb: {  	[tilespmem:s2], [sflag:$0x2] =	stream.indirect.gather [hbm4b:s8+s22], $0x40, s1, s22, $0xb8;
	[tilespmem:$0x12FA0] =	vst v63  }
0x2fc: {  	s24 =	simm.s32 $0x258;
	s25 =	simm.s32 $0x9920  }
0x2fd: {  	[tilespmem:s25], [sflag:$0x2] =	stream.indirect.gather [hbm4b:s8+s22], $0x40, s24, s22, $0xb8;
	[tilespmem:$0x12FA0] =	vst v63  }
.Ltmp5:
0x2fe: {  	_ = 	snop;
	(pc) =	sbr.rel .LBB2_2-.Ltmp5, $4  }
0x2ff: {  	s26 =	simm.s32 $0x48;
	s28 =	simm.s32 $0x148;
	s29 =	simm.s32 $0x5520  }
0x300: {  	[tilespmem:s29], [sflag:$0x2] =	stream.indirect.gather [hbm4b:s8+s26], $0x40, s28, s26, $0xb8;
	[tilespmem:$0x12FA0] =	vst v63  }
0x301: {  	s30 =	simm.s32 $0x2D8;
	s31 =	simm.s32 $0xB920;
	s11 =	sadd.s32 $0x1, s11  }
0x302: {  	[tilespmem:s31], [sflag:$0x2] =	stream.indirect.gather [hbm4b:s8+s26], $0x40, s30, s26, $0xb8;
	[tilespmem:$0x12FA0] =	vst v63  }
.LBB2_9:
0x303: {  	_ =	sfence.sel $0x180000  }
0x304: {  	[bflag:$0x0] =	sbarrier.arrive $0xFFFF  }
0x305: {  	_ =	strace $0x90000047  }
0x306: {  	s0 =	stileid.u32;
	[bflag:$0x2] =	sbarrier.arrive $0xFFFF  }
0x307: {  	p0 =	sne.s32 s0, $0x0;
	s0 =	rddreg [dreg:$0x4]  }
0x308: {  	s0 =	sadd.s32 @!p0 $0x100000, s0  }
0x309: {  	[sflag:s0] =	ssyncadd.tile.s32 @!p0 $0x1;
	_ =	shalt  }
.Lfunc_end2:
_tile_overlayer_lowered:
.L_overlay_start_2:
0x30a: {  	(tag) =	ssettag $0x2  }
0x30b: {  	s0 =	rddreg [dreg:$0x0];
	s2 =	stileid.u32  }
0x30c: {  	s1 =	rddreg [dreg:$0x1];
	p0 =	sne.s32 s2, $0x0  }
0x30d: {  	s3 =	rddreg [dreg:$0x2];
	[bflag:$0x3] =	sbarrier.arrive $0xFFFF;
	s2 =	simm.s32 @!p0 $0x1C07  }
0x30e: {  	[timem:s3], [sflag:s2] =	dma.local @!p0 [hbm:s0], s1  }
0x30f: {  	s0 =	simm.s32 @!p0 $0x7  }
0x310: {  	_ =	swait.ge @!p0 [sflag:s0], s1  }
0x311: {  	s1 =	ssub.s32 @!p0 $0x0, s1;
	[sflag:s0] =	ssyncset.done @!p0 $0x0  }
0x312: {  	[sflag:s0] =	ssyncadd.s32 @!p0 s1  }
0x313: {  	[bflag:$0x3] =	sbarrier.arrive $0xFFFF  }
0x314: {  	_ =	shalt  }

// kernel: sparse-core-data-format-call.cloned.1.call-start
scs
called_computation_lowered:
.L_overlay_start_0:
0x0: {  	s2 =	sld [smem:$0x3FD9]  }
0x1: {  	s3 =	sld [smem:$0x3FFE];
	_ =	sdelay $0x1  }
0x2: {  	s1 =	srdreg.scid  }
0x3: {  	s0 =	sand.u32 $0x1, s1  }
0x4: {  	s15 =	sshll.u32 s0, $0xA;
	s2 =	sadd.s32 s3, s2  }
0x5: {  	s2 =	sadd.s32 s2, s15  }
0x6: {  	[smem:$0x3FC2] =	sst s2  }
0x7: {  	_ = 	snop  }
0x8: {  	s2 =	sld [smem:$0x3FD0];
	_ =	sdelay $0x2  }
0x9: {  	s16 =	simm.s32 $0xA;
	s4 =	simm.s32 $0x10  }
0xa: {  	[smem:s4], [sflag:s16] =	dma.local [hbm:s2], $0x1  }
0xb: {  	_ =	swait.eq [sflag:s16], $0x1  }
0xc: {  	[sflag:s16] =	ssyncset.done $0x0  }
0xd: {  	[sflag:s16] =	ssyncadd.s32 $0xFFFFFFFF  }
0xe: {  	s17 =	sld [smem:$0x10];
	(tm) =	ssettm $0x1  }
0xf: {  	s18 =	sld [smem:$0x3FFB];
	_ =	sdelay $0x3  }
0x10: {  	_ =	strace s18  }
0x11: {  	s3 =	sld [smem:$0x3FFC];
	_ =	sdelay $0x3  }
0x12: {  	_ =	strace s3  }
0x13: {  	s3 =	sld [smem:$0x3FFD];
	_ =	sdelay $0x3  }
0x14: {  	_ =	strace s3  }
0x15: {  	_ =	strace $0x8FFFFFFF  }
0x16: {  	s19 =	sld [smem:$0x3FDB];
	_ =	sdelay $0x1  }
0x17: {  	s20 =	simm.s32 $_scs_section_size  }
0x18: {  	s5 =	simm.s32 $_size__tile_overlayer_lowered;
	s6 =	simm.s32 $_tile_overlayer_lowered  }
0x19: {  	s23 =	simm.s32 $0x1BFF;
	s22 =	sshll.u32 s6, $0x1;
	s3 =	sadd.s32 s20, s19  }
0x1a: {  	s7 =	simm.s32 $0x0;
	s21 =	sshll.u32 s5, $0x1;
	s5 =	sadd.s32 s22, s3  }
0x1b: {  	[timem:s7], [sflag:s23] =	dma.local [hbm:s5], s21  }
0x1c: {  	_ =	swait.ge [sflag:s23], s21  }
0x1d: {  	s4 =	ssub.s32 $0x0, s21;
	[sflag:s23] =	ssyncset.done $0x0  }
0x1e: {  	[sflag:s23] =	ssyncadd.s32 s4;
	_ =	sdelay $0x1  }
0x1f: {  	s24 =	simm.s32 $0x1B8B  }
0x20: {  	_ =	swait.ge [sflag:s24], $0x1  }
0x21: {  	[sflag:s24] =	ssyncset.done $0x0  }
0x22: {  	s26 =	simm.s32 $0x1B8E;
	s25 =	sld [smem:$0x3FFE];
	[sflag:s24] =	ssyncadd.s32 $0xFFFFFFFF  }
0x23: {  	s27 =	simm.s32 $execute0_lowered;
	[smem:$0x3FD2] =	sst s26  }
0x24: {  	s5 =	sshll.u32 s27, $0x1;
	_ =	strace $0x80000049;
	[dreg:$0x1] =	wrdreg $0xFFFFFFFF  }
0x25: {  	s28 =	simm.s32 $_size_execute0_lowered;
	s3 =	sadd.s32 s3, s5;
	[dreg:$0x0] =	wrdreg $0x0  }
0x26: {  	s5 =	sshll.u32 s28, $0x1;
	[dreg:$0x2] =	wrdreg s3  }
0x27: {  	[dreg:$0x3] =	wrdreg s5  }
0x28: {  	[dreg:$0x4] =	wrdreg $0xC0  }
0x29: {  	_ =	task [dreg:s7], $0x5FFFF  }
0x2a: {  	[dreg:$0x1] =	wrdreg $0xFFFFFFFF  }
0x2b: {  	[dreg:$0x0] =	wrdreg $0x60  }
0x2c: {  	[dreg:$0x2] =	wrdreg s25  }
0x2d: {  	[dreg:$0x3] =	wrdreg s17  }
0x2e: {  	[dreg:$0x4] =	wrdreg $0x9  }
0x2f: {  	_ =	task.clear_ibuf [dreg:s7], $0x5FFFF;
	_ =	strace $0x90000049  }
0x30: {  	s29 =	simm.s32 $0x9;
	_ =	strace $0x8000004B  }
0x31: {  	_ =	swait.ge [sflag:s29], $0x1  }
0x32: {  	[sflag:s29] =	ssyncadd.s32 $0xFFFFFFFF  }
0x33: {  	_ =	strace $0x9000004B  }
0x34: {  	_ =	sfence  }
0x35: {  	s30 =	sld [smem:$0x0];
	_ =	sdelay $0x2  }
0x36: {  	s31 =	sshll.u32 s1, $0xD;
	s1 =	sshrl.u32 s1, $0x2  }
0x37: {  	s3 =	sand.u32 $0x4000, s31;
	s1 =	sadd.s32 s1, s30  }
0x38: {  	s0 =	sor.u32 s3, s0;
	s1 =	sshll.u32 s1, $0x11  }
0x39: {  	s0 =	sor.u32 s1, s0  }
0x3a: {  	s0 =	sadd.s32 $0x8F2B, s0  }
0x3b: {  	[sflag:s0] =	ssyncadd.remote.s32 $0x1  }
0x3c: {  	_ =	sfence.sel $0xFFFF  }
0x3d: {  	[dreg:$0x0] =	wrdreg $0xFFFFFFFF;
	(pc) =	sbr.abs _section_cstart, $3  }
0x3e: {  	[dreg:$0x1] =	wrdreg $0xFFFFFFFF  }
0x3f: {  	_ =	task.clear_ibuf [dreg:s7], $0x2FFFF;
	_ =	strace $0x9FFFFFFF  }
0x40: {  	(tm) =	ssettm $0x7FFFFFFF  }
0x41: {  	_ =	shalt  }
tec
execute0_lowered:
.L_overlay_start_1:
0x0: {  	(tag) =	ssettag $0x1  }
0x1: {  	s0 =	stileid.u32;
	s6 =	rddreg [dreg:$0x0]  }
0x2: {  	s2 =	rddreg [dreg:$0x1];
	s5 =	srdreg.scid  }
0x3: {  	s31 =	simm.s32 $0x2;
	s13 =	simm.s32 $0x0;
	s1 =	sshll.u32 s0, $0x7  }
0x4: {  	s14 =	simm.s32 $0x0;
	s12 =	simm.s32 $0x0;
	s3 =	sand.u32 $0x380, s1  }
0x5: {  	s5 =	sshll.u32 s5, $0x4;
	s6 =	sadd.s32 $0xE00, s6;
	s4 =	ssub.s32 $0x400, s3  }
0x6: {  	s1 =	rddreg [dreg:$0x2];
	_ =	strace $0x8000004A;
	s7 =	sand.u32 $0x380, s4  }
0x7: {  	s5 =	sand.u32 $0x10, s5;
	p0 =	sne.s32 s7, $0x0;
	s7 =	simm.s32 $0x1  }
.Ltmp0:
0x8: {  	s8 =	sshrl.u32 s4, $0xA;
	s7 =	simm.s32 @!p0 $0x0;
	(pc) =	sbr.rel .LBB1_1-.Ltmp0, $4  }
0x9: {  	s9 =	sor.u32 s0, s5;
	s4 =	simm.s32 $0x1;
	s30 =	sadd.s32 s7, s8  }
0xa: {  	s11 =	smov.u32 s3;
	[sflag:s4] =	ssyncpa.u1 $0x0;
	s5 =	smul.u32 $0x19, s30  }
0xb: {  	[sflag:s31] =	ssyncpa.u1 $0x0;
	p0 =	por $0x0, $0x0;
	s7 =	sshrl.u32 s9, $0x3  }
0xc: {  	s9 =	simm.s32 $0x2000;
	s10 =	smov.u32 s7;
	s8 =	sadd.s32 $0x1, s5  }
.LBB1_4:
0xd: {  	v5 =	vld [tilespmem:s18+$0xFFFFFFD0];
	[tilespmem:s17+$0x2040 ss:$0x81] =	vst.msk $0xffff, v1  }
0xe: {  	v58 =	vld [tilespmem:s18+$0xFFFFFFE0];
	[tilespmem:s17+$0x2850 ss:$0x81] =	vst.msk $0xffff, v2  }
0xf: {  	s19 =	sshra.s32 s19, $0x2;
	v59 =	vld [tilespmem:s18+$0xFFFFFFF0];
	[tilespmem:s17+$0x3060 ss:$0x81] =	vst.msk $0xffff, v3  }
0x10: {  	v60 =	vld [tilespmem:s18+$0x0];
	[tilespmem:s17+$0x0 ss:$0x81] =	vst.msk $0xffff, v0;
	s16 =	sadd.s32 s19, s16  }
0x11: {  	v61 =	vld [tilespmem:s18+$0x10];
	[tilespmem:s16+$0x3870 ss:$0x81] =	vst.msk $0xffff, v4  }
0x12: {  	v62 =	vld [tilespmem:s18+$0x20];
	[tilespmem:s16+$0x810 ss:$0x81] =	vst.msk $0xffff, v5  }
0x13: {  	v63 =	vld [tilespmem:s18+$0xFFFFFFC0];
	[tilespmem:s16+$0x1020 ss:$0x81] =	vst.msk $0xffff, v58  }
0x14: {  	[tilespmem:s16+$0x1830 ss:$0x81] =	vst.msk $0xffff, v59  }
0x15: {  	s29 =	sand.u32 $0x3F80, s14;
	s13 =	sshll.u32 s13, $0xE;
	[tilespmem:s16+$0x2040 ss:$0x81] =	vst.msk $0xffff, v60  }
0x16: {  	s30 =	sshrl.u32 s14, $0x3;
	s31 =	sand.u32 $0x7, s14;
	s17 =	sadd.s32 s2, s29;
	[tilespmem:s16+$0x2850 ss:$0x81] =	vst.msk $0xffff, v61  }
0x17: {  	s18 =	sand.u32 $0xF, s30;
	s14 =	sshll.u32 s31, $0x12;
	s13 =	sadd.s32 s13, s17;
	[tilespmem:s16+$0x3060 ss:$0x81] =	vst.msk $0xffff, v62  }
0x18: {  	s14 =	sor.u32 $0x400, s14;
	s13 =	sadd.s32 s18, s13;
	[tilespmem:s16+$0x0 ss:$0x81] =	vst.msk $0xffff, v63  }
0x19: {  	[hbm4b:s13+s14] =	stream.strided.scatter [tilespmem:s15], [sflag:$0x2], $0x4000, s9, s14, $0x20;
	[tilespmem:$0x10100] =	vst v63  }
.LBB1_5:
0x1a: {  	s15 =	sadd.s32 $0x4, s10  }
0x1b: {  	s13 =	sadd.s32 $0x400, s11;
	s17 =	smov.u32 s11;
	p2 =	sgt.s32 s15, $0x63  }
0x1c: {  	s17 =	smov.u32 @p2 s13  }
0x1d: {  	s15 =	smov.u32 @p2 s7;
	p2 =	sgt.s32 s17, $0x3FF  }
0x1e: {  	s17 =	smov.u32 @p2 s3;
	p2 =	sne.s32 s12, s8  }
.Ltmp1:
0x1f: {  	p1 =	slt.u32 s12, $0x2;
	(pc) =	sbr.rel @!p2 .LBB1_6-.Ltmp1, $4  }
0x20: {  	s16 =	simm.s32 @!p1 $0x2  }
0x21: {  	s14 =	smov.u32 s11;
	p0 =	por !p0, !p0;
	_ =	swait.ge @!p1 [sflag:s16], $0x4000  }
0x22: {  	s13 =	smov.u32 s10;
	[sflag:s16] =	ssyncset.done @!p1 $0x0;
	s10 =	smov.u32 s15  }
0x23: {  	s12 =	sadd.s32 $0x1, s12;
	[sflag:s16] =	ssyncadd.s32 @!p1 $0xFFFFC000;
	s11 =	smov.u32 s17  }
.LBB1_1:
0x24: {  	p1 =	sge.u32 s12, s5  }
0x25: {  	s15 =	sand.u32 @!p1 $0x1FFFFFF, s10  }
0x26: {  	s16 =	smulhi.u32 @!p1 $0x2762763, s15;
	_ =	sdelay $0x1  }
0x27: {  	s16 =	smul.u32 @!p1 $0x68, s16  }
0x28: {  	s17 =	sxor.u32 @!p1 $0xFFFFFFFF, s12;
	s18 =	smul.u32 @!p1 $0x680, s11  }
0x29: {  	s31 =	sadd.s32 $0xFFFFFFFF, s12;
	s17 =	sshll.u32 @!p1 s17, $0xE;
	s15 =	ssub.s32 @!p1 s15, s16  }
0x2a: {  	s16 =	sand.u32 @!p1 $0x4000, s17;
	s17 =	sadd.s32 @!p1 s6, s18;
	s15 =	sshll.u32 @!p1 s15, $0x4  }
0x2b: {  	s18 =	simm.s32 @!p1 $0x3400;
	s15 =	sadd.s32 @!p1 s15, s17;
	s17 =	simm.s32 @!p1 $0x80  }
0x2c: {  	[tilespmem:s16], [sflag:$0x1] =	stream.strided.gather @!p1 [hbm4b:s15+s17], $0x4000, s18, s17, $0x38;
	[tilespmem:$0x10100] =	vst v63  }
0x2d: {  	p1 =	sge.u32 s31, s5  }
.Ltmp2:
0x2e: {  	_ = 	snop;
	(pc) =	sbr.rel @p1 .LBB1_5-.Ltmp2, $1  }
0x2f: {  	_ =	sdelay $0x3  }
0x30: {  	s15 =	simm.s32 $0x1  }
0x31: {  	_ =	swait.ge [sflag:s4], $0x4000;
	s15 =	simm.s32 @!p0 $0x0  }
0x32: {  	[sflag:s4] =	ssyncset.done $0x0;
	s16 =	sshll.u32 s15, $0xE  }
0x33: {  	[sflag:s4] =	ssyncadd.s32 $0xFFFFC000;
	s18 =	sor.u32 $0x40, s16  }
0x34: {  	s15 =	smul.u32 $0x10200, s15;
	v0 =	vld [tilespmem:s18+$0x30]  }
0x35: {  	v3 =	vld [tilespmem:s18+$0xFFFFFFD0]  }
0x36: {  	s15 =	sshrl.u32 s15, $0x2;
	v4 =	vld [tilespmem:s18+$0xFFFFFFE0]  }
0x37: {  	v5 =	vld [tilespmem:s18+$0xFFFFFFF0];
	s16 =	sor.u32 $0x8000, s15  }
0x38: {  	s31 =	sand.u32 $0x1, s12;
	v1 =	vld [tilespmem:s18+$0x0];
	s17 =	sadd.s32 $0x0, s16  }
0x39: {  	v2 =	vld [tilespmem:s18+$0x10];
	s15 =	smul.u32 $0x10200, s31;
	[tilespmem:s17+$0x3870 ss:$0x81] =	vst.msk $0xffff, v0  }
0x3a: {  	[tilespmem:s17+$0x810 ss:$0x81] =	vst.msk $0xffff, v3;
	v3 =	vld [tilespmem:s18+$0x20]  }
0x3b: {  	s15 =	sshrl.u32 s15, $0x2;
	v0 =	vld [tilespmem:s18+$0xFFFFFFC0];
	[tilespmem:s17+$0x1020 ss:$0x81] =	vst.msk $0xffff, v4;
	s18 =	sadd.s32 $0x80, s18  }
0x3c: {  	s19 =	simm.s32 $0x4;
	s20 =	simm.s32 $0x8;
	s15 =	sor.u32 $0x8000, s15;
	[tilespmem:s17+$0x1830 ss:$0x81] =	vst.msk $0xffff, v5;
	v4 =	vld [tilespmem:s18+$0x30]  }
.LBB1_3:
0x3d: {  	p1 =	sne.s32 s20, $0x1FC;
	v5 =	vld [tilespmem:s18+$0xFFFFFFD0];
	[tilespmem:s17+$0x2040 ss:$0x81] =	vst.msk $0xffff, v1  }
0x3e: {  	v6 =	vld [tilespmem:s18+$0xFFFFFFE0];
	[tilespmem:s17+$0x2850 ss:$0x81] =	vst.msk $0xffff, v2  }
0x3f: {  	s21 =	sshra.s32 s19, $0x2;
	s19 =	smov.u32 s20;
	v7 =	vld [tilespmem:s18+$0xFFFFFFF0];
	[tilespmem:s17+$0x3060 ss:$0x81] =	vst.msk $0xffff, v3  }
.Ltmp3:
0x40: {  	v1 =	vld [tilespmem:s18+$0x0];
	[tilespmem:s17+$0x0 ss:$0x81] =	vst.msk $0xffff, v0;
	s17 =	sadd.s32 s21, s16;
	(pc) =	sbr.rel @p1 .LBB1_3-.Ltmp3, $4  }
0x41: {  	v2 =	vld [tilespmem:s18+$0x10];
	[tilespmem:s17+$0x3870 ss:$0x81] =	vst.msk $0xffff, v4  }
0x42: {  	[tilespmem:s17+$0x810 ss:$0x81] =	vst.msk $0xffff, v5;
	v3 =	vld [tilespmem:s18+$0x20]  }
0x43: {  	v0 =	vld [tilespmem:s18+$0xFFFFFFC0];
	[tilespmem:s17+$0x1020 ss:$0x81] =	vst.msk $0xffff, v6;
	s18 =	sadd.s32 $0x80, s18  }
0x44: {  	s20 =	sadd.s32 $0x4, s20;
	v4 =	vld [tilespmem:s18+$0x30];
	[tilespmem:s17+$0x1830 ss:$0x81] =	vst.msk $0xffff, v7  }
.Ltmp4:
0x45: {  	_ = 	snop;
	(pc) =	sbr.rel .LBB1_4-.Ltmp4, $1  }
0x46: {  	_ =	sdelay $0x3  }
.LBB1_6:
0x47: {  	_ =	sfence.sel $0x180000  }
0x48: {  	s2 =	simm.s32 $0x1;
	[bflag:$0x0] =	sbarrier.arrive $0xFFFF  }
0x49: {  	s31 =	simm.s32 $0x2;
	[sflag:s2] =	ssyncpa.u1 $0x1  }
0x4a: {  	[sflag:s31] =	ssyncpa.u1 $0x1  }
0x4b: {  	p0 =	sne.s32 s0, $0x0;
	_ =	strace $0x9000004A  }
0x4c: {  	s0 =	sadd.s32 @!p0 $0x100000, s1;
	[bflag:$0x2] =	sbarrier.arrive $0xFFFF  }
0x4d: {  	[sflag:s0] =	ssyncadd.tile.s32 @!p0 $0x1;
	_ =	shalt  }
.Lfunc_end1:
_tile_overlayer_lowered:
.L_overlay_start_2:
0x4e: {  	(tag) =	ssettag $0x2  }
0x4f: {  	s0 =	rddreg [dreg:$0x0];
	s2 =	stileid.u32  }
0x50: {  	s1 =	rddreg [dreg:$0x1];
	p0 =	sne.s32 s2, $0x0  }
0x51: {  	s3 =	rddreg [dreg:$0x2];
	[bflag:$0x3] =	sbarrier.arrive $0xFFFF;
	s2 =	simm.s32 @!p0 $0x1C01  }
0x52: {  	[timem:s3], [sflag:s2] =	dma.local @!p0 [hbm:s0], s1  }
0x53: {  	s0 =	simm.s32 @!p0 $0x1  }
0x54: {  	_ =	swait.ge @!p0 [sflag:s0], s1  }
0x55: {  	s1 =	ssub.s32 @!p0 $0x0, s1;
	[sflag:s0] =	ssyncset.done @!p0 $0x0  }
0x56: {  	[sflag:s0] =	ssyncadd.s32 @!p0 s1  }
0x57: {  	[bflag:$0x3] =	sbarrier.arrive $0xFFFF  }
0x58: {  	_ =	shalt  }

</sc_bundles>
